<compile_context>
chip_gen: v7x
topology: tpu7x:2x2x1
jax: 0.10.2.dev20260603
libtpu: 0.0.44.dev20260713+nightly
codegen_flags: <defaults>
</compile_context>

<pallas_src>
import jax
import jax.numpy as jnp
from jax import lax
from jax.experimental import pallas as pl
from jax.experimental.pallas import tpu as pltpu
from jax.experimental.pallas import tpu_sc as plsc

N = 10000
E = 320000
D = 128

NC = 2
NS = 16
NW = NC * NS
CHUNK = 80
NCHUNK = 128
EPT = NCHUNK * CHUNK
BLK = 8
NBLK = NCHUNK // BLK
NPAD = 10240
RPT = NPAD // NS

_mesh = plsc.VectorSubcoreMesh(core_axis_name="c", subcore_axis_name="s",
                               num_cores=NC, num_subcores=NS)


def _zero_buf(buf, nrows, ncols):
    zeros16 = jnp.zeros((16,), jnp.float32)

    def body(i, _):
        for j in range(ncols // 16):
            buf[i, pl.ds(j * 16, 16)] = zeros16
        return 0

    lax.fori_loop(0, nrows, body, 0)


def _deg_body(dst_hbm, deg_hbm, deg_sp, dst_v, ones_v):
    c = lax.axis_index("c")
    s = lax.axis_index("s")
    wid = c * NS + s

    _zero_buf(ones_v, CHUNK, 16)
    for z in range(RPT // CHUNK):
        pltpu.sync_copy(ones_v, deg_sp.at[pl.ds(s * RPT + z * CHUNK, CHUNK)])

    ones16 = jnp.ones((16,), jnp.float32)

    def ones_body(i, _):
        ones_v[i, :] = ones16
        return 0

    lax.fori_loop(0, CHUNK, ones_body, 0)
    plsc.subcore_barrier()

    def blk(q, _):
        q8 = pl.multiple_of(q * BLK, 8)
        pltpu.sync_copy(dst_hbm.at[wid].at[pl.ds(q8, BLK)], dst_v)
        for r in range(BLK):
            pltpu.sync_copy(ones_v, deg_sp.at[dst_v.at[r]], add=True)
        return 0

    lax.fori_loop(0, NBLK, blk, 0)
    plsc.subcore_barrier()

    pltpu.sync_copy(deg_sp.at[pl.ds(s * RPT, RPT)],
                    deg_hbm.at[c].at[pl.ds(s * RPT, RPT)])


_deg_call = pl.kernel(
    _deg_body,
    out_type=jax.ShapeDtypeStruct((NC, NPAD, 16), jnp.float32),
    mesh=_mesh,
    scratch_types=[
        pltpu.VMEM_SHARED((NPAD, 16), jnp.float32),
        pltpu.VMEM((BLK, CHUNK), jnp.int32),
        pltpu.VMEM((CHUNK, 16), jnp.float32),
    ],
)


SROWS = EPT // 128


def _agg_body(g_hbm, pk_hbm, out_hbm, acc_sp,
              slab, usrc0, usrc1, udst0, udst1, rows0, rows1, gs0, gs1):
    c = lax.axis_index("c")
    s = lax.axis_index("s")
    wid = c * NS + s

    usrc = (usrc0, usrc1)
    udst = (udst0, udst1)
    rows = (rows0, rows1)
    gsem = (gs0, gs1)

    _zero_buf(rows0, 128, D)
    for z in range(RPT // 128):
        pltpu.sync_copy(rows0, acc_sp.at[pl.ds(s * RPT + z * 128, 128)])

    pltpu.sync_copy(pk_hbm.at[wid], slab)
    plsc.subcore_barrier()

    def unpack(kr, b):
        for i in range(8):
            v = slab[kr, pl.ds(16 * i, 16)]
            usrc[b][pl.ds(16 * i, 16)] = lax.shift_right_logical(v, 14)
            udst[b][pl.ds(16 * i, 16)] = lax.bitwise_and(v, 16383)

    def pair(t, _):
        kr = 2 * t
        unpack(kr, 0)
        d0 = pltpu.async_copy(g_hbm.at[usrc[0]], rows[0], gsem[0])
        unpack(kr + 1, 1)
        d1 = pltpu.async_copy(g_hbm.at[usrc[1]], rows[1], gsem[1])
        d0.wait()
        d1.wait()
        pltpu.sync_copy(rows[0], acc_sp.at[udst[0]], add=True)
        pltpu.sync_copy(rows[1], acc_sp.at[udst[1]], add=True)
        return 0

    lax.fori_loop(0, SROWS // 2, pair, 0)
    plsc.subcore_barrier()

    pltpu.sync_copy(acc_sp.at[pl.ds(s * RPT, RPT)],
                    out_hbm.at[c].at[pl.ds(s * RPT, RPT)])


_agg_call = pl.kernel(
    _agg_body,
    out_type=jax.ShapeDtypeStruct((NC, NPAD, D), jnp.float32),
    mesh=_mesh,
    scratch_types=[
        pltpu.VMEM_SHARED((NPAD, D), jnp.float32),
        pltpu.VMEM((SROWS, 128), jnp.int32),
        pltpu.VMEM((128,), jnp.int32),
        pltpu.VMEM((128,), jnp.int32),
        pltpu.VMEM((128,), jnp.int32),
        pltpu.VMEM((128,), jnp.int32),
        pltpu.VMEM((128, D), jnp.float32),
        pltpu.VMEM((128, D), jnp.float32),
        pltpu.SemaphoreType.DMA,
        pltpu.SemaphoreType.DMA,
    ],
)


BR = 2000


def _dinv(dga_ref, dgb_ref):
    return lax.rsqrt(dga_ref[:, :1] + dgb_ref[:, :1] + 1.0)


def _k1_body(x_ref, w_ref, dga_ref, dgb_ref, g_ref):
    h = jnp.dot(x_ref[...], w_ref[...], preferred_element_type=jnp.float32)
    g_ref[...] = h * _dinv(dga_ref, dgb_ref)


def _k2_body(sa_ref, sb_ref, g1_ref, dga_ref, dgb_ref, b1_ref, w2_ref, g2_ref):
    dinv = _dinv(dga_ref, dgb_ref)
    y = (sa_ref[...] + sb_ref[...] + g1_ref[...]) * dinv + b1_ref[...]
    y = jnp.maximum(y, 0.0)
    g2_ref[...] = jnp.dot(y, w2_ref[...],
                          preferred_element_type=jnp.float32) * dinv


def _k3_body(sa_ref, sb_ref, g2_ref, dga_ref, dgb_ref, b2_ref, o_ref):
    o_ref[...] = ((sa_ref[...] + sb_ref[...] + g2_ref[...])
                  * _dinv(dga_ref, dgb_ref) + b2_ref[...])


def _row_spec(w):
    return pl.BlockSpec((BR, w), lambda i: (i, 0))


_full_mat = pl.BlockSpec((D, D), lambda i: (0, 0))
_full_vec = pl.BlockSpec((1, D), lambda i: (0, 0))

_k1_call = pl.pallas_call(
    _k1_body,
    grid=(N // BR,),
    in_specs=[_row_spec(D), _full_mat, _row_spec(16), _row_spec(16)],
    out_specs=_row_spec(D),
    out_shape=jax.ShapeDtypeStruct((N, D), jnp.float32),
)

_k2_call = pl.pallas_call(
    _k2_body,
    grid=(N // BR,),
    in_specs=[_row_spec(D), _row_spec(D), _row_spec(D), _row_spec(16),
              _row_spec(16), _full_vec, _full_mat],
    out_specs=_row_spec(D),
    out_shape=jax.ShapeDtypeStruct((N, D), jnp.float32),
)

_k3_call = pl.pallas_call(
    _k3_body,
    grid=(N // BR,),
    in_specs=[_row_spec(D), _row_spec(D), _row_spec(D), _row_spec(16),
              _row_spec(16), _full_vec],
    out_specs=_row_spec(D),
    out_shape=jax.ShapeDtypeStruct((N, D), jnp.float32),
)


def kernel(x, edge_index, W1, b1, W2, b2):
    pad = NW * EPT - E
    ar = jnp.arange(pad, dtype=jnp.int32)
    src = jnp.concatenate([edge_index[0], ar % N])
    dst = jnp.concatenate([edge_index[1], N + ar % (NPAD - N)])

    packed = ((src << 14) | dst).reshape(NW, SROWS, 128)
    src = src.reshape(NW, NCHUNK, CHUNK)
    dst = dst.reshape(NW, NCHUNK, CHUNK)

    deg = _deg_call(dst)
    dga, dgb = deg[0, :N], deg[1, :N]

    g1 = _k1_call(x, W1, dga, dgb)
    s1 = _agg_call(g1, packed)
    g2 = _k2_call(s1[0, :N], s1[1, :N], g1, dga, dgb, b1.reshape(1, D), W2)
    s2 = _agg_call(g2, packed)
    return _k3_call(s2[0, :N], s2[1, :N], g2, dga, dgb, b2.reshape(1, D))

# --- scband reference (transcript-rebuilt; emitter-appended) ---
"""Pipeline reference for scband-encoder-51513837748917 (READ-ONLY COPY).

The authoritative reference and input builder live on the scoring server;
editing this copy changes nothing except your own understanding.
"""

import jax, jax.numpy as jnp
import numpy as np

N = 10000
E = 320000
D_IN = 128
D_HID = 128
D_OUT = 128


def setup_inputs(seed: int = 0) -> dict:
    key = jax.random.key(seed)
    k1, k2, k3, k4, k5, k6 = jax.random.split(key, 6)
    x = jax.random.normal(k1, (N, D_IN), dtype=jnp.float32)
    edge_index = jax.random.randint(k2, (2, E), 0, N, dtype=jnp.int32)
    # glorot-style init for linear weights, zeros for bias (matches PyG GCNConv defaults)
    s1 = float(np.sqrt(6.0 / (D_IN + D_HID)))
    s2 = float(np.sqrt(6.0 / (D_HID + D_OUT)))
    W1 = jax.random.uniform(k3, (D_IN, D_HID), dtype=jnp.float32, minval=-s1, maxval=s1)
    b1 = jnp.zeros((D_HID,), dtype=jnp.float32)
    W2 = jax.random.uniform(k4, (D_HID, D_OUT), dtype=jnp.float32, minval=-s2, maxval=s2)
    b2 = jnp.zeros((D_OUT,), dtype=jnp.float32)
    return {"x": x, "edge_index": edge_index, "W1": W1, "b1": b1, "W2": W2, "b2": b2}


def _gcn_conv(x, edge_index, W, b):
    # GCNConv: out = D^{-1/2} (A + I) D^{-1/2} (X W) + b
    n = x.shape[0]
    self_loops = jnp.arange(n, dtype=edge_index.dtype)
    src = jnp.concatenate([edge_index[0], self_loops])
    dst = jnp.concatenate([edge_index[1], self_loops])
    deg = jnp.zeros((n,), dtype=x.dtype).at[dst].add(1.0)
    dinv = jnp.where(deg > 0, 1.0 / jnp.sqrt(deg), 0.0)
    norm = dinv[src] * dinv[dst]
    h = x @ W
    msg = h[src] * norm[:, None]
    out = jnp.zeros((n, W.shape[1]), dtype=x.dtype).at[dst].add(msg)
    return out + b


def reference(x, edge_index, W1, b1, W2, b2):
    h = jax.nn.relu(_gcn_conv(x, edge_index, W1, b1))
    out = _gcn_conv(h, edge_index, W2, b2)
    return out

if __name__ == "__main__":
    import jax
    _d = setup_inputs()
    print(jax.jit(kernel)(*tuple(_d.values())))

</pallas_src>

<mosaic_0001>
#map = affine_map<(d0, d1) -> (0, 0, 0)>
module attributes {stable_mosaic.version = 14 : i64} {
  func.func @_deg_body(%arg0: i32, %arg1: i32, %arg2: memref<32x128x80xi32, #tpu.memory_space<hbm>>, %arg3: memref<2x10240x16xf32, #tpu.memory_space<hbm>>, %arg4: memref<10240x16xf32, #tpu.memory_space<vmem_shared>>, %arg5: memref<8x80xi32, #tpu.memory_space<vmem>>, %arg6: memref<80x16xf32, #tpu.memory_space<vmem>>) attributes {dimension_semantics = [#tpu.dimension_semantics<core_parallel>, #tpu.dimension_semantics<subcore_parallel>], iteration_bounds = array<i64: 2, 16>, scalar_prefetch = 0 : i64, scratch_operands = 3 : i64, tpu.core_type = #tpu.core_type<sc_vector_subcore>, window_params = [{transform_indices = #map}, {transform_indices = #map}]} {
    %mul3A = arith.constant 16 : i32
    %mul3A_0 = arith.muli %arg0, %mul3A : i32
    %add3A = arith.addi %mul3A_0, %arg1 : i32
    %broadcast_in_dim3A = arith.constant 0.000000e+00 : f32
    %broadcast_in_dim3A_1 = vector.broadcast %broadcast_in_dim3A : f32 to vector<16xf32>
    %scan3A = arith.constant 0 : i32
    %scan3A_2 = arith.constant 0 : i32
    %scan3A_3 = arith.constant 80 : i32
    %scan3A_4 = arith.addi %scan3A_2, %scan3A_3 : i32
    %scan3A_5 = arith.constant 1 : i32
    %scan3A_6 = scf.for %scan3A_61 = %scan3A_2 to %scan3A_4 step %scan3A_5 iter_args(%scan3A_62 = %scan3A) -> (i32)  : i32 {
      %swap3A = arith.index_cast %scan3A_61 : i32 to index
      %swap3A_63 = arith.constant 0 : index
      %swap3A_64 = tpu.vector_load %arg6[%swap3A, %swap3A_63] {strides = array<i32>} : memref<80x16xf32, #tpu.memory_space<vmem>>, vector<1x16xf32>,
      %swap3A_65 = vector.shape_cast %swap3A_64 : vector<1x16xf32> to vector<16xf32>
      %swap3A_66 = vector.shape_cast %broadcast_in_dim3A_1 : vector<16xf32> to vector<1x16xf32>
      tpu.vector_store %arg6[%swap3A, %swap3A_63], %swap3A_66 {strides = array<i32>} : memref<80x16xf32, #tpu.memory_space<vmem>>, vector<1x16xf32>,
      %scan3A_67 = arith.constant 0 : i32
      scf.yield %scan3A_67 : i32
    }
    %scan3A_7 = arith.constant 80 : i32
    %mul3A_8 = arith.constant 640 : i32
    %mul3A_9 = arith.muli %arg1, %mul3A_8 : i32
    %add3A_10 = arith.constant 0 : i32
    %add3A_11 = arith.addi %mul3A_9, %add3A_10 : i32
    "tpu.region"() ({
      %run_scoped3A = tpu.sem_alloc : memref<!tpu.dma_semaphore, #tpu.memory_space<semaphore_mem>>
      %dma_start3A = arith.constant 0 : i32
      %dma_start3A_61 = tpu.memref_slice %arg4[%add3A_11, %dma_start3A] : memref<10240x16xf32, #tpu.memory_space<vmem_shared>> -> memref<80x16xf32, #tpu.memory_space<vmem_shared>>
      %dma_start3A_62 = arith.constant 0 : i32
      %dma_start3A_63 = tpu.memref_slice %arg4[%add3A_11, %dma_start3A_62] : memref<10240x16xf32, #tpu.memory_space<vmem_shared>> -> memref<80x16xf32, #tpu.memory_space<vmem_shared>>
      tpu.enqueue_dma source(%arg6 : memref<80x16xf32, #tpu.memory_space<vmem>>) target(%dma_start3A_63 : memref<80x16xf32, #tpu.memory_space<vmem_shared>>) target_semaphore(%run_scoped3A : memref<!tpu.dma_semaphore, #tpu.memory_space<semaphore_mem>>)
      %dma_wait3A = arith.constant 0 : i32
      %dma_wait3A_64 = tpu.memref_slice %arg4[%add3A_11, %dma_wait3A] : memref<10240x16xf32, #tpu.memory_space<vmem_shared>> -> memref<80x16xf32, #tpu.memory_space<vmem_shared>>
      %dma_wait3A_65 = arith.constant 0 : i32
      %dma_wait3A_66 = tpu.memref_slice %arg4[%add3A_11, %dma_wait3A_65] : memref<10240x16xf32, #tpu.memory_space<vmem_shared>> -> memref<80x16xf32, #tpu.memory_space<vmem_shared>>
      tpu.wait_dma2 semaphore(%run_scoped3A : memref<!tpu.dma_semaphore, #tpu.memory_space<semaphore_mem>>) src(%arg6 : memref<80x16xf32, #tpu.memory_space<vmem>>) dst(%dma_wait3A_66 : memref<80x16xf32, #tpu.memory_space<vmem_shared>>)
      tpu.yield
    }) : () -> ()
    %mul3A_12 = arith.constant 640 : i32
    %mul3A_13 = arith.muli %arg1, %mul3A_12 : i32
    %add3A_14 = arith.constant 80 : i32
    %add3A_15 = arith.addi %mul3A_13, %add3A_14 : i32
    "tpu.region"() ({
      %run_scoped3A = tpu.sem_alloc : memref<!tpu.dma_semaphore, #tpu.memory_space<semaphore_mem>>
      %dma_start3A = arith.constant 0 : i32
      %dma_start3A_61 = tpu.memref_slice %arg4[%add3A_15, %dma_start3A] : memref<10240x16xf32, #tpu.memory_space<vmem_shared>> -> memref<80x16xf32, #tpu.memory_space<vmem_shared>>
      %dma_start3A_62 = arith.constant 0 : i32
      %dma_start3A_63 = tpu.memref_slice %arg4[%add3A_15, %dma_start3A_62] : memref<10240x16xf32, #tpu.memory_space<vmem_shared>> -> memref<80x16xf32, #tpu.memory_space<vmem_shared>>
      tpu.enqueue_dma source(%arg6 : memref<80x16xf32, #tpu.memory_space<vmem>>) target(%dma_start3A_63 : memref<80x16xf32, #tpu.memory_space<vmem_shared>>) target_semaphore(%run_scoped3A : memref<!tpu.dma_semaphore, #tpu.memory_space<semaphore_mem>>)
      %dma_wait3A = arith.constant 0 : i32
      %dma_wait3A_64 = tpu.memref_slice %arg4[%add3A_15, %dma_wait3A] : memref<10240x16xf32, #tpu.memory_space<vmem_shared>> -> memref<80x16xf32, #tpu.memory_space<vmem_shared>>
      %dma_wait3A_65 = arith.constant 0 : i32
      %dma_wait3A_66 = tpu.memref_slice %arg4[%add3A_15, %dma_wait3A_65] : memref<10240x16xf32, #tpu.memory_space<vmem_shared>> -> memref<80x16xf32, #tpu.memory_space<vmem_shared>>
      tpu.wait_dma2 semaphore(%run_scoped3A : memref<!tpu.dma_semaphore, #tpu.memory_space<semaphore_mem>>) src(%arg6 : memref<80x16xf32, #tpu.memory_space<vmem>>) dst(%dma_wait3A_66 : memref<80x16xf32, #tpu.memory_space<vmem_shared>>)
      tpu.yield
    }) : () -> ()
    %mul3A_16 = arith.constant 640 : i32
    %mul3A_17 = arith.muli %arg1, %mul3A_16 : i32
    %add3A_18 = arith.constant 160 : i32
    %add3A_19 = arith.addi %mul3A_17, %add3A_18 : i32
    "tpu.region"() ({
      %run_scoped3A = tpu.sem_alloc : memref<!tpu.dma_semaphore, #tpu.memory_space<semaphore_mem>>
      %dma_start3A = arith.constant 0 : i32
      %dma_start3A_61 = tpu.memref_slice %arg4[%add3A_19, %dma_start3A] : memref<10240x16xf32, #tpu.memory_space<vmem_shared>> -> memref<80x16xf32, #tpu.memory_space<vmem_shared>>
      %dma_start3A_62 = arith.constant 0 : i32
      %dma_start3A_63 = tpu.memref_slice %arg4[%add3A_19, %dma_start3A_62] : memref<10240x16xf32, #tpu.memory_space<vmem_shared>> -> memref<80x16xf32, #tpu.memory_space<vmem_shared>>
      tpu.enqueue_dma source(%arg6 : memref<80x16xf32, #tpu.memory_space<vmem>>) target(%dma_start3A_63 : memref<80x16xf32, #tpu.memory_space<vmem_shared>>) target_semaphore(%run_scoped3A : memref<!tpu.dma_semaphore, #tpu.memory_space<semaphore_mem>>)
      %dma_wait3A = arith.constant 0 : i32
      %dma_wait3A_64 = tpu.memref_slice %arg4[%add3A_19, %dma_wait3A] : memref<10240x16xf32, #tpu.memory_space<vmem_shared>> -> memref<80x16xf32, #tpu.memory_space<vmem_shared>>
      %dma_wait3A_65 = arith.constant 0 : i32
      %dma_wait3A_66 = tpu.memref_slice %arg4[%add3A_19, %dma_wait3A_65] : memref<10240x16xf32, #tpu.memory_space<vmem_shared>> -> memref<80x16xf32, #tpu.memory_space<vmem_shared>>
      tpu.wait_dma2 semaphore(%run_scoped3A : memref<!tpu.dma_semaphore, #tpu.memory_space<semaphore_mem>>) src(%arg6 : memref<80x16xf32, #tpu.memory_space<vmem>>) dst(%dma_wait3A_66 : memref<80x16xf32, #tpu.memory_space<vmem_shared>>)
      tpu.yield
    }) : () -> ()
    %mul3A_20 = arith.constant 640 : i32
    %mul3A_21 = arith.muli %arg1, %mul3A_20 : i32
    %add3A_22 = arith.constant 240 : i32
    %add3A_23 = arith.addi %mul3A_21, %add3A_22 : i32
    "tpu.region"() ({
      %run_scoped3A = tpu.sem_alloc : memref<!tpu.dma_semaphore, #tpu.memory_space<semaphore_mem>>
      %dma_start3A = arith.constant 0 : i32
      %dma_start3A_61 = tpu.memref_slice %arg4[%add3A_23, %dma_start3A] : memref<10240x16xf32, #tpu.memory_space<vmem_shared>> -> memref<80x16xf32, #tpu.memory_space<vmem_shared>>
      %dma_start3A_62 = arith.constant 0 : i32
      %dma_start3A_63 = tpu.memref_slice %arg4[%add3A_23, %dma_start3A_62] : memref<10240x16xf32, #tpu.memory_space<vmem_shared>> -> memref<80x16xf32, #tpu.memory_space<vmem_shared>>
      tpu.enqueue_dma source(%arg6 : memref<80x16xf32, #tpu.memory_space<vmem>>) target(%dma_start3A_63 : memref<80x16xf32, #tpu.memory_space<vmem_shared>>) target_semaphore(%run_scoped3A : memref<!tpu.dma_semaphore, #tpu.memory_space<semaphore_mem>>)
      %dma_wait3A = arith.constant 0 : i32
      %dma_wait3A_64 = tpu.memref_slice %arg4[%add3A_23, %dma_wait3A] : memref<10240x16xf32, #tpu.memory_space<vmem_shared>> -> memref<80x16xf32, #tpu.memory_space<vmem_shared>>
      %dma_wait3A_65 = arith.constant 0 : i32
      %dma_wait3A_66 = tpu.memref_slice %arg4[%add3A_23, %dma_wait3A_65] : memref<10240x16xf32, #tpu.memory_space<vmem_shared>> -> memref<80x16xf32, #tpu.memory_space<vmem_shared>>
      tpu.wait_dma2 semaphore(%run_scoped3A : memref<!tpu.dma_semaphore, #tpu.memory_space<semaphore_mem>>) src(%arg6 : memref<80x16xf32, #tpu.memory_space<vmem>>) dst(%dma_wait3A_66 : memref<80x16xf32, #tpu.memory_space<vmem_shared>>)
      tpu.yield
    }) : () -> ()
    %mul3A_24 = arith.constant 640 : i32
    %mul3A_25 = arith.muli %arg1, %mul3A_24 : i32
    %add3A_26 = arith.constant 320 : i32
    %add3A_27 = arith.addi %mul3A_25, %add3A_26 : i32
    "tpu.region"() ({
      %run_scoped3A = tpu.sem_alloc : memref<!tpu.dma_semaphore, #tpu.memory_space<semaphore_mem>>
      %dma_start3A = arith.constant 0 : i32
      %dma_start3A_61 = tpu.memref_slice %arg4[%add3A_27, %dma_start3A] : memref<10240x16xf32, #tpu.memory_space<vmem_shared>> -> memref<80x16xf32, #tpu.memory_space<vmem_shared>>
      %dma_start3A_62 = arith.constant 0 : i32
      %dma_start3A_63 = tpu.memref_slice %arg4[%add3A_27, %dma_start3A_62] : memref<10240x16xf32, #tpu.memory_space<vmem_shared>> -> memref<80x16xf32, #tpu.memory_space<vmem_shared>>
      tpu.enqueue_dma source(%arg6 : memref<80x16xf32, #tpu.memory_space<vmem>>) target(%dma_start3A_63 : memref<80x16xf32, #tpu.memory_space<vmem_shared>>) target_semaphore(%run_scoped3A : memref<!tpu.dma_semaphore, #tpu.memory_space<semaphore_mem>>)
      %dma_wait3A = arith.constant 0 : i32
      %dma_wait3A_64 = tpu.memref_slice %arg4[%add3A_27, %dma_wait3A] : memref<10240x16xf32, #tpu.memory_space<vmem_shared>> -> memref<80x16xf32, #tpu.memory_space<vmem_shared>>
      %dma_wait3A_65 = arith.constant 0 : i32
      %dma_wait3A_66 = tpu.memref_slice %arg4[%add3A_27, %dma_wait3A_65] : memref<10240x16xf32, #tpu.memory_space<vmem_shared>> -> memref<80x16xf32, #tpu.memory_space<vmem_shared>>
      tpu.wait_dma2 semaphore(%run_scoped3A : memref<!tpu.dma_semaphore, #tpu.memory_space<semaphore_mem>>) src(%arg6 : memref<80x16xf32, #tpu.memory_space<vmem>>) dst(%dma_wait3A_66 : memref<80x16xf32, #tpu.memory_space<vmem_shared>>)
      tpu.yield
    }) : () -> ()
    %mul3A_28 = arith.constant 640 : i32
    %mul3A_29 = arith.muli %arg1, %mul3A_28 : i32
    %add3A_30 = arith.constant 400 : i32
    %add3A_31 = arith.addi %mul3A_29, %add3A_30 : i32
    "tpu.region"() ({
      %run_scoped3A = tpu.sem_alloc : memref<!tpu.dma_semaphore, #tpu.memory_space<semaphore_mem>>
      %dma_start3A = arith.constant 0 : i32
      %dma_start3A_61 = tpu.memref_slice %arg4[%add3A_31, %dma_start3A] : memref<10240x16xf32, #tpu.memory_space<vmem_shared>> -> memref<80x16xf32, #tpu.memory_space<vmem_shared>>
      %dma_start3A_62 = arith.constant 0 : i32
      %dma_start3A_63 = tpu.memref_slice %arg4[%add3A_31, %dma_start3A_62] : memref<10240x16xf32, #tpu.memory_space<vmem_shared>> -> memref<80x16xf32, #tpu.memory_space<vmem_shared>>
      tpu.enqueue_dma source(%arg6 : memref<80x16xf32, #tpu.memory_space<vmem>>) target(%dma_start3A_63 : memref<80x16xf32, #tpu.memory_space<vmem_shared>>) target_semaphore(%run_scoped3A : memref<!tpu.dma_semaphore, #tpu.memory_space<semaphore_mem>>)
      %dma_wait3A = arith.constant 0 : i32
      %dma_wait3A_64 = tpu.memref_slice %arg4[%add3A_31, %dma_wait3A] : memref<10240x16xf32, #tpu.memory_space<vmem_shared>> -> memref<80x16xf32, #tpu.memory_space<vmem_shared>>
      %dma_wait3A_65 = arith.constant 0 : i32
      %dma_wait3A_66 = tpu.memref_slice %arg4[%add3A_31, %dma_wait3A_65] : memref<10240x16xf32, #tpu.memory_space<vmem_shared>> -> memref<80x16xf32, #tpu.memory_space<vmem_shared>>
      tpu.wait_dma2 semaphore(%run_scoped3A : memref<!tpu.dma_semaphore, #tpu.memory_space<semaphore_mem>>) src(%arg6 : memref<80x16xf32, #tpu.memory_space<vmem>>) dst(%dma_wait3A_66 : memref<80x16xf32, #tpu.memory_space<vmem_shared>>)
      tpu.yield
    }) : () -> ()
    %mul3A_32 = arith.constant 640 : i32
    %mul3A_33 = arith.muli %arg1, %mul3A_32 : i32
    %add3A_34 = arith.constant 480 : i32
    %add3A_35 = arith.addi %mul3A_33, %add3A_34 : i32
    "tpu.region"() ({
      %run_scoped3A = tpu.sem_alloc : memref<!tpu.dma_semaphore, #tpu.memory_space<semaphore_mem>>
      %dma_start3A = arith.constant 0 : i32
      %dma_start3A_61 = tpu.memref_slice %arg4[%add3A_35, %dma_start3A] : memref<10240x16xf32, #tpu.memory_space<vmem_shared>> -> memref<80x16xf32, #tpu.memory_space<vmem_shared>>
      %dma_start3A_62 = arith.constant 0 : i32
      %dma_start3A_63 = tpu.memref_slice %arg4[%add3A_35, %dma_start3A_62] : memref<10240x16xf32, #tpu.memory_space<vmem_shared>> -> memref<80x16xf32, #tpu.memory_space<vmem_shared>>
      tpu.enqueue_dma source(%arg6 : memref<80x16xf32, #tpu.memory_space<vmem>>) target(%dma_start3A_63 : memref<80x16xf32, #tpu.memory_space<vmem_shared>>) target_semaphore(%run_scoped3A : memref<!tpu.dma_semaphore, #tpu.memory_space<semaphore_mem>>)
      %dma_wait3A = arith.constant 0 : i32
      %dma_wait3A_64 = tpu.memref_slice %arg4[%add3A_35, %dma_wait3A] : memref<10240x16xf32, #tpu.memory_space<vmem_shared>> -> memref<80x16xf32, #tpu.memory_space<vmem_shared>>
      %dma_wait3A_65 = arith.constant 0 : i32
      %dma_wait3A_66 = tpu.memref_slice %arg4[%add3A_35, %dma_wait3A_65] : memref<10240x16xf32, #tpu.memory_space<vmem_shared>> -> memref<80x16xf32, #tpu.memory_space<vmem_shared>>
      tpu.wait_dma2 semaphore(%run_scoped3A : memref<!tpu.dma_semaphore, #tpu.memory_space<semaphore_mem>>) src(%arg6 : memref<80x16xf32, #tpu.memory_space<vmem>>) dst(%dma_wait3A_66 : memref<80x16xf32, #tpu.memory_space<vmem_shared>>)
      tpu.yield
    }) : () -> ()
    %mul3A_36 = arith.constant 640 : i32
    %mul3A_37 = arith.muli %arg1, %mul3A_36 : i32
    %add3A_38 = arith.constant 560 : i32
    %add3A_39 = arith.addi %mul3A_37, %add3A_38 : i32
    "tpu.region"() ({
      %run_scoped3A = tpu.sem_alloc : memref<!tpu.dma_semaphore, #tpu.memory_space<semaphore_mem>>
      %dma_start3A = arith.constant 0 : i32
      %dma_start3A_61 = tpu.memref_slice %arg4[%add3A_39, %dma_start3A] : memref<10240x16xf32, #tpu.memory_space<vmem_shared>> -> memref<80x16xf32, #tpu.memory_space<vmem_shared>>
      %dma_start3A_62 = arith.constant 0 : i32
      %dma_start3A_63 = tpu.memref_slice %arg4[%add3A_39, %dma_start3A_62] : memref<10240x16xf32, #tpu.memory_space<vmem_shared>> -> memref<80x16xf32, #tpu.memory_space<vmem_shared>>
      tpu.enqueue_dma source(%arg6 : memref<80x16xf32, #tpu.memory_space<vmem>>) target(%dma_start3A_63 : memref<80x16xf32, #tpu.memory_space<vmem_shared>>) target_semaphore(%run_scoped3A : memref<!tpu.dma_semaphore, #tpu.memory_space<semaphore_mem>>)
      %dma_wait3A = arith.constant 0 : i32
      %dma_wait3A_64 = tpu.memref_slice %arg4[%add3A_39, %dma_wait3A] : memref<10240x16xf32, #tpu.memory_space<vmem_shared>> -> memref<80x16xf32, #tpu.memory_space<vmem_shared>>
      %dma_wait3A_65 = arith.constant 0 : i32
      %dma_wait3A_66 = tpu.memref_slice %arg4[%add3A_39, %dma_wait3A_65] : memref<10240x16xf32, #tpu.memory_space<vmem_shared>> -> memref<80x16xf32, #tpu.memory_space<vmem_shared>>
      tpu.wait_dma2 semaphore(%run_scoped3A : memref<!tpu.dma_semaphore, #tpu.memory_space<semaphore_mem>>) src(%arg6 : memref<80x16xf32, #tpu.memory_space<vmem>>) dst(%dma_wait3A_66 : memref<80x16xf32, #tpu.memory_space<vmem_shared>>)
      tpu.yield
    }) : () -> ()
    %broadcast_in_dim3A_40 = arith.constant 1.000000e+00 : f32
    %broadcast_in_dim3A_41 = vector.broadcast %broadcast_in_dim3A_40 : f32 to vector<16xf32>
    %scan3A_42 = arith.constant 0 : i32
    %scan3A_43 = arith.constant 0 : i32
    %scan3A_44 = arith.constant 80 : i32
    %scan3A_45 = arith.addi %scan3A_43, %scan3A_44 : i32
    %scan3A_46 = arith.constant 1 : i32
    %scan3A_47 = scf.for %scan3A_61 = %scan3A_43 to %scan3A_45 step %scan3A_46 iter_args(%scan3A_62 = %scan3A_42) -> (i32)  : i32 {
      %swap3A = arith.index_cast %scan3A_61 : i32 to index
      %swap3A_63 = arith.constant 0 : index
      %swap3A_64 = tpu.vector_load %arg6[%swap3A, %swap3A_63] {strides = array<i32>} : memref<80x16xf32, #tpu.memory_space<vmem>>, vector<1x16xf32>,
      %swap3A_65 = vector.shape_cast %swap3A_64 : vector<1x16xf32> to vector<16xf32>
      %swap3A_66 = vector.shape_cast %broadcast_in_dim3A_41 : vector<16xf32> to vector<1x16xf32>
      tpu.vector_store %arg6[%swap3A, %swap3A_63], %swap3A_66 {strides = array<i32>} : memref<80x16xf32, #tpu.memory_space<vmem>>, vector<1x16xf32>,
      %scan3A_67 = arith.constant 0 : i32
      scf.yield %scan3A_67 : i32
    }
    %scan3A_48 = arith.constant 80 : i32
    %barrier3A = arith.constant 0 : index
    tpu.barrier barrier_id(%barrier3A)
    %scan3A_49 = arith.constant 0 : i32
    %scan3A_50 = arith.constant 0 : i32
    %scan3A_51 = arith.constant 16 : i32
    %scan3A_52 = arith.addi %scan3A_50, %scan3A_51 : i32
    %scan3A_53 = arith.constant 1 : i32
    %scan3A_54 = scf.for %scan3A_61 = %scan3A_50 to %scan3A_52 step %scan3A_53 iter_args(%scan3A_62 = %scan3A_49) -> (i32)  : i32 {
      %mul3A_63 = arith.constant 8 : i32
      %mul3A_64 = arith.muli %scan3A_61, %mul3A_63 : i32
      %multiple_of3A = tpu.assume_multiple %mul3A_64, 8 : i32
      "tpu.region"() ({
        %run_scoped3A_73 = tpu.sem_alloc : memref<!tpu.dma_semaphore, #tpu.memory_space<semaphore_mem>>
        %dma_start3A = arith.constant 0 : i32
        %dma_start3A_74 = arith.constant 0 : i32
        %dma_start3A_75 = tpu.memref_slice %arg2[%add3A, %dma_start3A, %dma_start3A_74] : memref<32x128x80xi32, #tpu.memory_space<hbm>> -> memref<1x128x80xi32, #tpu.memory_space<hbm>>
        %dma_start3A_76 = tpu.memref_squeeze %dma_start3A_75 : memref<1x128x80xi32, #tpu.memory_space<hbm>> -> memref<128x80xi32, #tpu.memory_space<hbm>>
        %dma_start3A_77 = arith.constant 0 : i32
        %dma_start3A_78 = tpu.memref_slice %dma_start3A_76[%multiple_of3A, %dma_start3A_77] : memref<128x80xi32, #tpu.memory_space<hbm>> -> memref<8x80xi32, #tpu.memory_space<hbm>>
        %dma_start3A_79 = arith.constant 0 : i32
        %dma_start3A_80 = arith.constant 0 : i32
        %dma_start3A_81 = tpu.memref_slice %arg2[%add3A, %dma_start3A_79, %dma_start3A_80] : memref<32x128x80xi32, #tpu.memory_space<hbm>> -> memref<1x128x80xi32, #tpu.memory_space<hbm>>
        %dma_start3A_82 = tpu.memref_squeeze %dma_start3A_81 : memref<1x128x80xi32, #tpu.memory_space<hbm>> -> memref<128x80xi32, #tpu.memory_space<hbm>>
        %dma_start3A_83 = arith.constant 0 : i32
        %dma_start3A_84 = tpu.memref_slice %dma_start3A_82[%multiple_of3A, %dma_start3A_83] : memref<128x80xi32, #tpu.memory_space<hbm>> -> memref<8x80xi32, #tpu.memory_space<hbm>>
        tpu.enqueue_dma source(%dma_start3A_84 : memref<8x80xi32, #tpu.memory_space<hbm>>) target(%arg5 : memref<8x80xi32, #tpu.memory_space<vmem>>) target_semaphore(%run_scoped3A_73 : memref<!tpu.dma_semaphore, #tpu.memory_space<semaphore_mem>>)
        %dma_wait3A = arith.constant 0 : i32
        %dma_wait3A_85 = arith.constant 0 : i32
        %dma_wait3A_86 = tpu.memref_slice %arg2[%add3A, %dma_wait3A, %dma_wait3A_85] : memref<32x128x80xi32, #tpu.memory_space<hbm>> -> memref<1x128x80xi32, #tpu.memory_space<hbm>>
        %dma_wait3A_87 = tpu.memref_squeeze %dma_wait3A_86 : memref<1x128x80xi32, #tpu.memory_space<hbm>> -> memref<128x80xi32, #tpu.memory_space<hbm>>
        %dma_wait3A_88 = arith.constant 0 : i32
        %dma_wait3A_89 = tpu.memref_slice %dma_wait3A_87[%multiple_of3A, %dma_wait3A_88] : memref<128x80xi32, #tpu.memory_space<hbm>> -> memref<8x80xi32, #tpu.memory_space<hbm>>
        %dma_wait3A_90 = arith.constant 0 : i32
        %dma_wait3A_91 = arith.constant 0 : i32
        %dma_wait3A_92 = tpu.memref_slice %arg2[%add3A, %dma_wait3A_90, %dma_wait3A_91] : memref<32x128x80xi32, #tpu.memory_space<hbm>> -> memref<1x128x80xi32, #tpu.memory_space<hbm>>
        %dma_wait3A_93 = tpu.memref_squeeze %dma_wait3A_92 : memref<1x128x80xi32, #tpu.memory_space<hbm>> -> memref<128x80xi32, #tpu.memory_space<hbm>>
        %dma_wait3A_94 = arith.constant 0 : i32
        %dma_wait3A_95 = tpu.memref_slice %dma_wait3A_93[%multiple_of3A, %dma_wait3A_94] : memref<128x80xi32, #tpu.memory_space<hbm>> -> memref<8x80xi32, #tpu.memory_space<hbm>>
        tpu.wait_dma2 semaphore(%run_scoped3A_73 : memref<!tpu.dma_semaphore, #tpu.memory_space<semaphore_mem>>) src(%dma_wait3A_95 : memref<8x80xi32, #tpu.memory_space<hbm>>) dst(%arg5 : memref<8x80xi32, #tpu.memory_space<vmem>>)
        tpu.yield
      }) : () -> ()
      %run_scoped3A = arith.constant 0 : i32
      "tpu.region"() ({
        %run_scoped3A_73 = tpu.sem_alloc : memref<!tpu.dma_semaphore, #tpu.memory_space<semaphore_mem>>
        %dma_start3A = arith.constant 0 : i32
        %dma_start3A_74 = tpu.memref_slice %arg5[%run_scoped3A, %dma_start3A] : memref<8x80xi32, #tpu.memory_space<vmem>> -> memref<1x80xi32, #tpu.memory_space<vmem>>
        %dma_start3A_75 = tpu.memref_squeeze %dma_start3A_74 : memref<1x80xi32, #tpu.memory_space<vmem>> -> memref<80xi32, #tpu.memory_space<vmem>>
        %dma_start3A_76 = arith.constant 0 : i32
        %dma_start3A_77 = arith.constant 0 : i32
        %dma_start3A_78 = tpu.memref_slice %arg4[%dma_start3A_76, %dma_start3A_77] : memref<10240x16xf32, #tpu.memory_space<vmem_shared>> -> memref<10240x16xf32, #tpu.memory_space<vmem_shared>>
        tpu.enqueue_indirect_dma source(%arg6 : memref<80x16xf32, #tpu.memory_space<vmem>>) target(%dma_start3A_78 : memref<10240x16xf32, #tpu.memory_space<vmem_shared>>) offsets(%dma_start3A_75 : memref<80xi32, #tpu.memory_space<vmem>>) semaphore(%run_scoped3A_73 : memref<!tpu.dma_semaphore, #tpu.memory_space<semaphore_mem>>) {add = true}
        %dma_wait3A = arith.constant 0 : i32
        %dma_wait3A_79 = tpu.memref_slice %arg5[%run_scoped3A, %dma_wait3A] : memref<8x80xi32, #tpu.memory_space<vmem>> -> memref<1x80xi32, #tpu.memory_space<vmem>>
        %dma_wait3A_80 = tpu.memref_squeeze %dma_wait3A_79 : memref<1x80xi32, #tpu.memory_space<vmem>> -> memref<80xi32, #tpu.memory_space<vmem>>
        %dma_wait3A_81 = arith.constant 0 : i32
        %dma_wait3A_82 = arith.constant 0 : i32
        %dma_wait3A_83 = tpu.memref_slice %arg4[%dma_wait3A_81, %dma_wait3A_82] : memref<10240x16xf32, #tpu.memory_space<vmem_shared>> -> memref<10240x16xf32, #tpu.memory_space<vmem_shared>>
        tpu.wait_indirect_dma semaphore(%run_scoped3A_73 : memref<!tpu.dma_semaphore, #tpu.memory_space<semaphore_mem>>) src(%arg6 : memref<80x16xf32, #tpu.memory_space<vmem>>) dst(%dma_wait3A_83 : memref<10240x16xf32, #tpu.memory_space<vmem_shared>>)
        tpu.yield
      }) : () -> ()
      %run_scoped3A_65 = arith.constant 1 : i32
      "tpu.region"() ({
        %run_scoped3A_73 = tpu.sem_alloc : memref<!tpu.dma_semaphore, #tpu.memory_space<semaphore_mem>>
        %dma_start3A = arith.constant 0 : i32
        %dma_start3A_74 = tpu.memref_slice %arg5[%run_scoped3A_65, %dma_start3A] : memref<8x80xi32, #tpu.memory_space<vmem>> -> memref<1x80xi32, #tpu.memory_space<vmem>>
        %dma_start3A_75 = tpu.memref_squeeze %dma_start3A_74 : memref<1x80xi32, #tpu.memory_space<vmem>> -> memref<80xi32, #tpu.memory_space<vmem>>
        %dma_start3A_76 = arith.constant 0 : i32
        %dma_start3A_77 = arith.constant 0 : i32
        %dma_start3A_78 = tpu.memref_slice %arg4[%dma_start3A_76, %dma_start3A_77] : memref<10240x16xf32, #tpu.memory_space<vmem_shared>> -> memref<10240x16xf32, #tpu.memory_space<vmem_shared>>
        tpu.enqueue_indirect_dma source(%arg6 : memref<80x16xf32, #tpu.memory_space<vmem>>) target(%dma_start3A_78 : memref<10240x16xf32, #tpu.memory_space<vmem_shared>>) offsets(%dma_start3A_75 : memref<80xi32, #tpu.memory_space<vmem>>) semaphore(%run_scoped3A_73 : memref<!tpu.dma_semaphore, #tpu.memory_space<semaphore_mem>>) {add = true}
        %dma_wait3A = arith.constant 0 : i32
        %dma_wait3A_79 = tpu.memref_slice %arg5[%run_scoped3A_65, %dma_wait3A] : memref<8x80xi32, #tpu.memory_space<vmem>> -> memref<1x80xi32, #tpu.memory_space<vmem>>
        %dma_wait3A_80 = tpu.memref_squeeze %dma_wait3A_79 : memref<1x80xi32, #tpu.memory_space<vmem>> -> memref<80xi32, #tpu.memory_space<vmem>>
        %dma_wait3A_81 = arith.constant 0 : i32
        %dma_wait3A_82 = arith.constant 0 : i32
        %dma_wait3A_83 = tpu.memref_slice %arg4[%dma_wait3A_81, %dma_wait3A_82] : memref<10240x16xf32, #tpu.memory_space<vmem_shared>> -> memref<10240x16xf32, #tpu.memory_space<vmem_shared>>
        tpu.wait_indirect_dma semaphore(%run_scoped3A_73 : memref<!tpu.dma_semaphore, #tpu.memory_space<semaphore_mem>>) src(%arg6 : memref<80x16xf32, #tpu.memory_space<vmem>>) dst(%dma_wait3A_83 : memref<10240x16xf32, #tpu.memory_space<vmem_shared>>)
        tpu.yield
      }) : () -> ()
      %run_scoped3A_66 = arith.constant 2 : i32
      "tpu.region"() ({
        %run_scoped3A_73 = tpu.sem_alloc : memref<!tpu.dma_semaphore, #tpu.memory_space<semaphore_mem>>
        %dma_start3A = arith.constant 0 : i32
        %dma_start3A_74 = tpu.memref_slice %arg5[%run_scoped3A_66, %dma_start3A] : memref<8x80xi32, #tpu.memory_space<vmem>> -> memref<1x80xi32, #tpu.memory_space<vmem>>
        %dma_start3A_75 = tpu.memref_squeeze %dma_start3A_74 : memref<1x80xi32, #tpu.memory_space<vmem>> -> memref<80xi32, #tpu.memory_space<vmem>>
        %dma_start3A_76 = arith.constant 0 : i32
        %dma_start3A_77 = arith.constant 0 : i32
        %dma_start3A_78 = tpu.memref_slice %arg4[%dma_start3A_76, %dma_start3A_77] : memref<10240x16xf32, #tpu.memory_space<vmem_shared>> -> memref<10240x16xf32, #tpu.memory_space<vmem_shared>>
        tpu.enqueue_indirect_dma source(%arg6 : memref<80x16xf32, #tpu.memory_space<vmem>>) target(%dma_start3A_78 : memref<10240x16xf32, #tpu.memory_space<vmem_shared>>) offsets(%dma_start3A_75 : memref<80xi32, #tpu.memory_space<vmem>>) semaphore(%run_scoped3A_73 : memref<!tpu.dma_semaphore, #tpu.memory_space<semaphore_mem>>) {add = true}
        %dma_wait3A = arith.constant 0 : i32
        %dma_wait3A_79 = tpu.memref_slice %arg5[%run_scoped3A_66, %dma_wait3A] : memref<8x80xi32, #tpu.memory_space<vmem>> -> memref<1x80xi32, #tpu.memory_space<vmem>>
        %dma_wait3A_80 = tpu.memref_squeeze %dma_wait3A_79 : memref<1x80xi32, #tpu.memory_space<vmem>> -> memref<80xi32, #tpu.memory_space<vmem>>
        %dma_wait3A_81 = arith.constant 0 : i32
        %dma_wait3A_82 = arith.constant 0 : i32
        %dma_wait3A_83 = tpu.memref_slice %arg4[%dma_wait3A_81, %dma_wait3A_82] : memref<10240x16xf32, #tpu.memory_space<vmem_shared>> -> memref<10240x16xf32, #tpu.memory_space<vmem_shared>>
        tpu.wait_indirect_dma semaphore(%run_scoped3A_73 : memref<!tpu.dma_semaphore, #tpu.memory_space<semaphore_mem>>) src(%arg6 : memref<80x16xf32, #tpu.memory_space<vmem>>) dst(%dma_wait3A_83 : memref<10240x16xf32, #tpu.memory_space<vmem_shared>>)
        tpu.yield
      }) : () -> ()
      %run_scoped3A_67 = arith.constant 3 : i32
      "tpu.region"() ({
        %run_scoped3A_73 = tpu.sem_alloc : memref<!tpu.dma_semaphore, #tpu.memory_space<semaphore_mem>>
        %dma_start3A = arith.constant 0 : i32
        %dma_start3A_74 = tpu.memref_slice %arg5[%run_scoped3A_67, %dma_start3A] : memref<8x80xi32, #tpu.memory_space<vmem>> -> memref<1x80xi32, #tpu.memory_space<vmem>>
        %dma_start3A_75 = tpu.memref_squeeze %dma_start3A_74 : memref<1x80xi32, #tpu.memory_space<vmem>> -> memref<80xi32, #tpu.memory_space<vmem>>
        %dma_start3A_76 = arith.constant 0 : i32
        %dma_start3A_77 = arith.constant 0 : i32
        %dma_start3A_78 = tpu.memref_slice %arg4[%dma_start3A_76, %dma_start3A_77] : memref<10240x16xf32, #tpu.memory_space<vmem_shared>> -> memref<10240x16xf32, #tpu.memory_space<vmem_shared>>
        tpu.enqueue_indirect_dma source(%arg6 : memref<80x16xf32, #tpu.memory_space<vmem>>) target(%dma_start3A_78 : memref<10240x16xf32, #tpu.memory_space<vmem_shared>>) offsets(%dma_start3A_75 : memref<80xi32, #tpu.memory_space<vmem>>) semaphore(%run_scoped3A_73 : memref<!tpu.dma_semaphore, #tpu.memory_space<semaphore_mem>>) {add = true}
        %dma_wait3A = arith.constant 0 : i32
        %dma_wait3A_79 = tpu.memref_slice %arg5[%run_scoped3A_67, %dma_wait3A] : memref<8x80xi32, #tpu.memory_space<vmem>> -> memref<1x80xi32, #tpu.memory_space<vmem>>
        %dma_wait3A_80 = tpu.memref_squeeze %dma_wait3A_79 : memref<1x80xi32, #tpu.memory_space<vmem>> -> memref<80xi32, #tpu.memory_space<vmem>>
        %dma_wait3A_81 = arith.constant 0 : i32
        %dma_wait3A_82 = arith.constant 0 : i32
        %dma_wait3A_83 = tpu.memref_slice %arg4[%dma_wait3A_81, %dma_wait3A_82] : memref<10240x16xf32, #tpu.memory_space<vmem_shared>> -> memref<10240x16xf32, #tpu.memory_space<vmem_shared>>
        tpu.wait_indirect_dma semaphore(%run_scoped3A_73 : memref<!tpu.dma_semaphore, #tpu.memory_space<semaphore_mem>>) src(%arg6 : memref<80x16xf32, #tpu.memory_space<vmem>>) dst(%dma_wait3A_83 : memref<10240x16xf32, #tpu.memory_space<vmem_shared>>)
        tpu.yield
      }) : () -> ()
      %run_scoped3A_68 = arith.constant 4 : i32
      "tpu.region"() ({
        %run_scoped3A_73 = tpu.sem_alloc : memref<!tpu.dma_semaphore, #tpu.memory_space<semaphore_mem>>
        %dma_start3A = arith.constant 0 : i32
        %dma_start3A_74 = tpu.memref_slice %arg5[%run_scoped3A_68, %dma_start3A] : memref<8x80xi32, #tpu.memory_space<vmem>> -> memref<1x80xi32, #tpu.memory_space<vmem>>
        %dma_start3A_75 = tpu.memref_squeeze %dma_start3A_74 : memref<1x80xi32, #tpu.memory_space<vmem>> -> memref<80xi32, #tpu.memory_space<vmem>>
        %dma_start3A_76 = arith.constant 0 : i32
        %dma_start3A_77 = arith.constant 0 : i32
        %dma_start3A_78 = tpu.memref_slice %arg4[%dma_start3A_76, %dma_start3A_77] : memref<10240x16xf32, #tpu.memory_space<vmem_shared>> -> memref<10240x16xf32, #tpu.memory_space<vmem_shared>>
        tpu.enqueue_indirect_dma source(%arg6 : memref<80x16xf32, #tpu.memory_space<vmem>>) target(%dma_start3A_78 : memref<10240x16xf32, #tpu.memory_space<vmem_shared>>) offsets(%dma_start3A_75 : memref<80xi32, #tpu.memory_space<vmem>>) semaphore(%run_scoped3A_73 : memref<!tpu.dma_semaphore, #tpu.memory_space<semaphore_mem>>) {add = true}
        %dma_wait3A = arith.constant 0 : i32
        %dma_wait3A_79 = tpu.memref_slice %arg5[%run_scoped3A_68, %dma_wait3A] : memref<8x80xi32, #tpu.memory_space<vmem>> -> memref<1x80xi32, #tpu.memory_space<vmem>>
        %dma_wait3A_80 = tpu.memref_squeeze %dma_wait3A_79 : memref<1x80xi32, #tpu.memory_space<vmem>> -> memref<80xi32, #tpu.memory_space<vmem>>
        %dma_wait3A_81 = arith.constant 0 : i32
        %dma_wait3A_82 = arith.constant 0 : i32
        %dma_wait3A_83 = tpu.memref_slice %arg4[%dma_wait3A_81, %dma_wait3A_82] : memref<10240x16xf32, #tpu.memory_space<vmem_shared>> -> memref<10240x16xf32, #tpu.memory_space<vmem_shared>>
        tpu.wait_indirect_dma semaphore(%run_scoped3A_73 : memref<!tpu.dma_semaphore, #tpu.memory_space<semaphore_mem>>) src(%arg6 : memref<80x16xf32, #tpu.memory_space<vmem>>) dst(%dma_wait3A_83 : memref<10240x16xf32, #tpu.memory_space<vmem_shared>>)
        tpu.yield
      }) : () -> ()
      %run_scoped3A_69 = arith.constant 5 : i32
      "tpu.region"() ({
        %run_scoped3A_73 = tpu.sem_alloc : memref<!tpu.dma_semaphore, #tpu.memory_space<semaphore_mem>>
        %dma_start3A = arith.constant 0 : i32
        %dma_start3A_74 = tpu.memref_slice %arg5[%run_scoped3A_69, %dma_start3A] : memref<8x80xi32, #tpu.memory_space<vmem>> -> memref<1x80xi32, #tpu.memory_space<vmem>>
        %dma_start3A_75 = tpu.memref_squeeze %dma_start3A_74 : memref<1x80xi32, #tpu.memory_space<vmem>> -> memref<80xi32, #tpu.memory_space<vmem>>
        %dma_start3A_76 = arith.constant 0 : i32
        %dma_start3A_77 = arith.constant 0 : i32
        %dma_start3A_78 = tpu.memref_slice %arg4[%dma_start3A_76, %dma_start3A_77] : memref<10240x16xf32, #tpu.memory_space<vmem_shared>> -> memref<10240x16xf32, #tpu.memory_space<vmem_shared>>
        tpu.enqueue_indirect_dma source(%arg6 : memref<80x16xf32, #tpu.memory_space<vmem>>) target(%dma_start3A_78 : memref<10240x16xf32, #tpu.memory_space<vmem_shared>>) offsets(%dma_start3A_75 : memref<80xi32, #tpu.memory_space<vmem>>) semaphore(%run_scoped3A_73 : memref<!tpu.dma_semaphore, #tpu.memory_space<semaphore_mem>>) {add = true}
        %dma_wait3A = arith.constant 0 : i32
        %dma_wait3A_79 = tpu.memref_slice %arg5[%run_scoped3A_69, %dma_wait3A] : memref<8x80xi32, #tpu.memory_space<vmem>> -> memref<1x80xi32, #tpu.memory_space<vmem>>
        %dma_wait3A_80 = tpu.memref_squeeze %dma_wait3A_79 : memref<1x80xi32, #tpu.memory_space<vmem>> -> memref<80xi32, #tpu.memory_space<vmem>>
        %dma_wait3A_81 = arith.constant 0 : i32
        %dma_wait3A_82 = arith.constant 0 : i32
        %dma_wait3A_83 = tpu.memref_slice %arg4[%dma_wait3A_81, %dma_wait3A_82] : memref<10240x16xf32, #tpu.memory_space<vmem_shared>> -> memref<10240x16xf32, #tpu.memory_space<vmem_shared>>
        tpu.wait_indirect_dma semaphore(%run_scoped3A_73 : memref<!tpu.dma_semaphore, #tpu.memory_space<semaphore_mem>>) src(%arg6 : memref<80x16xf32, #tpu.memory_space<vmem>>) dst(%dma_wait3A_83 : memref<10240x16xf32, #tpu.memory_space<vmem_shared>>)
        tpu.yield
      }) : () -> ()
      %run_scoped3A_70 = arith.constant 6 : i32
      "tpu.region"() ({
        %run_scoped3A_73 = tpu.sem_alloc : memref<!tpu.dma_semaphore, #tpu.memory_space<semaphore_mem>>
        %dma_start3A = arith.constant 0 : i32
        %dma_start3A_74 = tpu.memref_slice %arg5[%run_scoped3A_70, %dma_start3A] : memref<8x80xi32, #tpu.memory_space<vmem>> -> memref<1x80xi32, #tpu.memory_space<vmem>>
        %dma_start3A_75 = tpu.memref_squeeze %dma_start3A_74 : memref<1x80xi32, #tpu.memory_space<vmem>> -> memref<80xi32, #tpu.memory_space<vmem>>
        %dma_start3A_76 = arith.constant 0 : i32
        %dma_start3A_77 = arith.constant 0 : i32
        %dma_start3A_78 = tpu.memref_slice %arg4[%dma_start3A_76, %dma_start3A_77] : memref<10240x16xf32, #tpu.memory_space<vmem_shared>> -> memref<10240x16xf32, #tpu.memory_space<vmem_shared>>
        tpu.enqueue_indirect_dma source(%arg6 : memref<80x16xf32, #tpu.memory_space<vmem>>) target(%dma_start3A_78 : memref<10240x16xf32, #tpu.memory_space<vmem_shared>>) offsets(%dma_start3A_75 : memref<80xi32, #tpu.memory_space<vmem>>) semaphore(%run_scoped3A_73 : memref<!tpu.dma_semaphore, #tpu.memory_space<semaphore_mem>>) {add = true}
        %dma_wait3A = arith.constant 0 : i32
        %dma_wait3A_79 = tpu.memref_slice %arg5[%run_scoped3A_70, %dma_wait3A] : memref<8x80xi32, #tpu.memory_space<vmem>> -> memref<1x80xi32, #tpu.memory_space<vmem>>
        %dma_wait3A_80 = tpu.memref_squeeze %dma_wait3A_79 : memref<1x80xi32, #tpu.memory_space<vmem>> -> memref<80xi32, #tpu.memory_space<vmem>>
        %dma_wait3A_81 = arith.constant 0 : i32
        %dma_wait3A_82 = arith.constant 0 : i32
        %dma_wait3A_83 = tpu.memref_slice %arg4[%dma_wait3A_81, %dma_wait3A_82] : memref<10240x16xf32, #tpu.memory_space<vmem_shared>> -> memref<10240x16xf32, #tpu.memory_space<vmem_shared>>
        tpu.wait_indirect_dma semaphore(%run_scoped3A_73 : memref<!tpu.dma_semaphore, #tpu.memory_space<semaphore_mem>>) src(%arg6 : memref<80x16xf32, #tpu.memory_space<vmem>>) dst(%dma_wait3A_83 : memref<10240x16xf32, #tpu.memory_space<vmem_shared>>)
        tpu.yield
      }) : () -> ()
      %run_scoped3A_71 = arith.constant 7 : i32
      "tpu.region"() ({
        %run_scoped3A_73 = tpu.sem_alloc : memref<!tpu.dma_semaphore, #tpu.memory_space<semaphore_mem>>
        %dma_start3A = arith.constant 0 : i32
        %dma_start3A_74 = tpu.memref_slice %arg5[%run_scoped3A_71, %dma_start3A] : memref<8x80xi32, #tpu.memory_space<vmem>> -> memref<1x80xi32, #tpu.memory_space<vmem>>
        %dma_start3A_75 = tpu.memref_squeeze %dma_start3A_74 : memref<1x80xi32, #tpu.memory_space<vmem>> -> memref<80xi32, #tpu.memory_space<vmem>>
        %dma_start3A_76 = arith.constant 0 : i32
        %dma_start3A_77 = arith.constant 0 : i32
        %dma_start3A_78 = tpu.memref_slice %arg4[%dma_start3A_76, %dma_start3A_77] : memref<10240x16xf32, #tpu.memory_space<vmem_shared>> -> memref<10240x16xf32, #tpu.memory_space<vmem_shared>>
        tpu.enqueue_indirect_dma source(%arg6 : memref<80x16xf32, #tpu.memory_space<vmem>>) target(%dma_start3A_78 : memref<10240x16xf32, #tpu.memory_space<vmem_shared>>) offsets(%dma_start3A_75 : memref<80xi32, #tpu.memory_space<vmem>>) semaphore(%run_scoped3A_73 : memref<!tpu.dma_semaphore, #tpu.memory_space<semaphore_mem>>) {add = true}
        %dma_wait3A = arith.constant 0 : i32
        %dma_wait3A_79 = tpu.memref_slice %arg5[%run_scoped3A_71, %dma_wait3A] : memref<8x80xi32, #tpu.memory_space<vmem>> -> memref<1x80xi32, #tpu.memory_space<vmem>>
        %dma_wait3A_80 = tpu.memref_squeeze %dma_wait3A_79 : memref<1x80xi32, #tpu.memory_space<vmem>> -> memref<80xi32, #tpu.memory_space<vmem>>
        %dma_wait3A_81 = arith.constant 0 : i32
        %dma_wait3A_82 = arith.constant 0 : i32
        %dma_wait3A_83 = tpu.memref_slice %arg4[%dma_wait3A_81, %dma_wait3A_82] : memref<10240x16xf32, #tpu.memory_space<vmem_shared>> -> memref<10240x16xf32, #tpu.memory_space<vmem_shared>>
        tpu.wait_indirect_dma semaphore(%run_scoped3A_73 : memref<!tpu.dma_semaphore, #tpu.memory_space<semaphore_mem>>) src(%arg6 : memref<80x16xf32, #tpu.memory_space<vmem>>) dst(%dma_wait3A_83 : memref<10240x16xf32, #tpu.memory_space<vmem_shared>>)
        tpu.yield
      }) : () -> ()
      %scan3A_72 = arith.constant 0 : i32
      scf.yield %scan3A_72 : i32
    }
    %scan3A_55 = arith.constant 16 : i32
    %barrier3A_56 = arith.constant 0 : index
    tpu.barrier barrier_id(%barrier3A_56)
    %mul3A_57 = arith.constant 640 : i32
    %mul3A_58 = arith.muli %arg1, %mul3A_57 : i32
    %mul3A_59 = arith.constant 640 : i32
    %mul3A_60 = arith.muli %arg1, %mul3A_59 : i32
    "tpu.region"() ({
      %run_scoped3A = tpu.sem_alloc : memref<!tpu.dma_semaphore, #tpu.memory_space<semaphore_mem>>
      %dma_start3A = arith.constant 0 : i32
      %dma_start3A_61 = arith.constant 0 : i32
      %dma_start3A_62 = tpu.memref_slice %arg3[%arg0, %dma_start3A, %dma_start3A_61] : memref<2x10240x16xf32, #tpu.memory_space<hbm>> -> memref<1x10240x16xf32, #tpu.memory_space<hbm>>
      %dma_start3A_63 = tpu.memref_squeeze %dma_start3A_62 : memref<1x10240x16xf32, #tpu.memory_space<hbm>> -> memref<10240x16xf32, #tpu.memory_space<hbm>>
      %dma_start3A_64 = arith.constant 0 : i32
      %dma_start3A_65 = tpu.memref_slice %dma_start3A_63[%mul3A_60, %dma_start3A_64] : memref<10240x16xf32, #tpu.memory_space<hbm>> -> memref<640x16xf32, #tpu.memory_space<hbm>>
      %dma_start3A_66 = arith.constant 0 : i32
      %dma_start3A_67 = tpu.memref_slice %arg4[%mul3A_58, %dma_start3A_66] : memref<10240x16xf32, #tpu.memory_space<vmem_shared>> -> memref<640x16xf32, #tpu.memory_space<vmem_shared>>
      tpu.enqueue_dma source(%dma_start3A_67 : memref<640x16xf32, #tpu.memory_space<vmem_shared>>) target(%dma_start3A_65 : memref<640x16xf32, #tpu.memory_space<hbm>>) target_semaphore(%run_scoped3A : memref<!tpu.dma_semaphore, #tpu.memory_space<semaphore_mem>>)
      %dma_wait3A = arith.constant 0 : i32
      %dma_wait3A_68 = arith.constant 0 : i32
      %dma_wait3A_69 = tpu.memref_slice %arg3[%arg0, %dma_wait3A, %dma_wait3A_68] : memref<2x10240x16xf32, #tpu.memory_space<hbm>> -> memref<1x10240x16xf32, #tpu.memory_space<hbm>>
      %dma_wait3A_70 = tpu.memref_squeeze %dma_wait3A_69 : memref<1x10240x16xf32, #tpu.memory_space<hbm>> -> memref<10240x16xf32, #tpu.memory_space<hbm>>
      %dma_wait3A_71 = arith.constant 0 : i32
      %dma_wait3A_72 = tpu.memref_slice %dma_wait3A_70[%mul3A_60, %dma_wait3A_71] : memref<10240x16xf32, #tpu.memory_space<hbm>> -> memref<640x16xf32, #tpu.memory_space<hbm>>
      %dma_wait3A_73 = arith.constant 0 : i32
      %dma_wait3A_74 = tpu.memref_slice %arg4[%mul3A_58, %dma_wait3A_73] : memref<10240x16xf32, #tpu.memory_space<vmem_shared>> -> memref<640x16xf32, #tpu.memory_space<vmem_shared>>
      tpu.wait_dma2 semaphore(%run_scoped3A : memref<!tpu.dma_semaphore, #tpu.memory_space<semaphore_mem>>) src(%dma_wait3A_74 : memref<640x16xf32, #tpu.memory_space<vmem_shared>>) dst(%dma_wait3A_72 : memref<640x16xf32, #tpu.memory_space<hbm>>)
      tpu.yield
    }) : () -> ()
    return
  }
}

#map = affine_map<(d0, d1) -> (0, 0)>
#map1 = affine_map<(d0, d1) -> (0, 0, 0)>
module attributes {stable_mosaic.version = 14 : i64} {
  func.func @_agg_body(%arg0: i32, %arg1: i32, %arg2: memref<10000x128xf32, #tpu.memory_space<hbm>>, %arg3: memref<32x80x128xi32, #tpu.memory_space<hbm>>, %arg4: memref<2x10240x128xf32, #tpu.memory_space<hbm>>, %arg5: memref<10240x128xf32, #tpu.memory_space<vmem_shared>>, %arg6: memref<80x128xi32, #tpu.memory_space<vmem>>, %arg7: memref<128xi32, #tpu.memory_space<vmem>>, %arg8: memref<128xi32, #tpu.memory_space<vmem>>, %arg9: memref<128xi32, #tpu.memory_space<vmem>>, %arg10: memref<128xi32, #tpu.memory_space<vmem>>, %arg11: memref<128x128xf32, #tpu.memory_space<vmem>>, %arg12: memref<128x128xf32, #tpu.memory_space<vmem>>, %arg13: memref<!tpu.dma_semaphore, #tpu.memory_space<semaphore_mem>>, %arg14: memref<!tpu.dma_semaphore, #tpu.memory_space<semaphore_mem>>) attributes {dimension_semantics = [#tpu.dimension_semantics<core_parallel>, #tpu.dimension_semantics<subcore_parallel>], iteration_bounds = array<i64: 2, 16>, scalar_prefetch = 0 : i64, scratch_operands = 10 : i64, tpu.core_type = #tpu.core_type<sc_vector_subcore>, window_params = [{transform_indices = #map}, {transform_indices = #map1}, {transform_indices = #map1}]} {
    %mul3A = arith.constant 16 : i32
    %mul3A_0 = arith.muli %arg0, %mul3A : i32
    %add3A = arith.addi %mul3A_0, %arg1 : i32
    %broadcast_in_dim3A = arith.constant 0.000000e+00 : f32
    %broadcast_in_dim3A_1 = vector.broadcast %broadcast_in_dim3A : f32 to vector<16xf32>
    %scan3A = arith.constant 0 : i32
    %scan3A_2 = arith.constant 0 : i32
    %scan3A_3 = arith.constant 128 : i32
    %scan3A_4 = arith.addi %scan3A_2, %scan3A_3 : i32
    %scan3A_5 = arith.constant 1 : i32
    %scan3A_6 = scf.for %scan3A_40 = %scan3A_2 to %scan3A_4 step %scan3A_5 iter_args(%scan3A_41 = %scan3A) -> (i32)  : i32 {
      %swap3A = arith.index_cast %scan3A_40 : i32 to index
      %swap3A_42 = arith.constant 0 : index
      %swap3A_43 = tpu.vector_load %arg11[%swap3A, %swap3A_42] {strides = array<i32>} : memref<128x128xf32, #tpu.memory_space<vmem>>, vector<1x16xf32>,
      %swap3A_44 = vector.shape_cast %swap3A_43 : vector<1x16xf32> to vector<16xf32>
      %swap3A_45 = vector.shape_cast %broadcast_in_dim3A_1 : vector<16xf32> to vector<1x16xf32>
      tpu.vector_store %arg11[%swap3A, %swap3A_42], %swap3A_45 {strides = array<i32>} : memref<128x128xf32, #tpu.memory_space<vmem>>, vector<1x16xf32>,
      %swap3A_46 = arith.index_cast %scan3A_40 : i32 to index
      %swap3A_47 = arith.constant 16 : index
      %swap3A_48 = tpu.vector_load %arg11[%swap3A_46, %swap3A_47] {strides = array<i32>} : memref<128x128xf32, #tpu.memory_space<vmem>>, vector<1x16xf32>,
      %swap3A_49 = vector.shape_cast %swap3A_48 : vector<1x16xf32> to vector<16xf32>
      %swap3A_50 = vector.shape_cast %broadcast_in_dim3A_1 : vector<16xf32> to vector<1x16xf32>
      tpu.vector_store %arg11[%swap3A_46, %swap3A_47], %swap3A_50 {strides = array<i32>} : memref<128x128xf32, #tpu.memory_space<vmem>>, vector<1x16xf32>,
      %swap3A_51 = arith.index_cast %scan3A_40 : i32 to index
      %swap3A_52 = arith.constant 32 : index
      %swap3A_53 = tpu.vector_load %arg11[%swap3A_51, %swap3A_52] {strides = array<i32>} : memref<128x128xf32, #tpu.memory_space<vmem>>, vector<1x16xf32>,
      %swap3A_54 = vector.shape_cast %swap3A_53 : vector<1x16xf32> to vector<16xf32>
      %swap3A_55 = vector.shape_cast %broadcast_in_dim3A_1 : vector<16xf32> to vector<1x16xf32>
      tpu.vector_store %arg11[%swap3A_51, %swap3A_52], %swap3A_55 {strides = array<i32>} : memref<128x128xf32, #tpu.memory_space<vmem>>, vector<1x16xf32>,
      %swap3A_56 = arith.index_cast %scan3A_40 : i32 to index
      %swap3A_57 = arith.constant 48 : index
      %swap3A_58 = tpu.vector_load %arg11[%swap3A_56, %swap3A_57] {strides = array<i32>} : memref<128x128xf32, #tpu.memory_space<vmem>>, vector<1x16xf32>,
      %swap3A_59 = vector.shape_cast %swap3A_58 : vector<1x16xf32> to vector<16xf32>
      %swap3A_60 = vector.shape_cast %broadcast_in_dim3A_1 : vector<16xf32> to vector<1x16xf32>
      tpu.vector_store %arg11[%swap3A_56, %swap3A_57], %swap3A_60 {strides = array<i32>} : memref<128x128xf32, #tpu.memory_space<vmem>>, vector<1x16xf32>,
      %swap3A_61 = arith.index_cast %scan3A_40 : i32 to index
      %swap3A_62 = arith.constant 64 : index
      %swap3A_63 = tpu.vector_load %arg11[%swap3A_61, %swap3A_62] {strides = array<i32>} : memref<128x128xf32, #tpu.memory_space<vmem>>, vector<1x16xf32>,
      %swap3A_64 = vector.shape_cast %swap3A_63 : vector<1x16xf32> to vector<16xf32>
      %swap3A_65 = vector.shape_cast %broadcast_in_dim3A_1 : vector<16xf32> to vector<1x16xf32>
      tpu.vector_store %arg11[%swap3A_61, %swap3A_62], %swap3A_65 {strides = array<i32>} : memref<128x128xf32, #tpu.memory_space<vmem>>, vector<1x16xf32>,
      %swap3A_66 = arith.index_cast %scan3A_40 : i32 to index
      %swap3A_67 = arith.constant 80 : index
      %swap3A_68 = tpu.vector_load %arg11[%swap3A_66, %swap3A_67] {strides = array<i32>} : memref<128x128xf32, #tpu.memory_space<vmem>>, vector<1x16xf32>,
      %swap3A_69 = vector.shape_cast %swap3A_68 : vector<1x16xf32> to vector<16xf32>
      %swap3A_70 = vector.shape_cast %broadcast_in_dim3A_1 : vector<16xf32> to vector<1x16xf32>
      tpu.vector_store %arg11[%swap3A_66, %swap3A_67], %swap3A_70 {strides = array<i32>} : memref<128x128xf32, #tpu.memory_space<vmem>>, vector<1x16xf32>,
      %swap3A_71 = arith.index_cast %scan3A_40 : i32 to index
      %swap3A_72 = arith.constant 96 : index
      %swap3A_73 = tpu.vector_load %arg11[%swap3A_71, %swap3A_72] {strides = array<i32>} : memref<128x128xf32, #tpu.memory_space<vmem>>, vector<1x16xf32>,
      %swap3A_74 = vector.shape_cast %swap3A_73 : vector<1x16xf32> to vector<16xf32>
      %swap3A_75 = vector.shape_cast %broadcast_in_dim3A_1 : vector<16xf32> to vector<1x16xf32>
      tpu.vector_store %arg11[%swap3A_71, %swap3A_72], %swap3A_75 {strides = array<i32>} : memref<128x128xf32, #tpu.memory_space<vmem>>, vector<1x16xf32>,
      %swap3A_76 = arith.index_cast %scan3A_40 : i32 to index
      %swap3A_77 = arith.constant 112 : index
      %swap3A_78 = tpu.vector_load %arg11[%swap3A_76, %swap3A_77] {strides = array<i32>} : memref<128x128xf32, #tpu.memory_space<vmem>>, vector<1x16xf32>,
      %swap3A_79 = vector.shape_cast %swap3A_78 : vector<1x16xf32> to vector<16xf32>
      %swap3A_80 = vector.shape_cast %broadcast_in_dim3A_1 : vector<16xf32> to vector<1x16xf32>
      tpu.vector_store %arg11[%swap3A_76, %swap3A_77], %swap3A_80 {strides = array<i32>} : memref<128x128xf32, #tpu.memory_space<vmem>>, vector<1x16xf32>,
      %scan3A_81 = arith.constant 0 : i32
      scf.yield %scan3A_81 : i32
    }
    %scan3A_7 = arith.constant 128 : i32
    %mul3A_8 = arith.constant 640 : i32
    %mul3A_9 = arith.muli %arg1, %mul3A_8 : i32
    %add3A_10 = arith.constant 0 : i32
    %add3A_11 = arith.addi %mul3A_9, %add3A_10 : i32
    "tpu.region"() ({
      %run_scoped3A = tpu.sem_alloc : memref<!tpu.dma_semaphore, #tpu.memory_space<semaphore_mem>>
      %dma_start3A = arith.constant 0 : i32
      %dma_start3A_40 = tpu.memref_slice %arg5[%add3A_11, %dma_start3A] : memref<10240x128xf32, #tpu.memory_space<vmem_shared>> -> memref<128x128xf32, #tpu.memory_space<vmem_shared>>
      %dma_start3A_41 = arith.constant 0 : i32
      %dma_start3A_42 = tpu.memref_slice %arg5[%add3A_11, %dma_start3A_41] : memref<10240x128xf32, #tpu.memory_space<vmem_shared>> -> memref<128x128xf32, #tpu.memory_space<vmem_shared>>
      tpu.enqueue_dma source(%arg11 : memref<128x128xf32, #tpu.memory_space<vmem>>) target(%dma_start3A_42 : memref<128x128xf32, #tpu.memory_space<vmem_shared>>) target_semaphore(%run_scoped3A : memref<!tpu.dma_semaphore, #tpu.memory_space<semaphore_mem>>)
      %dma_wait3A = arith.constant 0 : i32
      %dma_wait3A_43 = tpu.memref_slice %arg5[%add3A_11, %dma_wait3A] : memref<10240x128xf32, #tpu.memory_space<vmem_shared>> -> memref<128x128xf32, #tpu.memory_space<vmem_shared>>
      %dma_wait3A_44 = arith.constant 0 : i32
      %dma_wait3A_45 = tpu.memref_slice %arg5[%add3A_11, %dma_wait3A_44] : memref<10240x128xf32, #tpu.memory_space<vmem_shared>> -> memref<128x128xf32, #tpu.memory_space<vmem_shared>>
      tpu.wait_dma2 semaphore(%run_scoped3A : memref<!tpu.dma_semaphore, #tpu.memory_space<semaphore_mem>>) src(%arg11 : memref<128x128xf32, #tpu.memory_space<vmem>>) dst(%dma_wait3A_45 : memref<128x128xf32, #tpu.memory_space<vmem_shared>>)
      tpu.yield
    }) : () -> ()
    %mul3A_12 = arith.constant 640 : i32
    %mul3A_13 = arith.muli %arg1, %mul3A_12 : i32
    %add3A_14 = arith.constant 128 : i32
    %add3A_15 = arith.addi %mul3A_13, %add3A_14 : i32
    "tpu.region"() ({
      %run_scoped3A = tpu.sem_alloc : memref<!tpu.dma_semaphore, #tpu.memory_space<semaphore_mem>>
      %dma_start3A = arith.constant 0 : i32
      %dma_start3A_40 = tpu.memref_slice %arg5[%add3A_15, %dma_start3A] : memref<10240x128xf32, #tpu.memory_space<vmem_shared>> -> memref<128x128xf32, #tpu.memory_space<vmem_shared>>
      %dma_start3A_41 = arith.constant 0 : i32
      %dma_start3A_42 = tpu.memref_slice %arg5[%add3A_15, %dma_start3A_41] : memref<10240x128xf32, #tpu.memory_space<vmem_shared>> -> memref<128x128xf32, #tpu.memory_space<vmem_shared>>
      tpu.enqueue_dma source(%arg11 : memref<128x128xf32, #tpu.memory_space<vmem>>) target(%dma_start3A_42 : memref<128x128xf32, #tpu.memory_space<vmem_shared>>) target_semaphore(%run_scoped3A : memref<!tpu.dma_semaphore, #tpu.memory_space<semaphore_mem>>)
      %dma_wait3A = arith.constant 0 : i32
      %dma_wait3A_43 = tpu.memref_slice %arg5[%add3A_15, %dma_wait3A] : memref<10240x128xf32, #tpu.memory_space<vmem_shared>> -> memref<128x128xf32, #tpu.memory_space<vmem_shared>>
      %dma_wait3A_44 = arith.constant 0 : i32
      %dma_wait3A_45 = tpu.memref_slice %arg5[%add3A_15, %dma_wait3A_44] : memref<10240x128xf32, #tpu.memory_space<vmem_shared>> -> memref<128x128xf32, #tpu.memory_space<vmem_shared>>
      tpu.wait_dma2 semaphore(%run_scoped3A : memref<!tpu.dma_semaphore, #tpu.memory_space<semaphore_mem>>) src(%arg11 : memref<128x128xf32, #tpu.memory_space<vmem>>) dst(%dma_wait3A_45 : memref<128x128xf32, #tpu.memory_space<vmem_shared>>)
      tpu.yield
    }) : () -> ()
    %mul3A_16 = arith.constant 640 : i32
    %mul3A_17 = arith.muli %arg1, %mul3A_16 : i32
    %add3A_18 = arith.constant 256 : i32
    %add3A_19 = arith.addi %mul3A_17, %add3A_18 : i32
    "tpu.region"() ({
      %run_scoped3A = tpu.sem_alloc : memref<!tpu.dma_semaphore, #tpu.memory_space<semaphore_mem>>
      %dma_start3A = arith.constant 0 : i32
      %dma_start3A_40 = tpu.memref_slice %arg5[%add3A_19, %dma_start3A] : memref<10240x128xf32, #tpu.memory_space<vmem_shared>> -> memref<128x128xf32, #tpu.memory_space<vmem_shared>>
      %dma_start3A_41 = arith.constant 0 : i32
      %dma_start3A_42 = tpu.memref_slice %arg5[%add3A_19, %dma_start3A_41] : memref<10240x128xf32, #tpu.memory_space<vmem_shared>> -> memref<128x128xf32, #tpu.memory_space<vmem_shared>>
      tpu.enqueue_dma source(%arg11 : memref<128x128xf32, #tpu.memory_space<vmem>>) target(%dma_start3A_42 : memref<128x128xf32, #tpu.memory_space<vmem_shared>>) target_semaphore(%run_scoped3A : memref<!tpu.dma_semaphore, #tpu.memory_space<semaphore_mem>>)
      %dma_wait3A = arith.constant 0 : i32
      %dma_wait3A_43 = tpu.memref_slice %arg5[%add3A_19, %dma_wait3A] : memref<10240x128xf32, #tpu.memory_space<vmem_shared>> -> memref<128x128xf32, #tpu.memory_space<vmem_shared>>
      %dma_wait3A_44 = arith.constant 0 : i32
      %dma_wait3A_45 = tpu.memref_slice %arg5[%add3A_19, %dma_wait3A_44] : memref<10240x128xf32, #tpu.memory_space<vmem_shared>> -> memref<128x128xf32, #tpu.memory_space<vmem_shared>>
      tpu.wait_dma2 semaphore(%run_scoped3A : memref<!tpu.dma_semaphore, #tpu.memory_space<semaphore_mem>>) src(%arg11 : memref<128x128xf32, #tpu.memory_space<vmem>>) dst(%dma_wait3A_45 : memref<128x128xf32, #tpu.memory_space<vmem_shared>>)
      tpu.yield
    }) : () -> ()
    %mul3A_20 = arith.constant 640 : i32
    %mul3A_21 = arith.muli %arg1, %mul3A_20 : i32
    %add3A_22 = arith.constant 384 : i32
    %add3A_23 = arith.addi %mul3A_21, %add3A_22 : i32
    "tpu.region"() ({
      %run_scoped3A = tpu.sem_alloc : memref<!tpu.dma_semaphore, #tpu.memory_space<semaphore_mem>>
      %dma_start3A = arith.constant 0 : i32
      %dma_start3A_40 = tpu.memref_slice %arg5[%add3A_23, %dma_start3A] : memref<10240x128xf32, #tpu.memory_space<vmem_shared>> -> memref<128x128xf32, #tpu.memory_space<vmem_shared>>
      %dma_start3A_41 = arith.constant 0 : i32
      %dma_start3A_42 = tpu.memref_slice %arg5[%add3A_23, %dma_start3A_41] : memref<10240x128xf32, #tpu.memory_space<vmem_shared>> -> memref<128x128xf32, #tpu.memory_space<vmem_shared>>
      tpu.enqueue_dma source(%arg11 : memref<128x128xf32, #tpu.memory_space<vmem>>) target(%dma_start3A_42 : memref<128x128xf32, #tpu.memory_space<vmem_shared>>) target_semaphore(%run_scoped3A : memref<!tpu.dma_semaphore, #tpu.memory_space<semaphore_mem>>)
      %dma_wait3A = arith.constant 0 : i32
      %dma_wait3A_43 = tpu.memref_slice %arg5[%add3A_23, %dma_wait3A] : memref<10240x128xf32, #tpu.memory_space<vmem_shared>> -> memref<128x128xf32, #tpu.memory_space<vmem_shared>>
      %dma_wait3A_44 = arith.constant 0 : i32
      %dma_wait3A_45 = tpu.memref_slice %arg5[%add3A_23, %dma_wait3A_44] : memref<10240x128xf32, #tpu.memory_space<vmem_shared>> -> memref<128x128xf32, #tpu.memory_space<vmem_shared>>
      tpu.wait_dma2 semaphore(%run_scoped3A : memref<!tpu.dma_semaphore, #tpu.memory_space<semaphore_mem>>) src(%arg11 : memref<128x128xf32, #tpu.memory_space<vmem>>) dst(%dma_wait3A_45 : memref<128x128xf32, #tpu.memory_space<vmem_shared>>)
      tpu.yield
    }) : () -> ()
    %mul3A_24 = arith.constant 640 : i32
    %mul3A_25 = arith.muli %arg1, %mul3A_24 : i32
    %add3A_26 = arith.constant 512 : i32
    %add3A_27 = arith.addi %mul3A_25, %add3A_26 : i32
    "tpu.region"() ({
      %run_scoped3A = tpu.sem_alloc : memref<!tpu.dma_semaphore, #tpu.memory_space<semaphore_mem>>
      %dma_start3A = arith.constant 0 : i32
      %dma_start3A_40 = tpu.memref_slice %arg5[%add3A_27, %dma_start3A] : memref<10240x128xf32, #tpu.memory_space<vmem_shared>> -> memref<128x128xf32, #tpu.memory_space<vmem_shared>>
      %dma_start3A_41 = arith.constant 0 : i32
      %dma_start3A_42 = tpu.memref_slice %arg5[%add3A_27, %dma_start3A_41] : memref<10240x128xf32, #tpu.memory_space<vmem_shared>> -> memref<128x128xf32, #tpu.memory_space<vmem_shared>>
      tpu.enqueue_dma source(%arg11 : memref<128x128xf32, #tpu.memory_space<vmem>>) target(%dma_start3A_42 : memref<128x128xf32, #tpu.memory_space<vmem_shared>>) target_semaphore(%run_scoped3A : memref<!tpu.dma_semaphore, #tpu.memory_space<semaphore_mem>>)
      %dma_wait3A = arith.constant 0 : i32
      %dma_wait3A_43 = tpu.memref_slice %arg5[%add3A_27, %dma_wait3A] : memref<10240x128xf32, #tpu.memory_space<vmem_shared>> -> memref<128x128xf32, #tpu.memory_space<vmem_shared>>
      %dma_wait3A_44 = arith.constant 0 : i32
      %dma_wait3A_45 = tpu.memref_slice %arg5[%add3A_27, %dma_wait3A_44] : memref<10240x128xf32, #tpu.memory_space<vmem_shared>> -> memref<128x128xf32, #tpu.memory_space<vmem_shared>>
      tpu.wait_dma2 semaphore(%run_scoped3A : memref<!tpu.dma_semaphore, #tpu.memory_space<semaphore_mem>>) src(%arg11 : memref<128x128xf32, #tpu.memory_space<vmem>>) dst(%dma_wait3A_45 : memref<128x128xf32, #tpu.memory_space<vmem_shared>>)
      tpu.yield
    }) : () -> ()
    "tpu.region"() ({
      %run_scoped3A = tpu.sem_alloc : memref<!tpu.dma_semaphore, #tpu.memory_space<semaphore_mem>>
      %dma_start3A = arith.constant 0 : i32
      %dma_start3A_40 = arith.constant 0 : i32
      %dma_start3A_41 = tpu.memref_slice %arg3[%add3A, %dma_start3A, %dma_start3A_40] : memref<32x80x128xi32, #tpu.memory_space<hbm>> -> memref<1x80x128xi32, #tpu.memory_space<hbm>>
      %dma_start3A_42 = tpu.memref_squeeze %dma_start3A_41 : memref<1x80x128xi32, #tpu.memory_space<hbm>> -> memref<80x128xi32, #tpu.memory_space<hbm>>
      %dma_start3A_43 = arith.constant 0 : i32
      %dma_start3A_44 = arith.constant 0 : i32
      %dma_start3A_45 = tpu.memref_slice %arg3[%add3A, %dma_start3A_43, %dma_start3A_44] : memref<32x80x128xi32, #tpu.memory_space<hbm>> -> memref<1x80x128xi32, #tpu.memory_space<hbm>>
      %dma_start3A_46 = tpu.memref_squeeze %dma_start3A_45 : memref<1x80x128xi32, #tpu.memory_space<hbm>> -> memref<80x128xi32, #tpu.memory_space<hbm>>
      tpu.enqueue_dma source(%dma_start3A_46 : memref<80x128xi32, #tpu.memory_space<hbm>>) target(%arg6 : memref<80x128xi32, #tpu.memory_space<vmem>>) target_semaphore(%run_scoped3A : memref<!tpu.dma_semaphore, #tpu.memory_space<semaphore_mem>>)
      %dma_wait3A = arith.constant 0 : i32
      %dma_wait3A_47 = arith.constant 0 : i32
      %dma_wait3A_48 = tpu.memref_slice %arg3[%add3A, %dma_wait3A, %dma_wait3A_47] : memref<32x80x128xi32, #tpu.memory_space<hbm>> -> memref<1x80x128xi32, #tpu.memory_space<hbm>>
      %dma_wait3A_49 = tpu.memref_squeeze %dma_wait3A_48 : memref<1x80x128xi32, #tpu.memory_space<hbm>> -> memref<80x128xi32, #tpu.memory_space<hbm>>
      %dma_wait3A_50 = arith.constant 0 : i32
      %dma_wait3A_51 = arith.constant 0 : i32
      %dma_wait3A_52 = tpu.memref_slice %arg3[%add3A, %dma_wait3A_50, %dma_wait3A_51] : memref<32x80x128xi32, #tpu.memory_space<hbm>> -> memref<1x80x128xi32, #tpu.memory_space<hbm>>
      %dma_wait3A_53 = tpu.memref_squeeze %dma_wait3A_52 : memref<1x80x128xi32, #tpu.memory_space<hbm>> -> memref<80x128xi32, #tpu.memory_space<hbm>>
      tpu.wait_dma2 semaphore(%run_scoped3A : memref<!tpu.dma_semaphore, #tpu.memory_space<semaphore_mem>>) src(%dma_wait3A_53 : memref<80x128xi32, #tpu.memory_space<hbm>>) dst(%arg6 : memref<80x128xi32, #tpu.memory_space<vmem>>)
      tpu.yield
    }) : () -> ()
    %barrier3A = arith.constant 0 : index
    tpu.barrier barrier_id(%barrier3A)
    %scan3A_28 = arith.constant 0 : i32
    %scan3A_29 = arith.constant 0 : i32
    %scan3A_30 = arith.constant 40 : i32
    %scan3A_31 = arith.addi %scan3A_29, %scan3A_30 : i32
    %scan3A_32 = arith.constant 1 : i32
    %scan3A_33 = scf.for %scan3A_40 = %scan3A_29 to %scan3A_31 step %scan3A_32 iter_args(%scan3A_41 = %scan3A_28) -> (i32)  : i32 {
      %mul3A_42 = arith.constant 2 : i32
      %mul3A_43 = arith.muli %mul3A_42, %scan3A_40 : i32
      %get3A = arith.index_cast %mul3A_43 : i32 to index
      %get3A_44 = arith.constant 0 : index
      %get3A_45 = tpu.vector_load %arg6[%get3A, %get3A_44] {strides = array<i32>} : memref<80x128xi32, #tpu.memory_space<vmem>>, vector<1x16xi32>,
      %get3A_46 = vector.shape_cast %get3A_45 : vector<1x16xi32> to vector<16xi32>
      %shift_right_logical3A = arith.constant 14 : i32
      %shift_right_logical3A_47 = vector.broadcast %shift_right_logical3A : i32 to vector<16xi32>
      %shift_right_logical3A_48 = arith.shrui %get3A_46, %shift_right_logical3A_47 : vector<16xi32>
      %swap3A = arith.constant 0 : index
      %swap3A_49 = tpu.vector_load %arg7[%swap3A] {strides = array<i32>} : memref<128xi32, #tpu.memory_space<vmem>>, vector<16xi32>,
      %swap3A_50 = vector.shape_cast %swap3A_49 : vector<16xi32> to vector<16xi32>
      %swap3A_51 = vector.shape_cast %shift_right_logical3A_48 : vector<16xi32> to vector<16xi32>
      tpu.vector_store %arg7[%swap3A], %swap3A_51 {strides = array<i32>} : memref<128xi32, #tpu.memory_space<vmem>>, vector<16xi32>,
      %and3A = arith.constant 16383 : i32
      %and3A_52 = vector.broadcast %and3A : i32 to vector<16xi32>
      %and3A_53 = arith.andi %get3A_46, %and3A_52 : vector<16xi32>
      %swap3A_54 = arith.constant 0 : index
      %swap3A_55 = tpu.vector_load %arg9[%swap3A_54] {strides = array<i32>} : memref<128xi32, #tpu.memory_space<vmem>>, vector<16xi32>,
      %swap3A_56 = vector.shape_cast %swap3A_55 : vector<16xi32> to vector<16xi32>
      %swap3A_57 = vector.shape_cast %and3A_53 : vector<16xi32> to vector<16xi32>
      tpu.vector_store %arg9[%swap3A_54], %swap3A_57 {strides = array<i32>} : memref<128xi32, #tpu.memory_space<vmem>>, vector<16xi32>,
      %get3A_58 = arith.index_cast %mul3A_43 : i32 to index
      %get3A_59 = arith.constant 16 : index
      %get3A_60 = tpu.vector_load %arg6[%get3A_58, %get3A_59] {strides = array<i32>} : memref<80x128xi32, #tpu.memory_space<vmem>>, vector<1x16xi32>,
      %get3A_61 = vector.shape_cast %get3A_60 : vector<1x16xi32> to vector<16xi32>
      %shift_right_logical3A_62 = arith.constant 14 : i32
      %shift_right_logical3A_63 = vector.broadcast %shift_right_logical3A_62 : i32 to vector<16xi32>
      %shift_right_logical3A_64 = arith.shrui %get3A_61, %shift_right_logical3A_63 : vector<16xi32>
      %swap3A_65 = arith.constant 16 : index
      %swap3A_66 = tpu.vector_load %arg7[%swap3A_65] {strides = array<i32>} : memref<128xi32, #tpu.memory_space<vmem>>, vector<16xi32>,
      %swap3A_67 = vector.shape_cast %swap3A_66 : vector<16xi32> to vector<16xi32>
      %swap3A_68 = vector.shape_cast %shift_right_logical3A_64 : vector<16xi32> to vector<16xi32>
      tpu.vector_store %arg7[%swap3A_65], %swap3A_68 {strides = array<i32>} : memref<128xi32, #tpu.memory_space<vmem>>, vector<16xi32>,
      %and3A_69 = arith.constant 16383 : i32
      %and3A_70 = vector.broadcast %and3A_69 : i32 to vector<16xi32>
      %and3A_71 = arith.andi %get3A_61, %and3A_70 : vector<16xi32>
      %swap3A_72 = arith.constant 16 : index
      %swap3A_73 = tpu.vector_load %arg9[%swap3A_72] {strides = array<i32>} : memref<128xi32, #tpu.memory_space<vmem>>, vector<16xi32>,
      %swap3A_74 = vector.shape_cast %swap3A_73 : vector<16xi32> to vector<16xi32>
      %swap3A_75 = vector.shape_cast %and3A_71 : vector<16xi32> to vector<16xi32>
      tpu.vector_store %arg9[%swap3A_72], %swap3A_75 {strides = array<i32>} : memref<128xi32, #tpu.memory_space<vmem>>, vector<16xi32>,
      %get3A_76 = arith.index_cast %mul3A_43 : i32 to index
      %get3A_77 = arith.constant 32 : index
      %get3A_78 = tpu.vector_load %arg6[%get3A_76, %get3A_77] {strides = array<i32>} : memref<80x128xi32, #tpu.memory_space<vmem>>, vector<1x16xi32>,
      %get3A_79 = vector.shape_cast %get3A_78 : vector<1x16xi32> to vector<16xi32>
      %shift_right_logical3A_80 = arith.constant 14 : i32
      %shift_right_logical3A_81 = vector.broadcast %shift_right_logical3A_80 : i32 to vector<16xi32>
      %shift_right_logical3A_82 = arith.shrui %get3A_79, %shift_right_logical3A_81 : vector<16xi32>
      %swap3A_83 = arith.constant 32 : index
      %swap3A_84 = tpu.vector_load %arg7[%swap3A_83] {strides = array<i32>} : memref<128xi32, #tpu.memory_space<vmem>>, vector<16xi32>,
      %swap3A_85 = vector.shape_cast %swap3A_84 : vector<16xi32> to vector<16xi32>
      %swap3A_86 = vector.shape_cast %shift_right_logical3A_82 : vector<16xi32> to vector<16xi32>
      tpu.vector_store %arg7[%swap3A_83], %swap3A_86 {strides = array<i32>} : memref<128xi32, #tpu.memory_space<vmem>>, vector<16xi32>,
      %and3A_87 = arith.constant 16383 : i32
      %and3A_88 = vector.broadcast %and3A_87 : i32 to vector<16xi32>
      %and3A_89 = arith.andi %get3A_79, %and3A_88 : vector<16xi32>
      %swap3A_90 = arith.constant 32 : index
      %swap3A_91 = tpu.vector_load %arg9[%swap3A_90] {strides = array<i32>} : memref<128xi32, #tpu.memory_space<vmem>>, vector<16xi32>,
      %swap3A_92 = vector.shape_cast %swap3A_91 : vector<16xi32> to vector<16xi32>
      %swap3A_93 = vector.shape_cast %and3A_89 : vector<16xi32> to vector<16xi32>
      tpu.vector_store %arg9[%swap3A_90], %swap3A_93 {strides = array<i32>} : memref<128xi32, #tpu.memory_space<vmem>>, vector<16xi32>,
      %get3A_94 = arith.index_cast %mul3A_43 : i32 to index
      %get3A_95 = arith.constant 48 : index
      %get3A_96 = tpu.vector_load %arg6[%get3A_94, %get3A_95] {strides = array<i32>} : memref<80x128xi32, #tpu.memory_space<vmem>>, vector<1x16xi32>,
      %get3A_97 = vector.shape_cast %get3A_96 : vector<1x16xi32> to vector<16xi32>
      %shift_right_logical3A_98 = arith.constant 14 : i32
      %shift_right_logical3A_99 = vector.broadcast %shift_right_logical3A_98 : i32 to vector<16xi32>
      %shift_right_logical3A_100 = arith.shrui %get3A_97, %shift_right_logical3A_99 : vector<16xi32>
      %swap3A_101 = arith.constant 48 : index
      %swap3A_102 = tpu.vector_load %arg7[%swap3A_101] {strides = array<i32>} : memref<128xi32, #tpu.memory_space<vmem>>, vector<16xi32>,
      %swap3A_103 = vector.shape_cast %swap3A_102 : vector<16xi32> to vector<16xi32>
      %swap3A_104 = vector.shape_cast %shift_right_logical3A_100 : vector<16xi32> to vector<16xi32>
      tpu.vector_store %arg7[%swap3A_101], %swap3A_104 {strides = array<i32>} : memref<128xi32, #tpu.memory_space<vmem>>, vector<16xi32>,
      %and3A_105 = arith.constant 16383 : i32
      %and3A_106 = vector.broadcast %and3A_105 : i32 to vector<16xi32>
      %and3A_107 = arith.andi %get3A_97, %and3A_106 : vector<16xi32>
      %swap3A_108 = arith.constant 48 : index
      %swap3A_109 = tpu.vector_load %arg9[%swap3A_108] {strides = array<i32>} : memref<128xi32, #tpu.memory_space<vmem>>, vector<16xi32>,
      %swap3A_110 = vector.shape_cast %swap3A_109 : vector<16xi32> to vector<16xi32>
      %swap3A_111 = vector.shape_cast %and3A_107 : vector<16xi32> to vector<16xi32>
      tpu.vector_store %arg9[%swap3A_108], %swap3A_111 {strides = array<i32>} : memref<128xi32, #tpu.memory_space<vmem>>, vector<16xi32>,
      %get3A_112 = arith.index_cast %mul3A_43 : i32 to index
      %get3A_113 = arith.constant 64 : index
      %get3A_114 = tpu.vector_load %arg6[%get3A_112, %get3A_113] {strides = array<i32>} : memref<80x128xi32, #tpu.memory_space<vmem>>, vector<1x16xi32>,
      %get3A_115 = vector.shape_cast %get3A_114 : vector<1x16xi32> to vector<16xi32>
      %shift_right_logical3A_116 = arith.constant 14 : i32
      %shift_right_logical3A_117 = vector.broadcast %shift_right_logical3A_116 : i32 to vector<16xi32>
      %shift_right_logical3A_118 = arith.shrui %get3A_115, %shift_right_logical3A_117 : vector<16xi32>
      %swap3A_119 = arith.constant 64 : index
      %swap3A_120 = tpu.vector_load %arg7[%swap3A_119] {strides = array<i32>} : memref<128xi32, #tpu.memory_space<vmem>>, vector<16xi32>,
      %swap3A_121 = vector.shape_cast %swap3A_120 : vector<16xi32> to vector<16xi32>
      %swap3A_122 = vector.shape_cast %shift_right_logical3A_118 : vector<16xi32> to vector<16xi32>
      tpu.vector_store %arg7[%swap3A_119], %swap3A_122 {strides = array<i32>} : memref<128xi32, #tpu.memory_space<vmem>>, vector<16xi32>,
      %and3A_123 = arith.constant 16383 : i32
      %and3A_124 = vector.broadcast %and3A_123 : i32 to vector<16xi32>
      %and3A_125 = arith.andi %get3A_115, %and3A_124 : vector<16xi32>
      %swap3A_126 = arith.constant 64 : index
      %swap3A_127 = tpu.vector_load %arg9[%swap3A_126] {strides = array<i32>} : memref<128xi32, #tpu.memory_space<vmem>>, vector<16xi32>,
      %swap3A_128 = vector.shape_cast %swap3A_127 : vector<16xi32> to vector<16xi32>
      %swap3A_129 = vector.shape_cast %and3A_125 : vector<16xi32> to vector<16xi32>
      tpu.vector_store %arg9[%swap3A_126], %swap3A_129 {strides = array<i32>} : memref<128xi32, #tpu.memory_space<vmem>>, vector<16xi32>,
      %get3A_130 = arith.index_cast %mul3A_43 : i32 to index
      %get3A_131 = arith.constant 80 : index
      %get3A_132 = tpu.vector_load %arg6[%get3A_130, %get3A_131] {strides = array<i32>} : memref<80x128xi32, #tpu.memory_space<vmem>>, vector<1x16xi32>,
      %get3A_133 = vector.shape_cast %get3A_132 : vector<1x16xi32> to vector<16xi32>
      %shift_right_logical3A_134 = arith.constant 14 : i32
      %shift_right_logical3A_135 = vector.broadcast %shift_right_logical3A_134 : i32 to vector<16xi32>
      %shift_right_logical3A_136 = arith.shrui %get3A_133, %shift_right_logical3A_135 : vector<16xi32>
      %swap3A_137 = arith.constant 80 : index
      %swap3A_138 = tpu.vector_load %arg7[%swap3A_137] {strides = array<i32>} : memref<128xi32, #tpu.memory_space<vmem>>, vector<16xi32>,
      %swap3A_139 = vector.shape_cast %swap3A_138 : vector<16xi32> to vector<16xi32>
      %swap3A_140 = vector.shape_cast %shift_right_logical3A_136 : vector<16xi32> to vector<16xi32>
      tpu.vector_store %arg7[%swap3A_137], %swap3A_140 {strides = array<i32>} : memref<128xi32, #tpu.memory_space<vmem>>, vector<16xi32>,
      %and3A_141 = arith.constant 16383 : i32
      %and3A_142 = vector.broadcast %and3A_141 : i32 to vector<16xi32>
      %and3A_143 = arith.andi %get3A_133, %and3A_142 : vector<16xi32>
      %swap3A_144 = arith.constant 80 : index
      %swap3A_145 = tpu.vector_load %arg9[%swap3A_144] {strides = array<i32>} : memref<128xi32, #tpu.memory_space<vmem>>, vector<16xi32>,
      %swap3A_146 = vector.shape_cast %swap3A_145 : vector<16xi32> to vector<16xi32>
      %swap3A_147 = vector.shape_cast %and3A_143 : vector<16xi32> to vector<16xi32>
      tpu.vector_store %arg9[%swap3A_144], %swap3A_147 {strides = array<i32>} : memref<128xi32, #tpu.memory_space<vmem>>, vector<16xi32>,
      %get3A_148 = arith.index_cast %mul3A_43 : i32 to index
      %get3A_149 = arith.constant 96 : index
      %get3A_150 = tpu.vector_load %arg6[%get3A_148, %get3A_149] {strides = array<i32>} : memref<80x128xi32, #tpu.memory_space<vmem>>, vector<1x16xi32>,
      %get3A_151 = vector.shape_cast %get3A_150 : vector<1x16xi32> to vector<16xi32>
      %shift_right_logical3A_152 = arith.constant 14 : i32
      %shift_right_logical3A_153 = vector.broadcast %shift_right_logical3A_152 : i32 to vector<16xi32>
      %shift_right_logical3A_154 = arith.shrui %get3A_151, %shift_right_logical3A_153 : vector<16xi32>
      %swap3A_155 = arith.constant 96 : index
      %swap3A_156 = tpu.vector_load %arg7[%swap3A_155] {strides = array<i32>} : memref<128xi32, #tpu.memory_space<vmem>>, vector<16xi32>,
      %swap3A_157 = vector.shape_cast %swap3A_156 : vector<16xi32> to vector<16xi32>
      %swap3A_158 = vector.shape_cast %shift_right_logical3A_154 : vector<16xi32> to vector<16xi32>
      tpu.vector_store %arg7[%swap3A_155], %swap3A_158 {strides = array<i32>} : memref<128xi32, #tpu.memory_space<vmem>>, vector<16xi32>,
      %and3A_159 = arith.constant 16383 : i32
      %and3A_160 = vector.broadcast %and3A_159 : i32 to vector<16xi32>
      %and3A_161 = arith.andi %get3A_151, %and3A_160 : vector<16xi32>
      %swap3A_162 = arith.constant 96 : index
      %swap3A_163 = tpu.vector_load %arg9[%swap3A_162] {strides = array<i32>} : memref<128xi32, #tpu.memory_space<vmem>>, vector<16xi32>,
      %swap3A_164 = vector.shape_cast %swap3A_163 : vector<16xi32> to vector<16xi32>
      %swap3A_165 = vector.shape_cast %and3A_161 : vector<16xi32> to vector<16xi32>
      tpu.vector_store %arg9[%swap3A_162], %swap3A_165 {strides = array<i32>} : memref<128xi32, #tpu.memory_space<vmem>>, vector<16xi32>,
      %get3A_166 = arith.index_cast %mul3A_43 : i32 to index
      %get3A_167 = arith.constant 112 : index
      %get3A_168 = tpu.vector_load %arg6[%get3A_166, %get3A_167] {strides = array<i32>} : memref<80x128xi32, #tpu.memory_space<vmem>>, vector<1x16xi32>,
      %get3A_169 = vector.shape_cast %get3A_168 : vector<1x16xi32> to vector<16xi32>
      %shift_right_logical3A_170 = arith.constant 14 : i32
      %shift_right_logical3A_171 = vector.broadcast %shift_right_logical3A_170 : i32 to vector<16xi32>
      %shift_right_logical3A_172 = arith.shrui %get3A_169, %shift_right_logical3A_171 : vector<16xi32>
      %swap3A_173 = arith.constant 112 : index
      %swap3A_174 = tpu.vector_load %arg7[%swap3A_173] {strides = array<i32>} : memref<128xi32, #tpu.memory_space<vmem>>, vector<16xi32>,
      %swap3A_175 = vector.shape_cast %swap3A_174 : vector<16xi32> to vector<16xi32>
      %swap3A_176 = vector.shape_cast %shift_right_logical3A_172 : vector<16xi32> to vector<16xi32>
      tpu.vector_store %arg7[%swap3A_173], %swap3A_176 {strides = array<i32>} : memref<128xi32, #tpu.memory_space<vmem>>, vector<16xi32>,
      %and3A_177 = arith.constant 16383 : i32
      %and3A_178 = vector.broadcast %and3A_177 : i32 to vector<16xi32>
      %and3A_179 = arith.andi %get3A_169, %and3A_178 : vector<16xi32>
      %swap3A_180 = arith.constant 112 : index
      %swap3A_181 = tpu.vector_load %arg9[%swap3A_180] {strides = array<i32>} : memref<128xi32, #tpu.memory_space<vmem>>, vector<16xi32>,
      %swap3A_182 = vector.shape_cast %swap3A_181 : vector<16xi32> to vector<16xi32>
      %swap3A_183 = vector.shape_cast %and3A_179 : vector<16xi32> to vector<16xi32>
      tpu.vector_store %arg9[%swap3A_180], %swap3A_183 {strides = array<i32>} : memref<128xi32, #tpu.memory_space<vmem>>, vector<16xi32>,
      %dma_start3A = arith.constant 0 : i32
      %dma_start3A_184 = arith.constant 0 : i32
      %dma_start3A_185 = tpu.memref_slice %arg2[%dma_start3A, %dma_start3A_184] : memref<10000x128xf32, #tpu.memory_space<hbm>> -> memref<10000x128xf32, #tpu.memory_space<hbm>>
      tpu.enqueue_indirect_dma source(%dma_start3A_185 : memref<10000x128xf32, #tpu.memory_space<hbm>>) target(%arg11 : memref<128x128xf32, #tpu.memory_space<vmem>>) offsets(%arg7 : memref<128xi32, #tpu.memory_space<vmem>>) semaphore(%arg13 : memref<!tpu.dma_semaphore, #tpu.memory_space<semaphore_mem>>)
      %add3A_186 = arith.constant 1 : i32
      %add3A_187 = arith.addi %mul3A_43, %add3A_186 : i32
      %get3A_188 = arith.index_cast %add3A_187 : i32 to index
      %get3A_189 = arith.constant 0 : index
      %get3A_190 = tpu.vector_load %arg6[%get3A_188, %get3A_189] {strides = array<i32>} : memref<80x128xi32, #tpu.memory_space<vmem>>, vector<1x16xi32>,
      %get3A_191 = vector.shape_cast %get3A_190 : vector<1x16xi32> to vector<16xi32>
      %shift_right_logical3A_192 = arith.constant 14 : i32
      %shift_right_logical3A_193 = vector.broadcast %shift_right_logical3A_192 : i32 to vector<16xi32>
      %shift_right_logical3A_194 = arith.shrui %get3A_191, %shift_right_logical3A_193 : vector<16xi32>
      %swap3A_195 = arith.constant 0 : index
      %swap3A_196 = tpu.vector_load %arg8[%swap3A_195] {strides = array<i32>} : memref<128xi32, #tpu.memory_space<vmem>>, vector<16xi32>,
      %swap3A_197 = vector.shape_cast %swap3A_196 : vector<16xi32> to vector<16xi32>
      %swap3A_198 = vector.shape_cast %shift_right_logical3A_194 : vector<16xi32> to vector<16xi32>
      tpu.vector_store %arg8[%swap3A_195], %swap3A_198 {strides = array<i32>} : memref<128xi32, #tpu.memory_space<vmem>>, vector<16xi32>,
      %and3A_199 = arith.constant 16383 : i32
      %and3A_200 = vector.broadcast %and3A_199 : i32 to vector<16xi32>
      %and3A_201 = arith.andi %get3A_191, %and3A_200 : vector<16xi32>
      %swap3A_202 = arith.constant 0 : index
      %swap3A_203 = tpu.vector_load %arg10[%swap3A_202] {strides = array<i32>} : memref<128xi32, #tpu.memory_space<vmem>>, vector<16xi32>,
      %swap3A_204 = vector.shape_cast %swap3A_203 : vector<16xi32> to vector<16xi32>
      %swap3A_205 = vector.shape_cast %and3A_201 : vector<16xi32> to vector<16xi32>
      tpu.vector_store %arg10[%swap3A_202], %swap3A_205 {strides = array<i32>} : memref<128xi32, #tpu.memory_space<vmem>>, vector<16xi32>,
      %get3A_206 = arith.index_cast %add3A_187 : i32 to index
      %get3A_207 = arith.constant 16 : index
      %get3A_208 = tpu.vector_load %arg6[%get3A_206, %get3A_207] {strides = array<i32>} : memref<80x128xi32, #tpu.memory_space<vmem>>, vector<1x16xi32>,
      %get3A_209 = vector.shape_cast %get3A_208 : vector<1x16xi32> to vector<16xi32>
      %shift_right_logical3A_210 = arith.constant 14 : i32
      %shift_right_logical3A_211 = vector.broadcast %shift_right_logical3A_210 : i32 to vector<16xi32>
      %shift_right_logical3A_212 = arith.shrui %get3A_209, %shift_right_logical3A_211 : vector<16xi32>
      %swap3A_213 = arith.constant 16 : index
      %swap3A_214 = tpu.vector_load %arg8[%swap3A_213] {strides = array<i32>} : memref<128xi32, #tpu.memory_space<vmem>>, vector<16xi32>,
      %swap3A_215 = vector.shape_cast %swap3A_214 : vector<16xi32> to vector<16xi32>
      %swap3A_216 = vector.shape_cast %shift_right_logical3A_212 : vector<16xi32> to vector<16xi32>
      tpu.vector_store %arg8[%swap3A_213], %swap3A_216 {strides = array<i32>} : memref<128xi32, #tpu.memory_space<vmem>>, vector<16xi32>,
      %and3A_217 = arith.constant 16383 : i32
      %and3A_218 = vector.broadcast %and3A_217 : i32 to vector<16xi32>
      %and3A_219 = arith.andi %get3A_209, %and3A_218 : vector<16xi32>
      %swap3A_220 = arith.constant 16 : index
      %swap3A_221 = tpu.vector_load %arg10[%swap3A_220] {strides = array<i32>} : memref<128xi32, #tpu.memory_space<vmem>>, vector<16xi32>,
      %swap3A_222 = vector.shape_cast %swap3A_221 : vector<16xi32> to vector<16xi32>
      %swap3A_223 = vector.shape_cast %and3A_219 : vector<16xi32> to vector<16xi32>
      tpu.vector_store %arg10[%swap3A_220], %swap3A_223 {strides = array<i32>} : memref<128xi32, #tpu.memory_space<vmem>>, vector<16xi32>,
      %get3A_224 = arith.index_cast %add3A_187 : i32 to index
      %get3A_225 = arith.constant 32 : index
      %get3A_226 = tpu.vector_load %arg6[%get3A_224, %get3A_225] {strides = array<i32>} : memref<80x128xi32, #tpu.memory_space<vmem>>, vector<1x16xi32>,
      %get3A_227 = vector.shape_cast %get3A_226 : vector<1x16xi32> to vector<16xi32>
      %shift_right_logical3A_228 = arith.constant 14 : i32
      %shift_right_logical3A_229 = vector.broadcast %shift_right_logical3A_228 : i32 to vector<16xi32>
      %shift_right_logical3A_230 = arith.shrui %get3A_227, %shift_right_logical3A_229 : vector<16xi32>
      %swap3A_231 = arith.constant 32 : index
      %swap3A_232 = tpu.vector_load %arg8[%swap3A_231] {strides = array<i32>} : memref<128xi32, #tpu.memory_space<vmem>>, vector<16xi32>,
      %swap3A_233 = vector.shape_cast %swap3A_232 : vector<16xi32> to vector<16xi32>
      %swap3A_234 = vector.shape_cast %shift_right_logical3A_230 : vector<16xi32> to vector<16xi32>
      tpu.vector_store %arg8[%swap3A_231], %swap3A_234 {strides = array<i32>} : memref<128xi32, #tpu.memory_space<vmem>>, vector<16xi32>,
      %and3A_235 = arith.constant 16383 : i32
      %and3A_236 = vector.broadcast %and3A_235 : i32 to vector<16xi32>
      %and3A_237 = arith.andi %get3A_227, %and3A_236 : vector<16xi32>
      %swap3A_238 = arith.constant 32 : index
      %swap3A_239 = tpu.vector_load %arg10[%swap3A_238] {strides = array<i32>} : memref<128xi32, #tpu.memory_space<vmem>>, vector<16xi32>,
      %swap3A_240 = vector.shape_cast %swap3A_239 : vector<16xi32> to vector<16xi32>
      %swap3A_241 = vector.shape_cast %and3A_237 : vector<16xi32> to vector<16xi32>
      tpu.vector_store %arg10[%swap3A_238], %swap3A_241 {strides = array<i32>} : memref<128xi32, #tpu.memory_space<vmem>>, vector<16xi32>,
      %get3A_242 = arith.index_cast %add3A_187 : i32 to index
      %get3A_243 = arith.constant 48 : index
      %get3A_244 = tpu.vector_load %arg6[%get3A_242, %get3A_243] {strides = array<i32>} : memref<80x128xi32, #tpu.memory_space<vmem>>, vector<1x16xi32>,
      %get3A_245 = vector.shape_cast %get3A_244 : vector<1x16xi32> to vector<16xi32>
      %shift_right_logical3A_246 = arith.constant 14 : i32
      %shift_right_logical3A_247 = vector.broadcast %shift_right_logical3A_246 : i32 to vector<16xi32>
      %shift_right_logical3A_248 = arith.shrui %get3A_245, %shift_right_logical3A_247 : vector<16xi32>
      %swap3A_249 = arith.constant 48 : index
      %swap3A_250 = tpu.vector_load %arg8[%swap3A_249] {strides = array<i32>} : memref<128xi32, #tpu.memory_space<vmem>>, vector<16xi32>,
      %swap3A_251 = vector.shape_cast %swap3A_250 : vector<16xi32> to vector<16xi32>
      %swap3A_252 = vector.shape_cast %shift_right_logical3A_248 : vector<16xi32> to vector<16xi32>
      tpu.vector_store %arg8[%swap3A_249], %swap3A_252 {strides = array<i32>} : memref<128xi32, #tpu.memory_space<vmem>>, vector<16xi32>,
      %and3A_253 = arith.constant 16383 : i32
      %and3A_254 = vector.broadcast %and3A_253 : i32 to vector<16xi32>
      %and3A_255 = arith.andi %get3A_245, %and3A_254 : vector<16xi32>
      %swap3A_256 = arith.constant 48 : index
      %swap3A_257 = tpu.vector_load %arg10[%swap3A_256] {strides = array<i32>} : memref<128xi32, #tpu.memory_space<vmem>>, vector<16xi32>,
      %swap3A_258 = vector.shape_cast %swap3A_257 : vector<16xi32> to vector<16xi32>
      %swap3A_259 = vector.shape_cast %and3A_255 : vector<16xi32> to vector<16xi32>
      tpu.vector_store %arg10[%swap3A_256], %swap3A_259 {strides = array<i32>} : memref<128xi32, #tpu.memory_space<vmem>>, vector<16xi32>,
      %get3A_260 = arith.index_cast %add3A_187 : i32 to index
      %get3A_261 = arith.constant 64 : index
      %get3A_262 = tpu.vector_load %arg6[%get3A_260, %get3A_261] {strides = array<i32>} : memref<80x128xi32, #tpu.memory_space<vmem>>, vector<1x16xi32>,
      %get3A_263 = vector.shape_cast %get3A_262 : vector<1x16xi32> to vector<16xi32>
      %shift_right_logical3A_264 = arith.constant 14 : i32
      %shift_right_logical3A_265 = vector.broadcast %shift_right_logical3A_264 : i32 to vector<16xi32>
      %shift_right_logical3A_266 = arith.shrui %get3A_263, %shift_right_logical3A_265 : vector<16xi32>
      %swap3A_267 = arith.constant 64 : index
      %swap3A_268 = tpu.vector_load %arg8[%swap3A_267] {strides = array<i32>} : memref<128xi32, #tpu.memory_space<vmem>>, vector<16xi32>,
      %swap3A_269 = vector.shape_cast %swap3A_268 : vector<16xi32> to vector<16xi32>
      %swap3A_270 = vector.shape_cast %shift_right_logical3A_266 : vector<16xi32> to vector<16xi32>
      tpu.vector_store %arg8[%swap3A_267], %swap3A_270 {strides = array<i32>} : memref<128xi32, #tpu.memory_space<vmem>>, vector<16xi32>,
      %and3A_271 = arith.constant 16383 : i32
      %and3A_272 = vector.broadcast %and3A_271 : i32 to vector<16xi32>
      %and3A_273 = arith.andi %get3A_263, %and3A_272 : vector<16xi32>
      %swap3A_274 = arith.constant 64 : index
      %swap3A_275 = tpu.vector_load %arg10[%swap3A_274] {strides = array<i32>} : memref<128xi32, #tpu.memory_space<vmem>>, vector<16xi32>,
      %swap3A_276 = vector.shape_cast %swap3A_275 : vector<16xi32> to vector<16xi32>
      %swap3A_277 = vector.shape_cast %and3A_273 : vector<16xi32> to vector<16xi32>
      tpu.vector_store %arg10[%swap3A_274], %swap3A_277 {strides = array<i32>} : memref<128xi32, #tpu.memory_space<vmem>>, vector<16xi32>,
      %get3A_278 = arith.index_cast %add3A_187 : i32 to index
      %get3A_279 = arith.constant 80 : index
      %get3A_280 = tpu.vector_load %arg6[%get3A_278, %get3A_279] {strides = array<i32>} : memref<80x128xi32, #tpu.memory_space<vmem>>, vector<1x16xi32>,
      %get3A_281 = vector.shape_cast %get3A_280 : vector<1x16xi32> to vector<16xi32>
      %shift_right_logical3A_282 = arith.constant 14 : i32
      %shift_right_logical3A_283 = vector.broadcast %shift_right_logical3A_282 : i32 to vector<16xi32>
      %shift_right_logical3A_284 = arith.shrui %get3A_281, %shift_right_logical3A_283 : vector<16xi32>
      %swap3A_285 = arith.constant 80 : index
      %swap3A_286 = tpu.vector_load %arg8[%swap3A_285] {strides = array<i32>} : memref<128xi32, #tpu.memory_space<vmem>>, vector<16xi32>,
      %swap3A_287 = vector.shape_cast %swap3A_286 : vector<16xi32> to vector<16xi32>
      %swap3A_288 = vector.shape_cast %shift_right_logical3A_284 : vector<16xi32> to vector<16xi32>
      tpu.vector_store %arg8[%swap3A_285], %swap3A_288 {strides = array<i32>} : memref<128xi32, #tpu.memory_space<vmem>>, vector<16xi32>,
      %and3A_289 = arith.constant 16383 : i32
      %and3A_290 = vector.broadcast %and3A_289 : i32 to vector<16xi32>
      %and3A_291 = arith.andi %get3A_281, %and3A_290 : vector<16xi32>
      %swap3A_292 = arith.constant 80 : index
      %swap3A_293 = tpu.vector_load %arg10[%swap3A_292] {strides = array<i32>} : memref<128xi32, #tpu.memory_space<vmem>>, vector<16xi32>,
      %swap3A_294 = vector.shape_cast %swap3A_293 : vector<16xi32> to vector<16xi32>
      %swap3A_295 = vector.shape_cast %and3A_291 : vector<16xi32> to vector<16xi32>
      tpu.vector_store %arg10[%swap3A_292], %swap3A_295 {strides = array<i32>} : memref<128xi32, #tpu.memory_space<vmem>>, vector<16xi32>,
      %get3A_296 = arith.index_cast %add3A_187 : i32 to index
      %get3A_297 = arith.constant 96 : index
      %get3A_298 = tpu.vector_load %arg6[%get3A_296, %get3A_297] {strides = array<i32>} : memref<80x128xi32, #tpu.memory_space<vmem>>, vector<1x16xi32>,
      %get3A_299 = vector.shape_cast %get3A_298 : vector<1x16xi32> to vector<16xi32>
      %shift_right_logical3A_300 = arith.constant 14 : i32
      %shift_right_logical3A_301 = vector.broadcast %shift_right_logical3A_300 : i32 to vector<16xi32>
      %shift_right_logical3A_302 = arith.shrui %get3A_299, %shift_right_logical3A_301 : vector<16xi32>
      %swap3A_303 = arith.constant 96 : index
      %swap3A_304 = tpu.vector_load %arg8[%swap3A_303] {strides = array<i32>} : memref<128xi32, #tpu.memory_space<vmem>>, vector<16xi32>,
      %swap3A_305 = vector.shape_cast %swap3A_304 : vector<16xi32> to vector<16xi32>
      %swap3A_306 = vector.shape_cast %shift_right_logical3A_302 : vector<16xi32> to vector<16xi32>
      tpu.vector_store %arg8[%swap3A_303], %swap3A_306 {strides = array<i32>} : memref<128xi32, #tpu.memory_space<vmem>>, vector<16xi32>,
      %and3A_307 = arith.constant 16383 : i32
      %and3A_308 = vector.broadcast %and3A_307 : i32 to vector<16xi32>
      %and3A_309 = arith.andi %get3A_299, %and3A_308 : vector<16xi32>
      %swap3A_310 = arith.constant 96 : index
      %swap3A_311 = tpu.vector_load %arg10[%swap3A_310] {strides = array<i32>} : memref<128xi32, #tpu.memory_space<vmem>>, vector<16xi32>,
      %swap3A_312 = vector.shape_cast %swap3A_311 : vector<16xi32> to vector<16xi32>
      %swap3A_313 = vector.shape_cast %and3A_309 : vector<16xi32> to vector<16xi32>
      tpu.vector_store %arg10[%swap3A_310], %swap3A_313 {strides = array<i32>} : memref<128xi32, #tpu.memory_space<vmem>>, vector<16xi32>,
      %get3A_314 = arith.index_cast %add3A_187 : i32 to index
      %get3A_315 = arith.constant 112 : index
      %get3A_316 = tpu.vector_load %arg6[%get3A_314, %get3A_315] {strides = array<i32>} : memref<80x128xi32, #tpu.memory_space<vmem>>, vector<1x16xi32>,
      %get3A_317 = vector.shape_cast %get3A_316 : vector<1x16xi32> to vector<16xi32>
      %shift_right_logical3A_318 = arith.constant 14 : i32
      %shift_right_logical3A_319 = vector.broadcast %shift_right_logical3A_318 : i32 to vector<16xi32>
      %shift_right_logical3A_320 = arith.shrui %get3A_317, %shift_right_logical3A_319 : vector<16xi32>
      %swap3A_321 = arith.constant 112 : index
      %swap3A_322 = tpu.vector_load %arg8[%swap3A_321] {strides = array<i32>} : memref<128xi32, #tpu.memory_space<vmem>>, vector<16xi32>,
      %swap3A_323 = vector.shape_cast %swap3A_322 : vector<16xi32> to vector<16xi32>
      %swap3A_324 = vector.shape_cast %shift_right_logical3A_320 : vector<16xi32> to vector<16xi32>
      tpu.vector_store %arg8[%swap3A_321], %swap3A_324 {strides = array<i32>} : memref<128xi32, #tpu.memory_space<vmem>>, vector<16xi32>,
      %and3A_325 = arith.constant 16383 : i32
      %and3A_326 = vector.broadcast %and3A_325 : i32 to vector<16xi32>
      %and3A_327 = arith.andi %get3A_317, %and3A_326 : vector<16xi32>
      %swap3A_328 = arith.constant 112 : index
      %swap3A_329 = tpu.vector_load %arg10[%swap3A_328] {strides = array<i32>} : memref<128xi32, #tpu.memory_space<vmem>>, vector<16xi32>,
      %swap3A_330 = vector.shape_cast %swap3A_329 : vector<16xi32> to vector<16xi32>
      %swap3A_331 = vector.shape_cast %and3A_327 : vector<16xi32> to vector<16xi32>
      tpu.vector_store %arg10[%swap3A_328], %swap3A_331 {strides = array<i32>} : memref<128xi32, #tpu.memory_space<vmem>>, vector<16xi32>,
      %dma_start3A_332 = arith.constant 0 : i32
      %dma_start3A_333 = arith.constant 0 : i32
      %dma_start3A_334 = tpu.memref_slice %arg2[%dma_start3A_332, %dma_start3A_333] : memref<10000x128xf32, #tpu.memory_space<hbm>> -> memref<10000x128xf32, #tpu.memory_space<hbm>>
      tpu.enqueue_indirect_dma source(%dma_start3A_334 : memref<10000x128xf32, #tpu.memory_space<hbm>>) target(%arg12 : memref<128x128xf32, #tpu.memory_space<vmem>>) offsets(%arg8 : memref<128xi32, #tpu.memory_space<vmem>>) semaphore(%arg14 : memref<!tpu.dma_semaphore, #tpu.memory_space<semaphore_mem>>)
      %dma_wait3A = arith.constant 0 : i32
      %dma_wait3A_335 = arith.constant 0 : i32
      %dma_wait3A_336 = tpu.memref_slice %arg2[%dma_wait3A, %dma_wait3A_335] : memref<10000x128xf32, #tpu.memory_space<hbm>> -> memref<10000x128xf32, #tpu.memory_space<hbm>>
      tpu.wait_indirect_dma semaphore(%arg13 : memref<!tpu.dma_semaphore, #tpu.memory_space<semaphore_mem>>) src(%dma_wait3A_336 : memref<10000x128xf32, #tpu.memory_space<hbm>>) dst(%arg11 : memref<128x128xf32, #tpu.memory_space<vmem>>)
      %dma_wait3A_337 = arith.constant 0 : i32
      %dma_wait3A_338 = arith.constant 0 : i32
      %dma_wait3A_339 = tpu.memref_slice %arg2[%dma_wait3A_337, %dma_wait3A_338] : memref<10000x128xf32, #tpu.memory_space<hbm>> -> memref<10000x128xf32, #tpu.memory_space<hbm>>
      tpu.wait_indirect_dma semaphore(%arg14 : memref<!tpu.dma_semaphore, #tpu.memory_space<semaphore_mem>>) src(%dma_wait3A_339 : memref<10000x128xf32, #tpu.memory_space<hbm>>) dst(%arg12 : memref<128x128xf32, #tpu.memory_space<vmem>>)
      "tpu.region"() ({
        %run_scoped3A = tpu.sem_alloc : memref<!tpu.dma_semaphore, #tpu.memory_space<semaphore_mem>>
        %dma_start3A_341 = arith.constant 0 : i32
        %dma_start3A_342 = arith.constant 0 : i32
        %dma_start3A_343 = tpu.memref_slice %arg5[%dma_start3A_341, %dma_start3A_342] : memref<10240x128xf32, #tpu.memory_space<vmem_shared>> -> memref<10240x128xf32, #tpu.memory_space<vmem_shared>>
        tpu.enqueue_indirect_dma source(%arg11 : memref<128x128xf32, #tpu.memory_space<vmem>>) target(%dma_start3A_343 : memref<10240x128xf32, #tpu.memory_space<vmem_shared>>) offsets(%arg9 : memref<128xi32, #tpu.memory_space<vmem>>) semaphore(%run_scoped3A : memref<!tpu.dma_semaphore, #tpu.memory_space<semaphore_mem>>) {add = true}
        %dma_wait3A_344 = arith.constant 0 : i32
        %dma_wait3A_345 = arith.constant 0 : i32
        %dma_wait3A_346 = tpu.memref_slice %arg5[%dma_wait3A_344, %dma_wait3A_345] : memref<10240x128xf32, #tpu.memory_space<vmem_shared>> -> memref<10240x128xf32, #tpu.memory_space<vmem_shared>>
        tpu.wait_indirect_dma semaphore(%run_scoped3A : memref<!tpu.dma_semaphore, #tpu.memory_space<semaphore_mem>>) src(%arg11 : memref<128x128xf32, #tpu.memory_space<vmem>>) dst(%dma_wait3A_346 : memref<10240x128xf32, #tpu.memory_space<vmem_shared>>)
        tpu.yield
      }) : () -> ()
      "tpu.region"() ({
        %run_scoped3A = tpu.sem_alloc : memref<!tpu.dma_semaphore, #tpu.memory_space<semaphore_mem>>
        %dma_start3A_341 = arith.constant 0 : i32
        %dma_start3A_342 = arith.constant 0 : i32
        %dma_start3A_343 = tpu.memref_slice %arg5[%dma_start3A_341, %dma_start3A_342] : memref<10240x128xf32, #tpu.memory_space<vmem_shared>> -> memref<10240x128xf32, #tpu.memory_space<vmem_shared>>
        tpu.enqueue_indirect_dma source(%arg12 : memref<128x128xf32, #tpu.memory_space<vmem>>) target(%dma_start3A_343 : memref<10240x128xf32, #tpu.memory_space<vmem_shared>>) offsets(%arg10 : memref<128xi32, #tpu.memory_space<vmem>>) semaphore(%run_scoped3A : memref<!tpu.dma_semaphore, #tpu.memory_space<semaphore_mem>>) {add = true}
        %dma_wait3A_344 = arith.constant 0 : i32
        %dma_wait3A_345 = arith.constant 0 : i32
        %dma_wait3A_346 = tpu.memref_slice %arg5[%dma_wait3A_344, %dma_wait3A_345] : memref<10240x128xf32, #tpu.memory_space<vmem_shared>> -> memref<10240x128xf32, #tpu.memory_space<vmem_shared>>
        tpu.wait_indirect_dma semaphore(%run_scoped3A : memref<!tpu.dma_semaphore, #tpu.memory_space<semaphore_mem>>) src(%arg12 : memref<128x128xf32, #tpu.memory_space<vmem>>) dst(%dma_wait3A_346 : memref<10240x128xf32, #tpu.memory_space<vmem_shared>>)
        tpu.yield
      }) : () -> ()
      %scan3A_340 = arith.constant 0 : i32
      scf.yield %scan3A_340 : i32
    }
    %scan3A_34 = arith.constant 40 : i32
    %barrier3A_35 = arith.constant 0 : index
    tpu.barrier barrier_id(%barrier3A_35)
    %mul3A_36 = arith.constant 640 : i32
    %mul3A_37 = arith.muli %arg1, %mul3A_36 : i32
    %mul3A_38 = arith.constant 640 : i32
    %mul3A_39 = arith.muli %arg1, %mul3A_38 : i32
    "tpu.region"() ({
      %run_scoped3A = tpu.sem_alloc : memref<!tpu.dma_semaphore, #tpu.memory_space<semaphore_mem>>
      %dma_start3A = arith.constant 0 : i32
      %dma_start3A_40 = arith.constant 0 : i32
      %dma_start3A_41 = tpu.memref_slice %arg4[%arg0, %dma_start3A, %dma_start3A_40] : memref<2x10240x128xf32, #tpu.memory_space<hbm>> -> memref<1x10240x128xf32, #tpu.memory_space<hbm>>
      %dma_start3A_42 = tpu.memref_squeeze %dma_start3A_41 : memref<1x10240x128xf32, #tpu.memory_space<hbm>> -> memref<10240x128xf32, #tpu.memory_space<hbm>>
      %dma_start3A_43 = arith.constant 0 : i32
      %dma_start3A_44 = tpu.memref_slice %dma_start3A_42[%mul3A_39, %dma_start3A_43] : memref<10240x128xf32, #tpu.memory_space<hbm>> -> memref<640x128xf32, #tpu.memory_space<hbm>>
      %dma_start3A_45 = arith.constant 0 : i32
      %dma_start3A_46 = tpu.memref_slice %arg5[%mul3A_37, %dma_start3A_45] : memref<10240x128xf32, #tpu.memory_space<vmem_shared>> -> memref<640x128xf32, #tpu.memory_space<vmem_shared>>
      tpu.enqueue_dma source(%dma_start3A_46 : memref<640x128xf32, #tpu.memory_space<vmem_shared>>) target(%dma_start3A_44 : memref<640x128xf32, #tpu.memory_space<hbm>>) target_semaphore(%run_scoped3A : memref<!tpu.dma_semaphore, #tpu.memory_space<semaphore_mem>>)
      %dma_wait3A = arith.constant 0 : i32
      %dma_wait3A_47 = arith.constant 0 : i32
      %dma_wait3A_48 = tpu.memref_slice %arg4[%arg0, %dma_wait3A, %dma_wait3A_47] : memref<2x10240x128xf32, #tpu.memory_space<hbm>> -> memref<1x10240x128xf32, #tpu.memory_space<hbm>>
      %dma_wait3A_49 = tpu.memref_squeeze %dma_wait3A_48 : memref<1x10240x128xf32, #tpu.memory_space<hbm>> -> memref<10240x128xf32, #tpu.memory_space<hbm>>
      %dma_wait3A_50 = arith.constant 0 : i32
      %dma_wait3A_51 = tpu.memref_slice %dma_wait3A_49[%mul3A_39, %dma_wait3A_50] : memref<10240x128xf32, #tpu.memory_space<hbm>> -> memref<640x128xf32, #tpu.memory_space<hbm>>
      %dma_wait3A_52 = arith.constant 0 : i32
      %dma_wait3A_53 = tpu.memref_slice %arg5[%mul3A_37, %dma_wait3A_52] : memref<10240x128xf32, #tpu.memory_space<vmem_shared>> -> memref<640x128xf32, #tpu.memory_space<vmem_shared>>
      tpu.wait_dma2 semaphore(%run_scoped3A : memref<!tpu.dma_semaphore, #tpu.memory_space<semaphore_mem>>) src(%dma_wait3A_53 : memref<640x128xf32, #tpu.memory_space<vmem_shared>>) dst(%dma_wait3A_51 : memref<640x128xf32, #tpu.memory_space<hbm>>)
      tpu.yield
    }) : () -> ()
    return
  }
}

#map = affine_map<(d0, d1) -> (0, 0)>
#map1 = affine_map<(d0, d1) -> (0, 0, 0)>
module attributes {stable_mosaic.version = 14 : i64} {
  func.func @_agg_body(%arg0: i32, %arg1: i32, %arg2: memref<10000x128xf32, #tpu.memory_space<hbm>>, %arg3: memref<32x80x128xi32, #tpu.memory_space<hbm>>, %arg4: memref<2x10240x128xf32, #tpu.memory_space<hbm>>, %arg5: memref<10240x128xf32, #tpu.memory_space<vmem_shared>>, %arg6: memref<80x128xi32, #tpu.memory_space<vmem>>, %arg7: memref<128xi32, #tpu.memory_space<vmem>>, %arg8: memref<128xi32, #tpu.memory_space<vmem>>, %arg9: memref<128xi32, #tpu.memory_space<vmem>>, %arg10: memref<128xi32, #tpu.memory_space<vmem>>, %arg11: memref<128x128xf32, #tpu.memory_space<vmem>>, %arg12: memref<128x128xf32, #tpu.memory_space<vmem>>, %arg13: memref<!tpu.dma_semaphore, #tpu.memory_space<semaphore_mem>>, %arg14: memref<!tpu.dma_semaphore, #tpu.memory_space<semaphore_mem>>) attributes {dimension_semantics = [#tpu.dimension_semantics<core_parallel>, #tpu.dimension_semantics<subcore_parallel>], iteration_bounds = array<i64: 2, 16>, scalar_prefetch = 0 : i64, scratch_operands = 10 : i64, tpu.core_type = #tpu.core_type<sc_vector_subcore>, window_params = [{transform_indices = #map}, {transform_indices = #map1}, {transform_indices = #map1}]} {
    %mul3A = arith.constant 16 : i32
    %mul3A_0 = arith.muli %arg0, %mul3A : i32
    %add3A = arith.addi %mul3A_0, %arg1 : i32
    %broadcast_in_dim3A = arith.constant 0.000000e+00 : f32
    %broadcast_in_dim3A_1 = vector.broadcast %broadcast_in_dim3A : f32 to vector<16xf32>
    %scan3A = arith.constant 0 : i32
    %scan3A_2 = arith.constant 0 : i32
    %scan3A_3 = arith.constant 128 : i32
    %scan3A_4 = arith.addi %scan3A_2, %scan3A_3 : i32
    %scan3A_5 = arith.constant 1 : i32
    %scan3A_6 = scf.for %scan3A_40 = %scan3A_2 to %scan3A_4 step %scan3A_5 iter_args(%scan3A_41 = %scan3A) -> (i32)  : i32 {
      %swap3A = arith.index_cast %scan3A_40 : i32 to index
      %swap3A_42 = arith.constant 0 : index
      %swap3A_43 = tpu.vector_load %arg11[%swap3A, %swap3A_42] {strides = array<i32>} : memref<128x128xf32, #tpu.memory_space<vmem>>, vector<1x16xf32>,
      %swap3A_44 = vector.shape_cast %swap3A_43 : vector<1x16xf32> to vector<16xf32>
      %swap3A_45 = vector.shape_cast %broadcast_in_dim3A_1 : vector<16xf32> to vector<1x16xf32>
      tpu.vector_store %arg11[%swap3A, %swap3A_42], %swap3A_45 {strides = array<i32>} : memref<128x128xf32, #tpu.memory_space<vmem>>, vector<1x16xf32>,
      %swap3A_46 = arith.index_cast %scan3A_40 : i32 to index
      %swap3A_47 = arith.constant 16 : index
      %swap3A_48 = tpu.vector_load %arg11[%swap3A_46, %swap3A_47] {strides = array<i32>} : memref<128x128xf32, #tpu.memory_space<vmem>>, vector<1x16xf32>,
      %swap3A_49 = vector.shape_cast %swap3A_48 : vector<1x16xf32> to vector<16xf32>
      %swap3A_50 = vector.shape_cast %broadcast_in_dim3A_1 : vector<16xf32> to vector<1x16xf32>
      tpu.vector_store %arg11[%swap3A_46, %swap3A_47], %swap3A_50 {strides = array<i32>} : memref<128x128xf32, #tpu.memory_space<vmem>>, vector<1x16xf32>,
      %swap3A_51 = arith.index_cast %scan3A_40 : i32 to index
      %swap3A_52 = arith.constant 32 : index
      %swap3A_53 = tpu.vector_load %arg11[%swap3A_51, %swap3A_52] {strides = array<i32>} : memref<128x128xf32, #tpu.memory_space<vmem>>, vector<1x16xf32>,
      %swap3A_54 = vector.shape_cast %swap3A_53 : vector<1x16xf32> to vector<16xf32>
      %swap3A_55 = vector.shape_cast %broadcast_in_dim3A_1 : vector<16xf32> to vector<1x16xf32>
      tpu.vector_store %arg11[%swap3A_51, %swap3A_52], %swap3A_55 {strides = array<i32>} : memref<128x128xf32, #tpu.memory_space<vmem>>, vector<1x16xf32>,
      %swap3A_56 = arith.index_cast %scan3A_40 : i32 to index
      %swap3A_57 = arith.constant 48 : index
      %swap3A_58 = tpu.vector_load %arg11[%swap3A_56, %swap3A_57] {strides = array<i32>} : memref<128x128xf32, #tpu.memory_space<vmem>>, vector<1x16xf32>,
      %swap3A_59 = vector.shape_cast %swap3A_58 : vector<1x16xf32> to vector<16xf32>
      %swap3A_60 = vector.shape_cast %broadcast_in_dim3A_1 : vector<16xf32> to vector<1x16xf32>
      tpu.vector_store %arg11[%swap3A_56, %swap3A_57], %swap3A_60 {strides = array<i32>} : memref<128x128xf32, #tpu.memory_space<vmem>>, vector<1x16xf32>,
      %swap3A_61 = arith.index_cast %scan3A_40 : i32 to index
      %swap3A_62 = arith.constant 64 : index
      %swap3A_63 = tpu.vector_load %arg11[%swap3A_61, %swap3A_62] {strides = array<i32>} : memref<128x128xf32, #tpu.memory_space<vmem>>, vector<1x16xf32>,
      %swap3A_64 = vector.shape_cast %swap3A_63 : vector<1x16xf32> to vector<16xf32>
      %swap3A_65 = vector.shape_cast %broadcast_in_dim3A_1 : vector<16xf32> to vector<1x16xf32>
      tpu.vector_store %arg11[%swap3A_61, %swap3A_62], %swap3A_65 {strides = array<i32>} : memref<128x128xf32, #tpu.memory_space<vmem>>, vector<1x16xf32>,
      %swap3A_66 = arith.index_cast %scan3A_40 : i32 to index
      %swap3A_67 = arith.constant 80 : index
      %swap3A_68 = tpu.vector_load %arg11[%swap3A_66, %swap3A_67] {strides = array<i32>} : memref<128x128xf32, #tpu.memory_space<vmem>>, vector<1x16xf32>,
      %swap3A_69 = vector.shape_cast %swap3A_68 : vector<1x16xf32> to vector<16xf32>
      %swap3A_70 = vector.shape_cast %broadcast_in_dim3A_1 : vector<16xf32> to vector<1x16xf32>
      tpu.vector_store %arg11[%swap3A_66, %swap3A_67], %swap3A_70 {strides = array<i32>} : memref<128x128xf32, #tpu.memory_space<vmem>>, vector<1x16xf32>,
      %swap3A_71 = arith.index_cast %scan3A_40 : i32 to index
      %swap3A_72 = arith.constant 96 : index
      %swap3A_73 = tpu.vector_load %arg11[%swap3A_71, %swap3A_72] {strides = array<i32>} : memref<128x128xf32, #tpu.memory_space<vmem>>, vector<1x16xf32>,
      %swap3A_74 = vector.shape_cast %swap3A_73 : vector<1x16xf32> to vector<16xf32>
      %swap3A_75 = vector.shape_cast %broadcast_in_dim3A_1 : vector<16xf32> to vector<1x16xf32>
      tpu.vector_store %arg11[%swap3A_71, %swap3A_72], %swap3A_75 {strides = array<i32>} : memref<128x128xf32, #tpu.memory_space<vmem>>, vector<1x16xf32>,
      %swap3A_76 = arith.index_cast %scan3A_40 : i32 to index
      %swap3A_77 = arith.constant 112 : index
      %swap3A_78 = tpu.vector_load %arg11[%swap3A_76, %swap3A_77] {strides = array<i32>} : memref<128x128xf32, #tpu.memory_space<vmem>>, vector<1x16xf32>,
      %swap3A_79 = vector.shape_cast %swap3A_78 : vector<1x16xf32> to vector<16xf32>
      %swap3A_80 = vector.shape_cast %broadcast_in_dim3A_1 : vector<16xf32> to vector<1x16xf32>
      tpu.vector_store %arg11[%swap3A_76, %swap3A_77], %swap3A_80 {strides = array<i32>} : memref<128x128xf32, #tpu.memory_space<vmem>>, vector<1x16xf32>,
      %scan3A_81 = arith.constant 0 : i32
      scf.yield %scan3A_81 : i32
    }
    %scan3A_7 = arith.constant 128 : i32
    %mul3A_8 = arith.constant 640 : i32
    %mul3A_9 = arith.muli %arg1, %mul3A_8 : i32
    %add3A_10 = arith.constant 0 : i32
    %add3A_11 = arith.addi %mul3A_9, %add3A_10 : i32
    "tpu.region"() ({
      %run_scoped3A = tpu.sem_alloc : memref<!tpu.dma_semaphore, #tpu.memory_space<semaphore_mem>>
      %dma_start3A = arith.constant 0 : i32
      %dma_start3A_40 = tpu.memref_slice %arg5[%add3A_11, %dma_start3A] : memref<10240x128xf32, #tpu.memory_space<vmem_shared>> -> memref<128x128xf32, #tpu.memory_space<vmem_shared>>
      %dma_start3A_41 = arith.constant 0 : i32
      %dma_start3A_42 = tpu.memref_slice %arg5[%add3A_11, %dma_start3A_41] : memref<10240x128xf32, #tpu.memory_space<vmem_shared>> -> memref<128x128xf32, #tpu.memory_space<vmem_shared>>
      tpu.enqueue_dma source(%arg11 : memref<128x128xf32, #tpu.memory_space<vmem>>) target(%dma_start3A_42 : memref<128x128xf32, #tpu.memory_space<vmem_shared>>) target_semaphore(%run_scoped3A : memref<!tpu.dma_semaphore, #tpu.memory_space<semaphore_mem>>)
      %dma_wait3A = arith.constant 0 : i32
      %dma_wait3A_43 = tpu.memref_slice %arg5[%add3A_11, %dma_wait3A] : memref<10240x128xf32, #tpu.memory_space<vmem_shared>> -> memref<128x128xf32, #tpu.memory_space<vmem_shared>>
      %dma_wait3A_44 = arith.constant 0 : i32
      %dma_wait3A_45 = tpu.memref_slice %arg5[%add3A_11, %dma_wait3A_44] : memref<10240x128xf32, #tpu.memory_space<vmem_shared>> -> memref<128x128xf32, #tpu.memory_space<vmem_shared>>
      tpu.wait_dma2 semaphore(%run_scoped3A : memref<!tpu.dma_semaphore, #tpu.memory_space<semaphore_mem>>) src(%arg11 : memref<128x128xf32, #tpu.memory_space<vmem>>) dst(%dma_wait3A_45 : memref<128x128xf32, #tpu.memory_space<vmem_shared>>)
      tpu.yield
    }) : () -> ()
    %mul3A_12 = arith.constant 640 : i32
    %mul3A_13 = arith.muli %arg1, %mul3A_12 : i32
    %add3A_14 = arith.constant 128 : i32
    %add3A_15 = arith.addi %mul3A_13, %add3A_14 : i32
    "tpu.region"() ({
      %run_scoped3A = tpu.sem_alloc : memref<!tpu.dma_semaphore, #tpu.memory_space<semaphore_mem>>
      %dma_start3A = arith.constant 0 : i32
      %dma_start3A_40 = tpu.memref_slice %arg5[%add3A_15, %dma_start3A] : memref<10240x128xf32, #tpu.memory_space<vmem_shared>> -> memref<128x128xf32, #tpu.memory_space<vmem_shared>>
      %dma_start3A_41 = arith.constant 0 : i32
      %dma_start3A_42 = tpu.memref_slice %arg5[%add3A_15, %dma_start3A_41] : memref<10240x128xf32, #tpu.memory_space<vmem_shared>> -> memref<128x128xf32, #tpu.memory_space<vmem_shared>>
      tpu.enqueue_dma source(%arg11 : memref<128x128xf32, #tpu.memory_space<vmem>>) target(%dma_start3A_42 : memref<128x128xf32, #tpu.memory_space<vmem_shared>>) target_semaphore(%run_scoped3A : memref<!tpu.dma_semaphore, #tpu.memory_space<semaphore_mem>>)
      %dma_wait3A = arith.constant 0 : i32
      %dma_wait3A_43 = tpu.memref_slice %arg5[%add3A_15, %dma_wait3A] : memref<10240x128xf32, #tpu.memory_space<vmem_shared>> -> memref<128x128xf32, #tpu.memory_space<vmem_shared>>
      %dma_wait3A_44 = arith.constant 0 : i32
      %dma_wait3A_45 = tpu.memref_slice %arg5[%add3A_15, %dma_wait3A_44] : memref<10240x128xf32, #tpu.memory_space<vmem_shared>> -> memref<128x128xf32, #tpu.memory_space<vmem_shared>>
      tpu.wait_dma2 semaphore(%run_scoped3A : memref<!tpu.dma_semaphore, #tpu.memory_space<semaphore_mem>>) src(%arg11 : memref<128x128xf32, #tpu.memory_space<vmem>>) dst(%dma_wait3A_45 : memref<128x128xf32, #tpu.memory_space<vmem_shared>>)
      tpu.yield
    }) : () -> ()
    %mul3A_16 = arith.constant 640 : i32
    %mul3A_17 = arith.muli %arg1, %mul3A_16 : i32
    %add3A_18 = arith.constant 256 : i32
    %add3A_19 = arith.addi %mul3A_17, %add3A_18 : i32
    "tpu.region"() ({
      %run_scoped3A = tpu.sem_alloc : memref<!tpu.dma_semaphore, #tpu.memory_space<semaphore_mem>>
      %dma_start3A = arith.constant 0 : i32
      %dma_start3A_40 = tpu.memref_slice %arg5[%add3A_19, %dma_start3A] : memref<10240x128xf32, #tpu.memory_space<vmem_shared>> -> memref<128x128xf32, #tpu.memory_space<vmem_shared>>
      %dma_start3A_41 = arith.constant 0 : i32
      %dma_start3A_42 = tpu.memref_slice %arg5[%add3A_19, %dma_start3A_41] : memref<10240x128xf32, #tpu.memory_space<vmem_shared>> -> memref<128x128xf32, #tpu.memory_space<vmem_shared>>
      tpu.enqueue_dma source(%arg11 : memref<128x128xf32, #tpu.memory_space<vmem>>) target(%dma_start3A_42 : memref<128x128xf32, #tpu.memory_space<vmem_shared>>) target_semaphore(%run_scoped3A : memref<!tpu.dma_semaphore, #tpu.memory_space<semaphore_mem>>)
      %dma_wait3A = arith.constant 0 : i32
      %dma_wait3A_43 = tpu.memref_slice %arg5[%add3A_19, %dma_wait3A] : memref<10240x128xf32, #tpu.memory_space<vmem_shared>> -> memref<128x128xf32, #tpu.memory_space<vmem_shared>>
      %dma_wait3A_44 = arith.constant 0 : i32
      %dma_wait3A_45 = tpu.memref_slice %arg5[%add3A_19, %dma_wait3A_44] : memref<10240x128xf32, #tpu.memory_space<vmem_shared>> -> memref<128x128xf32, #tpu.memory_space<vmem_shared>>
      tpu.wait_dma2 semaphore(%run_scoped3A : memref<!tpu.dma_semaphore, #tpu.memory_space<semaphore_mem>>) src(%arg11 : memref<128x128xf32, #tpu.memory_space<vmem>>) dst(%dma_wait3A_45 : memref<128x128xf32, #tpu.memory_space<vmem_shared>>)
      tpu.yield
    }) : () -> ()
    %mul3A_20 = arith.constant 640 : i32
    %mul3A_21 = arith.muli %arg1, %mul3A_20 : i32
    %add3A_22 = arith.constant 384 : i32
    %add3A_23 = arith.addi %mul3A_21, %add3A_22 : i32
    "tpu.region"() ({
      %run_scoped3A = tpu.sem_alloc : memref<!tpu.dma_semaphore, #tpu.memory_space<semaphore_mem>>
      %dma_start3A = arith.constant 0 : i32
      %dma_start3A_40 = tpu.memref_slice %arg5[%add3A_23, %dma_start3A] : memref<10240x128xf32, #tpu.memory_space<vmem_shared>> -> memref<128x128xf32, #tpu.memory_space<vmem_shared>>
      %dma_start3A_41 = arith.constant 0 : i32
      %dma_start3A_42 = tpu.memref_slice %arg5[%add3A_23, %dma_start3A_41] : memref<10240x128xf32, #tpu.memory_space<vmem_shared>> -> memref<128x128xf32, #tpu.memory_space<vmem_shared>>
      tpu.enqueue_dma source(%arg11 : memref<128x128xf32, #tpu.memory_space<vmem>>) target(%dma_start3A_42 : memref<128x128xf32, #tpu.memory_space<vmem_shared>>) target_semaphore(%run_scoped3A : memref<!tpu.dma_semaphore, #tpu.memory_space<semaphore_mem>>)
      %dma_wait3A = arith.constant 0 : i32
      %dma_wait3A_43 = tpu.memref_slice %arg5[%add3A_23, %dma_wait3A] : memref<10240x128xf32, #tpu.memory_space<vmem_shared>> -> memref<128x128xf32, #tpu.memory_space<vmem_shared>>
      %dma_wait3A_44 = arith.constant 0 : i32
      %dma_wait3A_45 = tpu.memref_slice %arg5[%add3A_23, %dma_wait3A_44] : memref<10240x128xf32, #tpu.memory_space<vmem_shared>> -> memref<128x128xf32, #tpu.memory_space<vmem_shared>>
      tpu.wait_dma2 semaphore(%run_scoped3A : memref<!tpu.dma_semaphore, #tpu.memory_space<semaphore_mem>>) src(%arg11 : memref<128x128xf32, #tpu.memory_space<vmem>>) dst(%dma_wait3A_45 : memref<128x128xf32, #tpu.memory_space<vmem_shared>>)
      tpu.yield
    }) : () -> ()
    %mul3A_24 = arith.constant 640 : i32
    %mul3A_25 = arith.muli %arg1, %mul3A_24 : i32
    %add3A_26 = arith.constant 512 : i32
    %add3A_27 = arith.addi %mul3A_25, %add3A_26 : i32
    "tpu.region"() ({
      %run_scoped3A = tpu.sem_alloc : memref<!tpu.dma_semaphore, #tpu.memory_space<semaphore_mem>>
      %dma_start3A = arith.constant 0 : i32
      %dma_start3A_40 = tpu.memref_slice %arg5[%add3A_27, %dma_start3A] : memref<10240x128xf32, #tpu.memory_space<vmem_shared>> -> memref<128x128xf32, #tpu.memory_space<vmem_shared>>
      %dma_start3A_41 = arith.constant 0 : i32
      %dma_start3A_42 = tpu.memref_slice %arg5[%add3A_27, %dma_start3A_41] : memref<10240x128xf32, #tpu.memory_space<vmem_shared>> -> memref<128x128xf32, #tpu.memory_space<vmem_shared>>
      tpu.enqueue_dma source(%arg11 : memref<128x128xf32, #tpu.memory_space<vmem>>) target(%dma_start3A_42 : memref<128x128xf32, #tpu.memory_space<vmem_shared>>) target_semaphore(%run_scoped3A : memref<!tpu.dma_semaphore, #tpu.memory_space<semaphore_mem>>)
      %dma_wait3A = arith.constant 0 : i32
      %dma_wait3A_43 = tpu.memref_slice %arg5[%add3A_27, %dma_wait3A] : memref<10240x128xf32, #tpu.memory_space<vmem_shared>> -> memref<128x128xf32, #tpu.memory_space<vmem_shared>>
      %dma_wait3A_44 = arith.constant 0 : i32
      %dma_wait3A_45 = tpu.memref_slice %arg5[%add3A_27, %dma_wait3A_44] : memref<10240x128xf32, #tpu.memory_space<vmem_shared>> -> memref<128x128xf32, #tpu.memory_space<vmem_shared>>
      tpu.wait_dma2 semaphore(%run_scoped3A : memref<!tpu.dma_semaphore, #tpu.memory_space<semaphore_mem>>) src(%arg11 : memref<128x128xf32, #tpu.memory_space<vmem>>) dst(%dma_wait3A_45 : memref<128x128xf32, #tpu.memory_space<vmem_shared>>)
      tpu.yield
    }) : () -> ()
    "tpu.region"() ({
      %run_scoped3A = tpu.sem_alloc : memref<!tpu.dma_semaphore, #tpu.memory_space<semaphore_mem>>
      %dma_start3A = arith.constant 0 : i32
      %dma_start3A_40 = arith.constant 0 : i32
      %dma_start3A_41 = tpu.memref_slice %arg3[%add3A, %dma_start3A, %dma_start3A_40] : memref<32x80x128xi32, #tpu.memory_space<hbm>> -> memref<1x80x128xi32, #tpu.memory_space<hbm>>
      %dma_start3A_42 = tpu.memref_squeeze %dma_start3A_41 : memref<1x80x128xi32, #tpu.memory_space<hbm>> -> memref<80x128xi32, #tpu.memory_space<hbm>>
      %dma_start3A_43 = arith.constant 0 : i32
      %dma_start3A_44 = arith.constant 0 : i32
      %dma_start3A_45 = tpu.memref_slice %arg3[%add3A, %dma_start3A_43, %dma_start3A_44] : memref<32x80x128xi32, #tpu.memory_space<hbm>> -> memref<1x80x128xi32, #tpu.memory_space<hbm>>
      %dma_start3A_46 = tpu.memref_squeeze %dma_start3A_45 : memref<1x80x128xi32, #tpu.memory_space<hbm>> -> memref<80x128xi32, #tpu.memory_space<hbm>>
      tpu.enqueue_dma source(%dma_start3A_46 : memref<80x128xi32, #tpu.memory_space<hbm>>) target(%arg6 : memref<80x128xi32, #tpu.memory_space<vmem>>) target_semaphore(%run_scoped3A : memref<!tpu.dma_semaphore, #tpu.memory_space<semaphore_mem>>)
      %dma_wait3A = arith.constant 0 : i32
      %dma_wait3A_47 = arith.constant 0 : i32
      %dma_wait3A_48 = tpu.memref_slice %arg3[%add3A, %dma_wait3A, %dma_wait3A_47] : memref<32x80x128xi32, #tpu.memory_space<hbm>> -> memref<1x80x128xi32, #tpu.memory_space<hbm>>
      %dma_wait3A_49 = tpu.memref_squeeze %dma_wait3A_48 : memref<1x80x128xi32, #tpu.memory_space<hbm>> -> memref<80x128xi32, #tpu.memory_space<hbm>>
      %dma_wait3A_50 = arith.constant 0 : i32
      %dma_wait3A_51 = arith.constant 0 : i32
      %dma_wait3A_52 = tpu.memref_slice %arg3[%add3A, %dma_wait3A_50, %dma_wait3A_51] : memref<32x80x128xi32, #tpu.memory_space<hbm>> -> memref<1x80x128xi32, #tpu.memory_space<hbm>>
      %dma_wait3A_53 = tpu.memref_squeeze %dma_wait3A_52 : memref<1x80x128xi32, #tpu.memory_space<hbm>> -> memref<80x128xi32, #tpu.memory_space<hbm>>
      tpu.wait_dma2 semaphore(%run_scoped3A : memref<!tpu.dma_semaphore, #tpu.memory_space<semaphore_mem>>) src(%dma_wait3A_53 : memref<80x128xi32, #tpu.memory_space<hbm>>) dst(%arg6 : memref<80x128xi32, #tpu.memory_space<vmem>>)
      tpu.yield
    }) : () -> ()
    %barrier3A = arith.constant 0 : index
    tpu.barrier barrier_id(%barrier3A)
    %scan3A_28 = arith.constant 0 : i32
    %scan3A_29 = arith.constant 0 : i32
    %scan3A_30 = arith.constant 40 : i32
    %scan3A_31 = arith.addi %scan3A_29, %scan3A_30 : i32
    %scan3A_32 = arith.constant 1 : i32
    %scan3A_33 = scf.for %scan3A_40 = %scan3A_29 to %scan3A_31 step %scan3A_32 iter_args(%scan3A_41 = %scan3A_28) -> (i32)  : i32 {
      %mul3A_42 = arith.constant 2 : i32
      %mul3A_43 = arith.muli %mul3A_42, %scan3A_40 : i32
      %get3A = arith.index_cast %mul3A_43 : i32 to index
      %get3A_44 = arith.constant 0 : index
      %get3A_45 = tpu.vector_load %arg6[%get3A, %get3A_44] {strides = array<i32>} : memref<80x128xi32, #tpu.memory_space<vmem>>, vector<1x16xi32>,
      %get3A_46 = vector.shape_cast %get3A_45 : vector<1x16xi32> to vector<16xi32>
      %shift_right_logical3A = arith.constant 14 : i32
      %shift_right_logical3A_47 = vector.broadcast %shift_right_logical3A : i32 to vector<16xi32>
      %shift_right_logical3A_48 = arith.shrui %get3A_46, %shift_right_logical3A_47 : vector<16xi32>
      %swap3A = arith.constant 0 : index
      %swap3A_49 = tpu.vector_load %arg7[%swap3A] {strides = array<i32>} : memref<128xi32, #tpu.memory_space<vmem>>, vector<16xi32>,
      %swap3A_50 = vector.shape_cast %swap3A_49 : vector<16xi32> to vector<16xi32>
      %swap3A_51 = vector.shape_cast %shift_right_logical3A_48 : vector<16xi32> to vector<16xi32>
      tpu.vector_store %arg7[%swap3A], %swap3A_51 {strides = array<i32>} : memref<128xi32, #tpu.memory_space<vmem>>, vector<16xi32>,
      %and3A = arith.constant 16383 : i32
      %and3A_52 = vector.broadcast %and3A : i32 to vector<16xi32>
      %and3A_53 = arith.andi %get3A_46, %and3A_52 : vector<16xi32>
      %swap3A_54 = arith.constant 0 : index
      %swap3A_55 = tpu.vector_load %arg9[%swap3A_54] {strides = array<i32>} : memref<128xi32, #tpu.memory_space<vmem>>, vector<16xi32>,
      %swap3A_56 = vector.shape_cast %swap3A_55 : vector<16xi32> to vector<16xi32>
      %swap3A_57 = vector.shape_cast %and3A_53 : vector<16xi32> to vector<16xi32>
      tpu.vector_store %arg9[%swap3A_54], %swap3A_57 {strides = array<i32>} : memref<128xi32, #tpu.memory_space<vmem>>, vector<16xi32>,
      %get3A_58 = arith.index_cast %mul3A_43 : i32 to index
      %get3A_59 = arith.constant 16 : index
      %get3A_60 = tpu.vector_load %arg6[%get3A_58, %get3A_59] {strides = array<i32>} : memref<80x128xi32, #tpu.memory_space<vmem>>, vector<1x16xi32>,
      %get3A_61 = vector.shape_cast %get3A_60 : vector<1x16xi32> to vector<16xi32>
      %shift_right_logical3A_62 = arith.constant 14 : i32
      %shift_right_logical3A_63 = vector.broadcast %shift_right_logical3A_62 : i32 to vector<16xi32>
      %shift_right_logical3A_64 = arith.shrui %get3A_61, %shift_right_logical3A_63 : vector<16xi32>
      %swap3A_65 = arith.constant 16 : index
      %swap3A_66 = tpu.vector_load %arg7[%swap3A_65] {strides = array<i32>} : memref<128xi32, #tpu.memory_space<vmem>>, vector<16xi32>,
      %swap3A_67 = vector.shape_cast %swap3A_66 : vector<16xi32> to vector<16xi32>
      %swap3A_68 = vector.shape_cast %shift_right_logical3A_64 : vector<16xi32> to vector<16xi32>
      tpu.vector_store %arg7[%swap3A_65], %swap3A_68 {strides = array<i32>} : memref<128xi32, #tpu.memory_space<vmem>>, vector<16xi32>,
      %and3A_69 = arith.constant 16383 : i32
      %and3A_70 = vector.broadcast %and3A_69 : i32 to vector<16xi32>
      %and3A_71 = arith.andi %get3A_61, %and3A_70 : vector<16xi32>
      %swap3A_72 = arith.constant 16 : index
      %swap3A_73 = tpu.vector_load %arg9[%swap3A_72] {strides = array<i32>} : memref<128xi32, #tpu.memory_space<vmem>>, vector<16xi32>,
      %swap3A_74 = vector.shape_cast %swap3A_73 : vector<16xi32> to vector<16xi32>
      %swap3A_75 = vector.shape_cast %and3A_71 : vector<16xi32> to vector<16xi32>
      tpu.vector_store %arg9[%swap3A_72], %swap3A_75 {strides = array<i32>} : memref<128xi32, #tpu.memory_space<vmem>>, vector<16xi32>,
      %get3A_76 = arith.index_cast %mul3A_43 : i32 to index
      %get3A_77 = arith.constant 32 : index
      %get3A_78 = tpu.vector_load %arg6[%get3A_76, %get3A_77] {strides = array<i32>} : memref<80x128xi32, #tpu.memory_space<vmem>>, vector<1x16xi32>,
      %get3A_79 = vector.shape_cast %get3A_78 : vector<1x16xi32> to vector<16xi32>
      %shift_right_logical3A_80 = arith.constant 14 : i32
      %shift_right_logical3A_81 = vector.broadcast %shift_right_logical3A_80 : i32 to vector<16xi32>
      %shift_right_logical3A_82 = arith.shrui %get3A_79, %shift_right_logical3A_81 : vector<16xi32>
      %swap3A_83 = arith.constant 32 : index
      %swap3A_84 = tpu.vector_load %arg7[%swap3A_83] {strides = array<i32>} : memref<128xi32, #tpu.memory_space<vmem>>, vector<16xi32>,
      %swap3A_85 = vector.shape_cast %swap3A_84 : vector<16xi32> to vector<16xi32>
      %swap3A_86 = vector.shape_cast %shift_right_logical3A_82 : vector<16xi32> to vector<16xi32>
      tpu.vector_store %arg7[%swap3A_83], %swap3A_86 {strides = array<i32>} : memref<128xi32, #tpu.memory_space<vmem>>, vector<16xi32>,
      %and3A_87 = arith.constant 16383 : i32
      %and3A_88 = vector.broadcast %and3A_87 : i32 to vector<16xi32>
      %and3A_89 = arith.andi %get3A_79, %and3A_88 : vector<16xi32>
      %swap3A_90 = arith.constant 32 : index
      %swap3A_91 = tpu.vector_load %arg9[%swap3A_90] {strides = array<i32>} : memref<128xi32, #tpu.memory_space<vmem>>, vector<16xi32>,
      %swap3A_92 = vector.shape_cast %swap3A_91 : vector<16xi32> to vector<16xi32>
      %swap3A_93 = vector.shape_cast %and3A_89 : vector<16xi32> to vector<16xi32>
      tpu.vector_store %arg9[%swap3A_90], %swap3A_93 {strides = array<i32>} : memref<128xi32, #tpu.memory_space<vmem>>, vector<16xi32>,
      %get3A_94 = arith.index_cast %mul3A_43 : i32 to index
      %get3A_95 = arith.constant 48 : index
      %get3A_96 = tpu.vector_load %arg6[%get3A_94, %get3A_95] {strides = array<i32>} : memref<80x128xi32, #tpu.memory_space<vmem>>, vector<1x16xi32>,
      %get3A_97 = vector.shape_cast %get3A_96 : vector<1x16xi32> to vector<16xi32>
      %shift_right_logical3A_98 = arith.constant 14 : i32
      %shift_right_logical3A_99 = vector.broadcast %shift_right_logical3A_98 : i32 to vector<16xi32>
      %shift_right_logical3A_100 = arith.shrui %get3A_97, %shift_right_logical3A_99 : vector<16xi32>
      %swap3A_101 = arith.constant 48 : index
      %swap3A_102 = tpu.vector_load %arg7[%swap3A_101] {strides = array<i32>} : memref<128xi32, #tpu.memory_space<vmem>>, vector<16xi32>,
      %swap3A_103 = vector.shape_cast %swap3A_102 : vector<16xi32> to vector<16xi32>
      %swap3A_104 = vector.shape_cast %shift_right_logical3A_100 : vector<16xi32> to vector<16xi32>
      tpu.vector_store %arg7[%swap3A_101], %swap3A_104 {strides = array<i32>} : memref<128xi32, #tpu.memory_space<vmem>>, vector<16xi32>,
      %and3A_105 = arith.constant 16383 : i32
      %and3A_106 = vector.broadcast %and3A_105 : i32 to vector<16xi32>
      %and3A_107 = arith.andi %get3A_97, %and3A_106 : vector<16xi32>
      %swap3A_108 = arith.constant 48 : index
      %swap3A_109 = tpu.vector_load %arg9[%swap3A_108] {strides = array<i32>} : memref<128xi32, #tpu.memory_space<vmem>>, vector<16xi32>,
      %swap3A_110 = vector.shape_cast %swap3A_109 : vector<16xi32> to vector<16xi32>
      %swap3A_111 = vector.shape_cast %and3A_107 : vector<16xi32> to vector<16xi32>
      tpu.vector_store %arg9[%swap3A_108], %swap3A_111 {strides = array<i32>} : memref<128xi32, #tpu.memory_space<vmem>>, vector<16xi32>,
      %get3A_112 = arith.index_cast %mul3A_43 : i32 to index
      %get3A_113 = arith.constant 64 : index
      %get3A_114 = tpu.vector_load %arg6[%get3A_112, %get3A_113] {strides = array<i32>} : memref<80x128xi32, #tpu.memory_space<vmem>>, vector<1x16xi32>,
      %get3A_115 = vector.shape_cast %get3A_114 : vector<1x16xi32> to vector<16xi32>
      %shift_right_logical3A_116 = arith.constant 14 : i32
      %shift_right_logical3A_117 = vector.broadcast %shift_right_logical3A_116 : i32 to vector<16xi32>
      %shift_right_logical3A_118 = arith.shrui %get3A_115, %shift_right_logical3A_117 : vector<16xi32>
      %swap3A_119 = arith.constant 64 : index
      %swap3A_120 = tpu.vector_load %arg7[%swap3A_119] {strides = array<i32>} : memref<128xi32, #tpu.memory_space<vmem>>, vector<16xi32>,
      %swap3A_121 = vector.shape_cast %swap3A_120 : vector<16xi32> to vector<16xi32>
      %swap3A_122 = vector.shape_cast %shift_right_logical3A_118 : vector<16xi32> to vector<16xi32>
      tpu.vector_store %arg7[%swap3A_119], %swap3A_122 {strides = array<i32>} : memref<128xi32, #tpu.memory_space<vmem>>, vector<16xi32>,
      %and3A_123 = arith.constant 16383 : i32
      %and3A_124 = vector.broadcast %and3A_123 : i32 to vector<16xi32>
      %and3A_125 = arith.andi %get3A_115, %and3A_124 : vector<16xi32>
      %swap3A_126 = arith.constant 64 : index
      %swap3A_127 = tpu.vector_load %arg9[%swap3A_126] {strides = array<i32>} : memref<128xi32, #tpu.memory_space<vmem>>, vector<16xi32>,
      %swap3A_128 = vector.shape_cast %swap3A_127 : vector<16xi32> to vector<16xi32>
      %swap3A_129 = vector.shape_cast %and3A_125 : vector<16xi32> to vector<16xi32>
      tpu.vector_store %arg9[%swap3A_126], %swap3A_129 {strides = array<i32>} : memref<128xi32, #tpu.memory_space<vmem>>, vector<16xi32>,
      %get3A_130 = arith.index_cast %mul3A_43 : i32 to index
      %get3A_131 = arith.constant 80 : index
      %get3A_132 = tpu.vector_load %arg6[%get3A_130, %get3A_131] {strides = array<i32>} : memref<80x128xi32, #tpu.memory_space<vmem>>, vector<1x16xi32>,
      %get3A_133 = vector.shape_cast %get3A_132 : vector<1x16xi32> to vector<16xi32>
      %shift_right_logical3A_134 = arith.constant 14 : i32
      %shift_right_logical3A_135 = vector.broadcast %shift_right_logical3A_134 : i32 to vector<16xi32>
      %shift_right_logical3A_136 = arith.shrui %get3A_133, %shift_right_logical3A_135 : vector<16xi32>
      %swap3A_137 = arith.constant 80 : index
      %swap3A_138 = tpu.vector_load %arg7[%swap3A_137] {strides = array<i32>} : memref<128xi32, #tpu.memory_space<vmem>>, vector<16xi32>,
      %swap3A_139 = vector.shape_cast %swap3A_138 : vector<16xi32> to vector<16xi32>
      %swap3A_140 = vector.shape_cast %shift_right_logical3A_136 : vector<16xi32> to vector<16xi32>
      tpu.vector_store %arg7[%swap3A_137], %swap3A_140 {strides = array<i32>} : memref<128xi32, #tpu.memory_space<vmem>>, vector<16xi32>,
      %and3A_141 = arith.constant 16383 : i32
      %and3A_142 = vector.broadcast %and3A_141 : i32 to vector<16xi32>
      %and3A_143 = arith.andi %get3A_133, %and3A_142 : vector<16xi32>
      %swap3A_144 = arith.constant 80 : index
      %swap3A_145 = tpu.vector_load %arg9[%swap3A_144] {strides = array<i32>} : memref<128xi32, #tpu.memory_space<vmem>>, vector<16xi32>,
      %swap3A_146 = vector.shape_cast %swap3A_145 : vector<16xi32> to vector<16xi32>
      %swap3A_147 = vector.shape_cast %and3A_143 : vector<16xi32> to vector<16xi32>
      tpu.vector_store %arg9[%swap3A_144], %swap3A_147 {strides = array<i32>} : memref<128xi32, #tpu.memory_space<vmem>>, vector<16xi32>,
      %get3A_148 = arith.index_cast %mul3A_43 : i32 to index
      %get3A_149 = arith.constant 96 : index
      %get3A_150 = tpu.vector_load %arg6[%get3A_148, %get3A_149] {strides = array<i32>} : memref<80x128xi32, #tpu.memory_space<vmem>>, vector<1x16xi32>,
      %get3A_151 = vector.shape_cast %get3A_150 : vector<1x16xi32> to vector<16xi32>
      %shift_right_logical3A_152 = arith.constant 14 : i32
      %shift_right_logical3A_153 = vector.broadcast %shift_right_logical3A_152 : i32 to vector<16xi32>
      %shift_right_logical3A_154 = arith.shrui %get3A_151, %shift_right_logical3A_153 : vector<16xi32>
      %swap3A_155 = arith.constant 96 : index
      %swap3A_156 = tpu.vector_load %arg7[%swap3A_155] {strides = array<i32>} : memref<128xi32, #tpu.memory_space<vmem>>, vector<16xi32>,
      %swap3A_157 = vector.shape_cast %swap3A_156 : vector<16xi32> to vector<16xi32>
      %swap3A_158 = vector.shape_cast %shift_right_logical3A_154 : vector<16xi32> to vector<16xi32>
      tpu.vector_store %arg7[%swap3A_155], %swap3A_158 {strides = array<i32>} : memref<128xi32, #tpu.memory_space<vmem>>, vector<16xi32>,
      %and3A_159 = arith.constant 16383 : i32
      %and3A_160 = vector.broadcast %and3A_159 : i32 to vector<16xi32>
      %and3A_161 = arith.andi %get3A_151, %and3A_160 : vector<16xi32>
      %swap3A_162 = arith.constant 96 : index
      %swap3A_163 = tpu.vector_load %arg9[%swap3A_162] {strides = array<i32>} : memref<128xi32, #tpu.memory_space<vmem>>, vector<16xi32>,
      %swap3A_164 = vector.shape_cast %swap3A_163 : vector<16xi32> to vector<16xi32>
      %swap3A_165 = vector.shape_cast %and3A_161 : vector<16xi32> to vector<16xi32>
      tpu.vector_store %arg9[%swap3A_162], %swap3A_165 {strides = array<i32>} : memref<128xi32, #tpu.memory_space<vmem>>, vector<16xi32>,
      %get3A_166 = arith.index_cast %mul3A_43 : i32 to index
      %get3A_167 = arith.constant 112 : index
      %get3A_168 = tpu.vector_load %arg6[%get3A_166, %get3A_167] {strides = array<i32>} : memref<80x128xi32, #tpu.memory_space<vmem>>, vector<1x16xi32>,
      %get3A_169 = vector.shape_cast %get3A_168 : vector<1x16xi32> to vector<16xi32>
      %shift_right_logical3A_170 = arith.constant 14 : i32
      %shift_right_logical3A_171 = vector.broadcast %shift_right_logical3A_170 : i32 to vector<16xi32>
      %shift_right_logical3A_172 = arith.shrui %get3A_169, %shift_right_logical3A_171 : vector<16xi32>
      %swap3A_173 = arith.constant 112 : index
      %swap3A_174 = tpu.vector_load %arg7[%swap3A_173] {strides = array<i32>} : memref<128xi32, #tpu.memory_space<vmem>>, vector<16xi32>,
      %swap3A_175 = vector.shape_cast %swap3A_174 : vector<16xi32> to vector<16xi32>
      %swap3A_176 = vector.shape_cast %shift_right_logical3A_172 : vector<16xi32> to vector<16xi32>
      tpu.vector_store %arg7[%swap3A_173], %swap3A_176 {strides = array<i32>} : memref<128xi32, #tpu.memory_space<vmem>>, vector<16xi32>,
      %and3A_177 = arith.constant 16383 : i32
      %and3A_178 = vector.broadcast %and3A_177 : i32 to vector<16xi32>
      %and3A_179 = arith.andi %get3A_169, %and3A_178 : vector<16xi32>
      %swap3A_180 = arith.constant 112 : index
      %swap3A_181 = tpu.vector_load %arg9[%swap3A_180] {strides = array<i32>} : memref<128xi32, #tpu.memory_space<vmem>>, vector<16xi32>,
      %swap3A_182 = vector.shape_cast %swap3A_181 : vector<16xi32> to vector<16xi32>
      %swap3A_183 = vector.shape_cast %and3A_179 : vector<16xi32> to vector<16xi32>
      tpu.vector_store %arg9[%swap3A_180], %swap3A_183 {strides = array<i32>} : memref<128xi32, #tpu.memory_space<vmem>>, vector<16xi32>,
      %dma_start3A = arith.constant 0 : i32
      %dma_start3A_184 = arith.constant 0 : i32
      %dma_start3A_185 = tpu.memref_slice %arg2[%dma_start3A, %dma_start3A_184] : memref<10000x128xf32, #tpu.memory_space<hbm>> -> memref<10000x128xf32, #tpu.memory_space<hbm>>
      tpu.enqueue_indirect_dma source(%dma_start3A_185 : memref<10000x128xf32, #tpu.memory_space<hbm>>) target(%arg11 : memref<128x128xf32, #tpu.memory_space<vmem>>) offsets(%arg7 : memref<128xi32, #tpu.memory_space<vmem>>) semaphore(%arg13 : memref<!tpu.dma_semaphore, #tpu.memory_space<semaphore_mem>>)
      %add3A_186 = arith.constant 1 : i32
      %add3A_187 = arith.addi %mul3A_43, %add3A_186 : i32
      %get3A_188 = arith.index_cast %add3A_187 : i32 to index
      %get3A_189 = arith.constant 0 : index
      %get3A_190 = tpu.vector_load %arg6[%get3A_188, %get3A_189] {strides = array<i32>} : memref<80x128xi32, #tpu.memory_space<vmem>>, vector<1x16xi32>,
      %get3A_191 = vector.shape_cast %get3A_190 : vector<1x16xi32> to vector<16xi32>
      %shift_right_logical3A_192 = arith.constant 14 : i32
      %shift_right_logical3A_193 = vector.broadcast %shift_right_logical3A_192 : i32 to vector<16xi32>
      %shift_right_logical3A_194 = arith.shrui %get3A_191, %shift_right_logical3A_193 : vector<16xi32>
      %swap3A_195 = arith.constant 0 : index
      %swap3A_196 = tpu.vector_load %arg8[%swap3A_195] {strides = array<i32>} : memref<128xi32, #tpu.memory_space<vmem>>, vector<16xi32>,
      %swap3A_197 = vector.shape_cast %swap3A_196 : vector<16xi32> to vector<16xi32>
      %swap3A_198 = vector.shape_cast %shift_right_logical3A_194 : vector<16xi32> to vector<16xi32>
      tpu.vector_store %arg8[%swap3A_195], %swap3A_198 {strides = array<i32>} : memref<128xi32, #tpu.memory_space<vmem>>, vector<16xi32>,
      %and3A_199 = arith.constant 16383 : i32
      %and3A_200 = vector.broadcast %and3A_199 : i32 to vector<16xi32>
      %and3A_201 = arith.andi %get3A_191, %and3A_200 : vector<16xi32>
      %swap3A_202 = arith.constant 0 : index
      %swap3A_203 = tpu.vector_load %arg10[%swap3A_202] {strides = array<i32>} : memref<128xi32, #tpu.memory_space<vmem>>, vector<16xi32>,
      %swap3A_204 = vector.shape_cast %swap3A_203 : vector<16xi32> to vector<16xi32>
      %swap3A_205 = vector.shape_cast %and3A_201 : vector<16xi32> to vector<16xi32>
      tpu.vector_store %arg10[%swap3A_202], %swap3A_205 {strides = array<i32>} : memref<128xi32, #tpu.memory_space<vmem>>, vector<16xi32>,
      %get3A_206 = arith.index_cast %add3A_187 : i32 to index
      %get3A_207 = arith.constant 16 : index
      %get3A_208 = tpu.vector_load %arg6[%get3A_206, %get3A_207] {strides = array<i32>} : memref<80x128xi32, #tpu.memory_space<vmem>>, vector<1x16xi32>,
      %get3A_209 = vector.shape_cast %get3A_208 : vector<1x16xi32> to vector<16xi32>
      %shift_right_logical3A_210 = arith.constant 14 : i32
      %shift_right_logical3A_211 = vector.broadcast %shift_right_logical3A_210 : i32 to vector<16xi32>
      %shift_right_logical3A_212 = arith.shrui %get3A_209, %shift_right_logical3A_211 : vector<16xi32>
      %swap3A_213 = arith.constant 16 : index
      %swap3A_214 = tpu.vector_load %arg8[%swap3A_213] {strides = array<i32>} : memref<128xi32, #tpu.memory_space<vmem>>, vector<16xi32>,
      %swap3A_215 = vector.shape_cast %swap3A_214 : vector<16xi32> to vector<16xi32>
      %swap3A_216 = vector.shape_cast %shift_right_logical3A_212 : vector<16xi32> to vector<16xi32>
      tpu.vector_store %arg8[%swap3A_213], %swap3A_216 {strides = array<i32>} : memref<128xi32, #tpu.memory_space<vmem>>, vector<16xi32>,
      %and3A_217 = arith.constant 16383 : i32
      %and3A_218 = vector.broadcast %and3A_217 : i32 to vector<16xi32>
      %and3A_219 = arith.andi %get3A_209, %and3A_218 : vector<16xi32>
      %swap3A_220 = arith.constant 16 : index
      %swap3A_221 = tpu.vector_load %arg10[%swap3A_220] {strides = array<i32>} : memref<128xi32, #tpu.memory_space<vmem>>, vector<16xi32>,
      %swap3A_222 = vector.shape_cast %swap3A_221 : vector<16xi32> to vector<16xi32>
      %swap3A_223 = vector.shape_cast %and3A_219 : vector<16xi32> to vector<16xi32>
      tpu.vector_store %arg10[%swap3A_220], %swap3A_223 {strides = array<i32>} : memref<128xi32, #tpu.memory_space<vmem>>, vector<16xi32>,
      %get3A_224 = arith.index_cast %add3A_187 : i32 to index
      %get3A_225 = arith.constant 32 : index
      %get3A_226 = tpu.vector_load %arg6[%get3A_224, %get3A_225] {strides = array<i32>} : memref<80x128xi32, #tpu.memory_space<vmem>>, vector<1x16xi32>,
      %get3A_227 = vector.shape_cast %get3A_226 : vector<1x16xi32> to vector<16xi32>
      %shift_right_logical3A_228 = arith.constant 14 : i32
      %shift_right_logical3A_229 = vector.broadcast %shift_right_logical3A_228 : i32 to vector<16xi32>
      %shift_right_logical3A_230 = arith.shrui %get3A_227, %shift_right_logical3A_229 : vector<16xi32>
      %swap3A_231 = arith.constant 32 : index
      %swap3A_232 = tpu.vector_load %arg8[%swap3A_231] {strides = array<i32>} : memref<128xi32, #tpu.memory_space<vmem>>, vector<16xi32>,
      %swap3A_233 = vector.shape_cast %swap3A_232 : vector<16xi32> to vector<16xi32>
      %swap3A_234 = vector.shape_cast %shift_right_logical3A_230 : vector<16xi32> to vector<16xi32>
      tpu.vector_store %arg8[%swap3A_231], %swap3A_234 {strides = array<i32>} : memref<128xi32, #tpu.memory_space<vmem>>, vector<16xi32>,
      %and3A_235 = arith.constant 16383 : i32
      %and3A_236 = vector.broadcast %and3A_235 : i32 to vector<16xi32>
      %and3A_237 = arith.andi %get3A_227, %and3A_236 : vector<16xi32>
      %swap3A_238 = arith.constant 32 : index
      %swap3A_239 = tpu.vector_load %arg10[%swap3A_238] {strides = array<i32>} : memref<128xi32, #tpu.memory_space<vmem>>, vector<16xi32>,
      %swap3A_240 = vector.shape_cast %swap3A_239 : vector<16xi32> to vector<16xi32>
      %swap3A_241 = vector.shape_cast %and3A_237 : vector<16xi32> to vector<16xi32>
      tpu.vector_store %arg10[%swap3A_238], %swap3A_241 {strides = array<i32>} : memref<128xi32, #tpu.memory_space<vmem>>, vector<16xi32>,
      %get3A_242 = arith.index_cast %add3A_187 : i32 to index
      %get3A_243 = arith.constant 48 : index
      %get3A_244 = tpu.vector_load %arg6[%get3A_242, %get3A_243] {strides = array<i32>} : memref<80x128xi32, #tpu.memory_space<vmem>>, vector<1x16xi32>,
      %get3A_245 = vector.shape_cast %get3A_244 : vector<1x16xi32> to vector<16xi32>
      %shift_right_logical3A_246 = arith.constant 14 : i32
      %shift_right_logical3A_247 = vector.broadcast %shift_right_logical3A_246 : i32 to vector<16xi32>
      %shift_right_logical3A_248 = arith.shrui %get3A_245, %shift_right_logical3A_247 : vector<16xi32>
      %swap3A_249 = arith.constant 48 : index
      %swap3A_250 = tpu.vector_load %arg8[%swap3A_249] {strides = array<i32>} : memref<128xi32, #tpu.memory_space<vmem>>, vector<16xi32>,
      %swap3A_251 = vector.shape_cast %swap3A_250 : vector<16xi32> to vector<16xi32>
      %swap3A_252 = vector.shape_cast %shift_right_logical3A_248 : vector<16xi32> to vector<16xi32>
      tpu.vector_store %arg8[%swap3A_249], %swap3A_252 {strides = array<i32>} : memref<128xi32, #tpu.memory_space<vmem>>, vector<16xi32>,
      %and3A_253 = arith.constant 16383 : i32
      %and3A_254 = vector.broadcast %and3A_253 : i32 to vector<16xi32>
      %and3A_255 = arith.andi %get3A_245, %and3A_254 : vector<16xi32>
      %swap3A_256 = arith.constant 48 : index
      %swap3A_257 = tpu.vector_load %arg10[%swap3A_256] {strides = array<i32>} : memref<128xi32, #tpu.memory_space<vmem>>, vector<16xi32>,
      %swap3A_258 = vector.shape_cast %swap3A_257 : vector<16xi32> to vector<16xi32>
      %swap3A_259 = vector.shape_cast %and3A_255 : vector<16xi32> to vector<16xi32>
      tpu.vector_store %arg10[%swap3A_256], %swap3A_259 {strides = array<i32>} : memref<128xi32, #tpu.memory_space<vmem>>, vector<16xi32>,
      %get3A_260 = arith.index_cast %add3A_187 : i32 to index
      %get3A_261 = arith.constant 64 : index
      %get3A_262 = tpu.vector_load %arg6[%get3A_260, %get3A_261] {strides = array<i32>} : memref<80x128xi32, #tpu.memory_space<vmem>>, vector<1x16xi32>,
      %get3A_263 = vector.shape_cast %get3A_262 : vector<1x16xi32> to vector<16xi32>
      %shift_right_logical3A_264 = arith.constant 14 : i32
      %shift_right_logical3A_265 = vector.broadcast %shift_right_logical3A_264 : i32 to vector<16xi32>
      %shift_right_logical3A_266 = arith.shrui %get3A_263, %shift_right_logical3A_265 : vector<16xi32>
      %swap3A_267 = arith.constant 64 : index
      %swap3A_268 = tpu.vector_load %arg8[%swap3A_267] {strides = array<i32>} : memref<128xi32, #tpu.memory_space<vmem>>, vector<16xi32>,
      %swap3A_269 = vector.shape_cast %swap3A_268 : vector<16xi32> to vector<16xi32>
      %swap3A_270 = vector.shape_cast %shift_right_logical3A_266 : vector<16xi32> to vector<16xi32>
      tpu.vector_store %arg8[%swap3A_267], %swap3A_270 {strides = array<i32>} : memref<128xi32, #tpu.memory_space<vmem>>, vector<16xi32>,
      %and3A_271 = arith.constant 16383 : i32
      %and3A_272 = vector.broadcast %and3A_271 : i32 to vector<16xi32>
      %and3A_273 = arith.andi %get3A_263, %and3A_272 : vector<16xi32>
      %swap3A_274 = arith.constant 64 : index
      %swap3A_275 = tpu.vector_load %arg10[%swap3A_274] {strides = array<i32>} : memref<128xi32, #tpu.memory_space<vmem>>, vector<16xi32>,
      %swap3A_276 = vector.shape_cast %swap3A_275 : vector<16xi32> to vector<16xi32>
      %swap3A_277 = vector.shape_cast %and3A_273 : vector<16xi32> to vector<16xi32>
      tpu.vector_store %arg10[%swap3A_274], %swap3A_277 {strides = array<i32>} : memref<128xi32, #tpu.memory_space<vmem>>, vector<16xi32>,
      %get3A_278 = arith.index_cast %add3A_187 : i32 to index
      %get3A_279 = arith.constant 80 : index
      %get3A_280 = tpu.vector_load %arg6[%get3A_278, %get3A_279] {strides = array<i32>} : memref<80x128xi32, #tpu.memory_space<vmem>>, vector<1x16xi32>,
      %get3A_281 = vector.shape_cast %get3A_280 : vector<1x16xi32> to vector<16xi32>
      %shift_right_logical3A_282 = arith.constant 14 : i32
      %shift_right_logical3A_283 = vector.broadcast %shift_right_logical3A_282 : i32 to vector<16xi32>
      %shift_right_logical3A_284 = arith.shrui %get3A_281, %shift_right_logical3A_283 : vector<16xi32>
      %swap3A_285 = arith.constant 80 : index
      %swap3A_286 = tpu.vector_load %arg8[%swap3A_285] {strides = array<i32>} : memref<128xi32, #tpu.memory_space<vmem>>, vector<16xi32>,
      %swap3A_287 = vector.shape_cast %swap3A_286 : vector<16xi32> to vector<16xi32>
      %swap3A_288 = vector.shape_cast %shift_right_logical3A_284 : vector<16xi32> to vector<16xi32>
      tpu.vector_store %arg8[%swap3A_285], %swap3A_288 {strides = array<i32>} : memref<128xi32, #tpu.memory_space<vmem>>, vector<16xi32>,
      %and3A_289 = arith.constant 16383 : i32
      %and3A_290 = vector.broadcast %and3A_289 : i32 to vector<16xi32>
      %and3A_291 = arith.andi %get3A_281, %and3A_290 : vector<16xi32>
      %swap3A_292 = arith.constant 80 : index
      %swap3A_293 = tpu.vector_load %arg10[%swap3A_292] {strides = array<i32>} : memref<128xi32, #tpu.memory_space<vmem>>, vector<16xi32>,
      %swap3A_294 = vector.shape_cast %swap3A_293 : vector<16xi32> to vector<16xi32>
      %swap3A_295 = vector.shape_cast %and3A_291 : vector<16xi32> to vector<16xi32>
      tpu.vector_store %arg10[%swap3A_292], %swap3A_295 {strides = array<i32>} : memref<128xi32, #tpu.memory_space<vmem>>, vector<16xi32>,
      %get3A_296 = arith.index_cast %add3A_187 : i32 to index
      %get3A_297 = arith.constant 96 : index
      %get3A_298 = tpu.vector_load %arg6[%get3A_296, %get3A_297] {strides = array<i32>} : memref<80x128xi32, #tpu.memory_space<vmem>>, vector<1x16xi32>,
      %get3A_299 = vector.shape_cast %get3A_298 : vector<1x16xi32> to vector<16xi32>
      %shift_right_logical3A_300 = arith.constant 14 : i32
      %shift_right_logical3A_301 = vector.broadcast %shift_right_logical3A_300 : i32 to vector<16xi32>
      %shift_right_logical3A_302 = arith.shrui %get3A_299, %shift_right_logical3A_301 : vector<16xi32>
      %swap3A_303 = arith.constant 96 : index
      %swap3A_304 = tpu.vector_load %arg8[%swap3A_303] {strides = array<i32>} : memref<128xi32, #tpu.memory_space<vmem>>, vector<16xi32>,
      %swap3A_305 = vector.shape_cast %swap3A_304 : vector<16xi32> to vector<16xi32>
      %swap3A_306 = vector.shape_cast %shift_right_logical3A_302 : vector<16xi32> to vector<16xi32>
      tpu.vector_store %arg8[%swap3A_303], %swap3A_306 {strides = array<i32>} : memref<128xi32, #tpu.memory_space<vmem>>, vector<16xi32>,
      %and3A_307 = arith.constant 16383 : i32
      %and3A_308 = vector.broadcast %and3A_307 : i32 to vector<16xi32>
      %and3A_309 = arith.andi %get3A_299, %and3A_308 : vector<16xi32>
      %swap3A_310 = arith.constant 96 : index
      %swap3A_311 = tpu.vector_load %arg10[%swap3A_310] {strides = array<i32>} : memref<128xi32, #tpu.memory_space<vmem>>, vector<16xi32>,
      %swap3A_312 = vector.shape_cast %swap3A_311 : vector<16xi32> to vector<16xi32>
      %swap3A_313 = vector.shape_cast %and3A_309 : vector<16xi32> to vector<16xi32>
      tpu.vector_store %arg10[%swap3A_310], %swap3A_313 {strides = array<i32>} : memref<128xi32, #tpu.memory_space<vmem>>, vector<16xi32>,
      %get3A_314 = arith.index_cast %add3A_187 : i32 to index
      %get3A_315 = arith.constant 112 : index
      %get3A_316 = tpu.vector_load %arg6[%get3A_314, %get3A_315] {strides = array<i32>} : memref<80x128xi32, #tpu.memory_space<vmem>>, vector<1x16xi32>,
      %get3A_317 = vector.shape_cast %get3A_316 : vector<1x16xi32> to vector<16xi32>
      %shift_right_logical3A_318 = arith.constant 14 : i32
      %shift_right_logical3A_319 = vector.broadcast %shift_right_logical3A_318 : i32 to vector<16xi32>
      %shift_right_logical3A_320 = arith.shrui %get3A_317, %shift_right_logical3A_319 : vector<16xi32>
      %swap3A_321 = arith.constant 112 : index
      %swap3A_322 = tpu.vector_load %arg8[%swap3A_321] {strides = array<i32>} : memref<128xi32, #tpu.memory_space<vmem>>, vector<16xi32>,
      %swap3A_323 = vector.shape_cast %swap3A_322 : vector<16xi32> to vector<16xi32>
      %swap3A_324 = vector.shape_cast %shift_right_logical3A_320 : vector<16xi32> to vector<16xi32>
      tpu.vector_store %arg8[%swap3A_321], %swap3A_324 {strides = array<i32>} : memref<128xi32, #tpu.memory_space<vmem>>, vector<16xi32>,
      %and3A_325 = arith.constant 16383 : i32
      %and3A_326 = vector.broadcast %and3A_325 : i32 to vector<16xi32>
      %and3A_327 = arith.andi %get3A_317, %and3A_326 : vector<16xi32>
      %swap3A_328 = arith.constant 112 : index
      %swap3A_329 = tpu.vector_load %arg10[%swap3A_328] {strides = array<i32>} : memref<128xi32, #tpu.memory_space<vmem>>, vector<16xi32>,
      %swap3A_330 = vector.shape_cast %swap3A_329 : vector<16xi32> to vector<16xi32>
      %swap3A_331 = vector.shape_cast %and3A_327 : vector<16xi32> to vector<16xi32>
      tpu.vector_store %arg10[%swap3A_328], %swap3A_331 {strides = array<i32>} : memref<128xi32, #tpu.memory_space<vmem>>, vector<16xi32>,
      %dma_start3A_332 = arith.constant 0 : i32
      %dma_start3A_333 = arith.constant 0 : i32
      %dma_start3A_334 = tpu.memref_slice %arg2[%dma_start3A_332, %dma_start3A_333] : memref<10000x128xf32, #tpu.memory_space<hbm>> -> memref<10000x128xf32, #tpu.memory_space<hbm>>
      tpu.enqueue_indirect_dma source(%dma_start3A_334 : memref<10000x128xf32, #tpu.memory_space<hbm>>) target(%arg12 : memref<128x128xf32, #tpu.memory_space<vmem>>) offsets(%arg8 : memref<128xi32, #tpu.memory_space<vmem>>) semaphore(%arg14 : memref<!tpu.dma_semaphore, #tpu.memory_space<semaphore_mem>>)
      %dma_wait3A = arith.constant 0 : i32
      %dma_wait3A_335 = arith.constant 0 : i32
      %dma_wait3A_336 = tpu.memref_slice %arg2[%dma_wait3A, %dma_wait3A_335] : memref<10000x128xf32, #tpu.memory_space<hbm>> -> memref<10000x128xf32, #tpu.memory_space<hbm>>
      tpu.wait_indirect_dma semaphore(%arg13 : memref<!tpu.dma_semaphore, #tpu.memory_space<semaphore_mem>>) src(%dma_wait3A_336 : memref<10000x128xf32, #tpu.memory_space<hbm>>) dst(%arg11 : memref<128x128xf32, #tpu.memory_space<vmem>>)
      %dma_wait3A_337 = arith.constant 0 : i32
      %dma_wait3A_338 = arith.constant 0 : i32
      %dma_wait3A_339 = tpu.memref_slice %arg2[%dma_wait3A_337, %dma_wait3A_338] : memref<10000x128xf32, #tpu.memory_space<hbm>> -> memref<10000x128xf32, #tpu.memory_space<hbm>>
      tpu.wait_indirect_dma semaphore(%arg14 : memref<!tpu.dma_semaphore, #tpu.memory_space<semaphore_mem>>) src(%dma_wait3A_339 : memref<10000x128xf32, #tpu.memory_space<hbm>>) dst(%arg12 : memref<128x128xf32, #tpu.memory_space<vmem>>)
      "tpu.region"() ({
        %run_scoped3A = tpu.sem_alloc : memref<!tpu.dma_semaphore, #tpu.memory_space<semaphore_mem>>
        %dma_start3A_341 = arith.constant 0 : i32
        %dma_start3A_342 = arith.constant 0 : i32
        %dma_start3A_343 = tpu.memref_slice %arg5[%dma_start3A_341, %dma_start3A_342] : memref<10240x128xf32, #tpu.memory_space<vmem_shared>> -> memref<10240x128xf32, #tpu.memory_space<vmem_shared>>
        tpu.enqueue_indirect_dma source(%arg11 : memref<128x128xf32, #tpu.memory_space<vmem>>) target(%dma_start3A_343 : memref<10240x128xf32, #tpu.memory_space<vmem_shared>>) offsets(%arg9 : memref<128xi32, #tpu.memory_space<vmem>>) semaphore(%run_scoped3A : memref<!tpu.dma_semaphore, #tpu.memory_space<semaphore_mem>>) {add = true}
        %dma_wait3A_344 = arith.constant 0 : i32
        %dma_wait3A_345 = arith.constant 0 : i32
        %dma_wait3A_346 = tpu.memref_slice %arg5[%dma_wait3A_344, %dma_wait3A_345] : memref<10240x128xf32, #tpu.memory_space<vmem_shared>> -> memref<10240x128xf32, #tpu.memory_space<vmem_shared>>
        tpu.wait_indirect_dma semaphore(%run_scoped3A : memref<!tpu.dma_semaphore, #tpu.memory_space<semaphore_mem>>) src(%arg11 : memref<128x128xf32, #tpu.memory_space<vmem>>) dst(%dma_wait3A_346 : memref<10240x128xf32, #tpu.memory_space<vmem_shared>>)
        tpu.yield
      }) : () -> ()
      "tpu.region"() ({
        %run_scoped3A = tpu.sem_alloc : memref<!tpu.dma_semaphore, #tpu.memory_space<semaphore_mem>>
        %dma_start3A_341 = arith.constant 0 : i32
        %dma_start3A_342 = arith.constant 0 : i32
        %dma_start3A_343 = tpu.memref_slice %arg5[%dma_start3A_341, %dma_start3A_342] : memref<10240x128xf32, #tpu.memory_space<vmem_shared>> -> memref<10240x128xf32, #tpu.memory_space<vmem_shared>>
        tpu.enqueue_indirect_dma source(%arg12 : memref<128x128xf32, #tpu.memory_space<vmem>>) target(%dma_start3A_343 : memref<10240x128xf32, #tpu.memory_space<vmem_shared>>) offsets(%arg10 : memref<128xi32, #tpu.memory_space<vmem>>) semaphore(%run_scoped3A : memref<!tpu.dma_semaphore, #tpu.memory_space<semaphore_mem>>) {add = true}
        %dma_wait3A_344 = arith.constant 0 : i32
        %dma_wait3A_345 = arith.constant 0 : i32
        %dma_wait3A_346 = tpu.memref_slice %arg5[%dma_wait3A_344, %dma_wait3A_345] : memref<10240x128xf32, #tpu.memory_space<vmem_shared>> -> memref<10240x128xf32, #tpu.memory_space<vmem_shared>>
        tpu.wait_indirect_dma semaphore(%run_scoped3A : memref<!tpu.dma_semaphore, #tpu.memory_space<semaphore_mem>>) src(%arg12 : memref<128x128xf32, #tpu.memory_space<vmem>>) dst(%dma_wait3A_346 : memref<10240x128xf32, #tpu.memory_space<vmem_shared>>)
        tpu.yield
      }) : () -> ()
      %scan3A_340 = arith.constant 0 : i32
      scf.yield %scan3A_340 : i32
    }
    %scan3A_34 = arith.constant 40 : i32
    %barrier3A_35 = arith.constant 0 : index
    tpu.barrier barrier_id(%barrier3A_35)
    %mul3A_36 = arith.constant 640 : i32
    %mul3A_37 = arith.muli %arg1, %mul3A_36 : i32
    %mul3A_38 = arith.constant 640 : i32
    %mul3A_39 = arith.muli %arg1, %mul3A_38 : i32
    "tpu.region"() ({
      %run_scoped3A = tpu.sem_alloc : memref<!tpu.dma_semaphore, #tpu.memory_space<semaphore_mem>>
      %dma_start3A = arith.constant 0 : i32
      %dma_start3A_40 = arith.constant 0 : i32
      %dma_start3A_41 = tpu.memref_slice %arg4[%arg0, %dma_start3A, %dma_start3A_40] : memref<2x10240x128xf32, #tpu.memory_space<hbm>> -> memref<1x10240x128xf32, #tpu.memory_space<hbm>>
      %dma_start3A_42 = tpu.memref_squeeze %dma_start3A_41 : memref<1x10240x128xf32, #tpu.memory_space<hbm>> -> memref<10240x128xf32, #tpu.memory_space<hbm>>
      %dma_start3A_43 = arith.constant 0 : i32
      %dma_start3A_44 = tpu.memref_slice %dma_start3A_42[%mul3A_39, %dma_start3A_43] : memref<10240x128xf32, #tpu.memory_space<hbm>> -> memref<640x128xf32, #tpu.memory_space<hbm>>
      %dma_start3A_45 = arith.constant 0 : i32
      %dma_start3A_46 = tpu.memref_slice %arg5[%mul3A_37, %dma_start3A_45] : memref<10240x128xf32, #tpu.memory_space<vmem_shared>> -> memref<640x128xf32, #tpu.memory_space<vmem_shared>>
      tpu.enqueue_dma source(%dma_start3A_46 : memref<640x128xf32, #tpu.memory_space<vmem_shared>>) target(%dma_start3A_44 : memref<640x128xf32, #tpu.memory_space<hbm>>) target_semaphore(%run_scoped3A : memref<!tpu.dma_semaphore, #tpu.memory_space<semaphore_mem>>)
      %dma_wait3A = arith.constant 0 : i32
      %dma_wait3A_47 = arith.constant 0 : i32
      %dma_wait3A_48 = tpu.memref_slice %arg4[%arg0, %dma_wait3A, %dma_wait3A_47] : memref<2x10240x128xf32, #tpu.memory_space<hbm>> -> memref<1x10240x128xf32, #tpu.memory_space<hbm>>
      %dma_wait3A_49 = tpu.memref_squeeze %dma_wait3A_48 : memref<1x10240x128xf32, #tpu.memory_space<hbm>> -> memref<10240x128xf32, #tpu.memory_space<hbm>>
      %dma_wait3A_50 = arith.constant 0 : i32
      %dma_wait3A_51 = tpu.memref_slice %dma_wait3A_49[%mul3A_39, %dma_wait3A_50] : memref<10240x128xf32, #tpu.memory_space<hbm>> -> memref<640x128xf32, #tpu.memory_space<hbm>>
      %dma_wait3A_52 = arith.constant 0 : i32
      %dma_wait3A_53 = tpu.memref_slice %arg5[%mul3A_37, %dma_wait3A_52] : memref<10240x128xf32, #tpu.memory_space<vmem_shared>> -> memref<640x128xf32, #tpu.memory_space<vmem_shared>>
      tpu.wait_dma2 semaphore(%run_scoped3A : memref<!tpu.dma_semaphore, #tpu.memory_space<semaphore_mem>>) src(%dma_wait3A_53 : memref<640x128xf32, #tpu.memory_space<vmem_shared>>) dst(%dma_wait3A_51 : memref<640x128xf32, #tpu.memory_space<hbm>>)
      tpu.yield
    }) : () -> ()
    return
  }
}

module attributes {stable_mosaic.version = 14 : i64} {
  func.func @_k1_body(%arg0: i32, %arg1: memref<2000x128xf32, #tpu.memory_space<vmem>>, %arg2: memref<128x128xf32, #tpu.memory_space<vmem>>, %arg3: memref<2000x16xf32, #tpu.memory_space<vmem>>, %arg4: memref<2000x16xf32, #tpu.memory_space<vmem>>, %arg5: memref<2000x128xf32, #tpu.memory_space<vmem>>) attributes {dimension_semantics = [#tpu.dimension_semantics<arbitrary>], iteration_bounds = array<i64: 5>, scalar_prefetch = 0 : i64, scratch_operands = 0 : i64, tpu.core_type = #tpu.core_type<tc>, window_params = [{transform_indices = @transform_0, window_bounds = array<i64: 2000, 128>}, {pipeline_mode = #tpu.pipeline_mode<synchronous>, transform_indices = @transform_1, window_bounds = array<i64: 128, 128>}, {transform_indices = @transform_2, window_bounds = array<i64: 2000, 16>}, {transform_indices = @transform_3, window_bounds = array<i64: 2000, 16>}, {transform_indices = @transform_4, window_bounds = array<i64: 2000, 128>}]} {
    %get3A = arith.constant 0 : index
    %get3A_0 = arith.constant 0 : index
    %get3A_1 = vector.load %arg1[%get3A, %get3A_0] : memref<2000x128xf32, #tpu.memory_space<vmem>>, vector<2000x128xf32>
    %get3A_2 = arith.constant 0 : index
    %get3A_3 = arith.constant 0 : index
    %get3A_4 = vector.load %arg2[%get3A_2, %get3A_3] : memref<128x128xf32, #tpu.memory_space<vmem>>, vector<128x128xf32>
    %dot_general3A = arith.constant dense<0.000000e+00> : vector<2000x128xf32>
    %dot_general3A_5 = tpu.matmul %get3A_1, %get3A_4, %dot_general3A {dimension_numbers = #tpu.dot_dimension_numbers<[1], [0], [0], [1], [0, 0, 1, 1], [], []>, transpose_lhs_hint = false} : vector<2000x128xf32>, vector<128x128xf32>, vector<2000x128xf32> -> vector<2000x128xf32>
    %get3A_6 = arith.constant 0 : index
    %get3A_7 = arith.constant 0 : index
    %get3A_8 = vector.load %arg3[%get3A_6, %get3A_7] : memref<2000x16xf32, #tpu.memory_space<vmem>>, vector<2000x1xf32>
    %get3A_9 = arith.constant 0 : index
    %get3A_10 = arith.constant 0 : index
    %get3A_11 = vector.load %arg4[%get3A_9, %get3A_10] : memref<2000x16xf32, #tpu.memory_space<vmem>>, vector<2000x1xf32>
    %add3A = arith.addf %get3A_8, %get3A_11 : vector<2000x1xf32>
    %add3A_12 = arith.constant 1.000000e+00 : f32
    %add3A_13 = vector.broadcast %add3A_12 : f32 to vector<2000x1xf32>
    %add3A_14 = arith.addf %add3A, %add3A_13 : vector<2000x1xf32>
    %rsqrt3A = math.rsqrt %add3A_14 : vector<2000x1xf32>
    %mul3A = vector.broadcast %rsqrt3A : vector<2000x1xf32> to vector<2000x128xf32>
    %mul3A_15 = arith.mulf %dot_general3A_5, %mul3A : vector<2000x128xf32>
    %swap3A = arith.constant 0 : index
    %swap3A_16 = arith.constant 0 : index
    %swap3A_17 = vector.load %arg5[%swap3A, %swap3A_16] : memref<2000x128xf32, #tpu.memory_space<vmem>>, vector<2000x128xf32>
    tpu.vector_store %arg5[%swap3A, %swap3A_16], %mul3A_15 {strides = array<i32>} : memref<2000x128xf32, #tpu.memory_space<vmem>>, vector<2000x128xf32>,
    return
  }
  func.func @transform_0(%arg0: i32) -> (i32, i32) {
    %c0_i32 = arith.constant 0 : i32
    %c0_i32_0 = arith.constant 0 : i32
    return %arg0, %c0_i32 : i32, i32
  }
  func.func @transform_1(%arg0: i32) -> (i32, i32) {
    %c0_i32 = arith.constant 0 : i32
    %c0_i32_0 = arith.constant 0 : i32
    %c0_i32_1 = arith.constant 0 : i32
    return %c0_i32, %c0_i32_0 : i32, i32
  }
  func.func @transform_2(%arg0: i32) -> (i32, i32) {
    %c0_i32 = arith.constant 0 : i32
    %c0_i32_0 = arith.constant 0 : i32
    return %arg0, %c0_i32 : i32, i32
  }
  func.func @transform_3(%arg0: i32) -> (i32, i32) {
    %c0_i32 = arith.constant 0 : i32
    %c0_i32_0 = arith.constant 0 : i32
    return %arg0, %c0_i32 : i32, i32
  }
  func.func @transform_4(%arg0: i32) -> (i32, i32) {
    %c0_i32 = arith.constant 0 : i32
    %c0_i32_0 = arith.constant 0 : i32
    return %arg0, %c0_i32 : i32, i32
  }
}

module attributes {stable_mosaic.version = 14 : i64} {
  func.func @_k3_body(%arg0: i32, %arg1: memref<2000x128xf32, #tpu.memory_space<vmem>>, %arg2: memref<2000x128xf32, #tpu.memory_space<vmem>>, %arg3: memref<2000x128xf32, #tpu.memory_space<vmem>>, %arg4: memref<2000x16xf32, #tpu.memory_space<vmem>>, %arg5: memref<2000x16xf32, #tpu.memory_space<vmem>>, %arg6: memref<1x128xf32, #tpu.memory_space<vmem>>, %arg7: memref<2000x128xf32, #tpu.memory_space<vmem>>) attributes {dimension_semantics = [#tpu.dimension_semantics<arbitrary>], iteration_bounds = array<i64: 5>, scalar_prefetch = 0 : i64, scratch_operands = 0 : i64, tpu.core_type = #tpu.core_type<tc>, window_params = [{transform_indices = @transform_0, window_bounds = array<i64: 2000, 128>}, {transform_indices = @transform_1, window_bounds = array<i64: 2000, 128>}, {transform_indices = @transform_2, window_bounds = array<i64: 2000, 128>}, {transform_indices = @transform_3, window_bounds = array<i64: 2000, 16>}, {transform_indices = @transform_4, window_bounds = array<i64: 2000, 16>}, {pipeline_mode = #tpu.pipeline_mode<synchronous>, transform_indices = @transform_5, window_bounds = array<i64: 1, 128>}, {transform_indices = @transform_6, window_bounds = array<i64: 2000, 128>}]} {
    %get3A = arith.constant 0 : index
    %get3A_0 = arith.constant 0 : index
    %get3A_1 = vector.load %arg1[%get3A, %get3A_0] : memref<2000x128xf32, #tpu.memory_space<vmem>>, vector<2000x128xf32>
    %get3A_2 = arith.constant 0 : index
    %get3A_3 = arith.constant 0 : index
    %get3A_4 = vector.load %arg2[%get3A_2, %get3A_3] : memref<2000x128xf32, #tpu.memory_space<vmem>>, vector<2000x128xf32>
    %add3A = arith.addf %get3A_1, %get3A_4 : vector<2000x128xf32>
    %get3A_5 = arith.constant 0 : index
    %get3A_6 = arith.constant 0 : index
    %get3A_7 = vector.load %arg3[%get3A_5, %get3A_6] : memref<2000x128xf32, #tpu.memory_space<vmem>>, vector<2000x128xf32>
    %add3A_8 = arith.addf %add3A, %get3A_7 : vector<2000x128xf32>
    %get3A_9 = arith.constant 0 : index
    %get3A_10 = arith.constant 0 : index
    %get3A_11 = vector.load %arg4[%get3A_9, %get3A_10] : memref<2000x16xf32, #tpu.memory_space<vmem>>, vector<2000x1xf32>
    %get3A_12 = arith.constant 0 : index
    %get3A_13 = arith.constant 0 : index
    %get3A_14 = vector.load %arg5[%get3A_12, %get3A_13] : memref<2000x16xf32, #tpu.memory_space<vmem>>, vector<2000x1xf32>
    %add3A_15 = arith.addf %get3A_11, %get3A_14 : vector<2000x1xf32>
    %add3A_16 = arith.constant 1.000000e+00 : f32
    %add3A_17 = vector.broadcast %add3A_16 : f32 to vector<2000x1xf32>
    %add3A_18 = arith.addf %add3A_15, %add3A_17 : vector<2000x1xf32>
    %rsqrt3A = math.rsqrt %add3A_18 : vector<2000x1xf32>
    %mul3A = vector.broadcast %rsqrt3A : vector<2000x1xf32> to vector<2000x128xf32>
    %mul3A_19 = arith.mulf %add3A_8, %mul3A : vector<2000x128xf32>
    %get3A_20 = arith.constant 0 : index
    %get3A_21 = arith.constant 0 : index
    %get3A_22 = vector.load %arg6[%get3A_20, %get3A_21] : memref<1x128xf32, #tpu.memory_space<vmem>>, vector<1x128xf32>
    %add3A_23 = vector.broadcast %get3A_22 : vector<1x128xf32> to vector<2000x128xf32>
    %add3A_24 = arith.addf %mul3A_19, %add3A_23 : vector<2000x128xf32>
    %swap3A = arith.constant 0 : index
    %swap3A_25 = arith.constant 0 : index
    %swap3A_26 = vector.load %arg7[%swap3A, %swap3A_25] : memref<2000x128xf32, #tpu.memory_space<vmem>>, vector<2000x128xf32>
    tpu.vector_store %arg7[%swap3A, %swap3A_25], %add3A_24 {strides = array<i32>} : memref<2000x128xf32, #tpu.memory_space<vmem>>, vector<2000x128xf32>,
    return
  }
  func.func @transform_0(%arg0: i32) -> (i32, i32) {
    %c0_i32 = arith.constant 0 : i32
    %c0_i32_0 = arith.constant 0 : i32
    return %arg0, %c0_i32 : i32, i32
  }
  func.func @transform_1(%arg0: i32) -> (i32, i32) {
    %c0_i32 = arith.constant 0 : i32
    %c0_i32_0 = arith.constant 0 : i32
    return %arg0, %c0_i32 : i32, i32
  }
  func.func @transform_2(%arg0: i32) -> (i32, i32) {
    %c0_i32 = arith.constant 0 : i32
    %c0_i32_0 = arith.constant 0 : i32
    return %arg0, %c0_i32 : i32, i32
  }
  func.func @transform_3(%arg0: i32) -> (i32, i32) {
    %c0_i32 = arith.constant 0 : i32
    %c0_i32_0 = arith.constant 0 : i32
    return %arg0, %c0_i32 : i32, i32
  }
  func.func @transform_4(%arg0: i32) -> (i32, i32) {
    %c0_i32 = arith.constant 0 : i32
    %c0_i32_0 = arith.constant 0 : i32
    return %arg0, %c0_i32 : i32, i32
  }
  func.func @transform_5(%arg0: i32) -> (i32, i32) {
    %c0_i32 = arith.constant 0 : i32
    %c0_i32_0 = arith.constant 0 : i32
    %c0_i32_1 = arith.constant 0 : i32
    return %c0_i32, %c0_i32_0 : i32, i32
  }
  func.func @transform_6(%arg0: i32) -> (i32, i32) {
    %c0_i32 = arith.constant 0 : i32
    %c0_i32_0 = arith.constant 0 : i32
    return %arg0, %c0_i32 : i32, i32
  }
}

module attributes {stable_mosaic.version = 14 : i64} {
  func.func @_k2_body(%arg0: i32, %arg1: memref<2000x128xf32, #tpu.memory_space<vmem>>, %arg2: memref<2000x128xf32, #tpu.memory_space<vmem>>, %arg3: memref<2000x128xf32, #tpu.memory_space<vmem>>, %arg4: memref<2000x16xf32, #tpu.memory_space<vmem>>, %arg5: memref<2000x16xf32, #tpu.memory_space<vmem>>, %arg6: memref<1x128xf32, #tpu.memory_space<vmem>>, %arg7: memref<128x128xf32, #tpu.memory_space<vmem>>, %arg8: memref<2000x128xf32, #tpu.memory_space<vmem>>) attributes {dimension_semantics = [#tpu.dimension_semantics<arbitrary>], iteration_bounds = array<i64: 5>, scalar_prefetch = 0 : i64, scratch_operands = 0 : i64, tpu.core_type = #tpu.core_type<tc>, window_params = [{transform_indices = @transform_0, window_bounds = array<i64: 2000, 128>}, {transform_indices = @transform_1, window_bounds = array<i64: 2000, 128>}, {transform_indices = @transform_2, window_bounds = array<i64: 2000, 128>}, {transform_indices = @transform_3, window_bounds = array<i64: 2000, 16>}, {transform_indices = @transform_4, window_bounds = array<i64: 2000, 16>}, {pipeline_mode = #tpu.pipeline_mode<synchronous>, transform_indices = @transform_5, window_bounds = array<i64: 1, 128>}, {pipeline_mode = #tpu.pipeline_mode<synchronous>, transform_indices = @transform_6, window_bounds = array<i64: 128, 128>}, {transform_indices = @transform_7, window_bounds = array<i64: 2000, 128>}]} {
    %get3A = arith.constant 0 : index
    %get3A_0 = arith.constant 0 : index
    %get3A_1 = vector.load %arg4[%get3A, %get3A_0] : memref<2000x16xf32, #tpu.memory_space<vmem>>, vector<2000x1xf32>
    %get3A_2 = arith.constant 0 : index
    %get3A_3 = arith.constant 0 : index
    %get3A_4 = vector.load %arg5[%get3A_2, %get3A_3] : memref<2000x16xf32, #tpu.memory_space<vmem>>, vector<2000x1xf32>
    %add3A = arith.addf %get3A_1, %get3A_4 : vector<2000x1xf32>
    %add3A_5 = arith.constant 1.000000e+00 : f32
    %add3A_6 = vector.broadcast %add3A_5 : f32 to vector<2000x1xf32>
    %add3A_7 = arith.addf %add3A, %add3A_6 : vector<2000x1xf32>
    %rsqrt3A = math.rsqrt %add3A_7 : vector<2000x1xf32>
    %get3A_8 = arith.constant 0 : index
    %get3A_9 = arith.constant 0 : index
    %get3A_10 = vector.load %arg1[%get3A_8, %get3A_9] : memref<2000x128xf32, #tpu.memory_space<vmem>>, vector<2000x128xf32>
    %get3A_11 = arith.constant 0 : index
    %get3A_12 = arith.constant 0 : index
    %get3A_13 = vector.load %arg2[%get3A_11, %get3A_12] : memref<2000x128xf32, #tpu.memory_space<vmem>>, vector<2000x128xf32>
    %add3A_14 = arith.addf %get3A_10, %get3A_13 : vector<2000x128xf32>
    %get3A_15 = arith.constant 0 : index
    %get3A_16 = arith.constant 0 : index
    %get3A_17 = vector.load %arg3[%get3A_15, %get3A_16] : memref<2000x128xf32, #tpu.memory_space<vmem>>, vector<2000x128xf32>
    %add3A_18 = arith.addf %add3A_14, %get3A_17 : vector<2000x128xf32>
    %mul3A = vector.broadcast %rsqrt3A : vector<2000x1xf32> to vector<2000x128xf32>
    %mul3A_19 = arith.mulf %add3A_18, %mul3A : vector<2000x128xf32>
    %get3A_20 = arith.constant 0 : index
    %get3A_21 = arith.constant 0 : index
    %get3A_22 = vector.load %arg6[%get3A_20, %get3A_21] : memref<1x128xf32, #tpu.memory_space<vmem>>, vector<1x128xf32>
    %add3A_23 = vector.broadcast %get3A_22 : vector<1x128xf32> to vector<2000x128xf32>
    %add3A_24 = arith.addf %mul3A_19, %add3A_23 : vector<2000x128xf32>
    %max3A = arith.constant 0.000000e+00 : f32
    %max3A_25 = vector.broadcast %max3A : f32 to vector<2000x128xf32>
    %max3A_26 = arith.maximumf %add3A_24, %max3A_25 : vector<2000x128xf32>
    %get3A_27 = arith.constant 0 : index
    %get3A_28 = arith.constant 0 : index
    %get3A_29 = vector.load %arg7[%get3A_27, %get3A_28] : memref<128x128xf32, #tpu.memory_space<vmem>>, vector<128x128xf32>
    %dot_general3A = arith.constant dense<0.000000e+00> : vector<2000x128xf32>
    %dot_general3A_30 = tpu.matmul %max3A_26, %get3A_29, %dot_general3A {dimension_numbers = #tpu.dot_dimension_numbers<[1], [0], [0], [1], [0, 0, 1, 1], [], []>, transpose_lhs_hint = false} : vector<2000x128xf32>, vector<128x128xf32>, vector<2000x128xf32> -> vector<2000x128xf32>
    %mul3A_31 = vector.broadcast %rsqrt3A : vector<2000x1xf32> to vector<2000x128xf32>
    %mul3A_32 = arith.mulf %dot_general3A_30, %mul3A_31 : vector<2000x128xf32>
    %swap3A = arith.constant 0 : index
    %swap3A_33 = arith.constant 0 : index
    %swap3A_34 = vector.load %arg8[%swap3A, %swap3A_33] : memref<2000x128xf32, #tpu.memory_space<vmem>>, vector<2000x128xf32>
    tpu.vector_store %arg8[%swap3A, %swap3A_33], %mul3A_32 {strides = array<i32>} : memref<2000x128xf32, #tpu.memory_space<vmem>>, vector<2000x128xf32>,
    return
  }
  func.func @transform_0(%arg0: i32) -> (i32, i32) {
    %c0_i32 = arith.constant 0 : i32
    %c0_i32_0 = arith.constant 0 : i32
    return %arg0, %c0_i32 : i32, i32
  }
  func.func @transform_1(%arg0: i32) -> (i32, i32) {
    %c0_i32 = arith.constant 0 : i32
    %c0_i32_0 = arith.constant 0 : i32
    return %arg0, %c0_i32 : i32, i32
  }
  func.func @transform_2(%arg0: i32) -> (i32, i32) {
    %c0_i32 = arith.constant 0 : i32
    %c0_i32_0 = arith.constant 0 : i32
    return %arg0, %c0_i32 : i32, i32
  }
  func.func @transform_3(%arg0: i32) -> (i32, i32) {
    %c0_i32 = arith.constant 0 : i32
    %c0_i32_0 = arith.constant 0 : i32
    return %arg0, %c0_i32 : i32, i32
  }
  func.func @transform_4(%arg0: i32) -> (i32, i32) {
    %c0_i32 = arith.constant 0 : i32
    %c0_i32_0 = arith.constant 0 : i32
    return %arg0, %c0_i32 : i32, i32
  }
  func.func @transform_5(%arg0: i32) -> (i32, i32) {
    %c0_i32 = arith.constant 0 : i32
    %c0_i32_0 = arith.constant 0 : i32
    %c0_i32_1 = arith.constant 0 : i32
    return %c0_i32, %c0_i32_0 : i32, i32
  }
  func.func @transform_6(%arg0: i32) -> (i32, i32) {
    %c0_i32 = arith.constant 0 : i32
    %c0_i32_0 = arith.constant 0 : i32
    %c0_i32_1 = arith.constant 0 : i32
    return %c0_i32, %c0_i32_0 : i32, i32
  }
  func.func @transform_7(%arg0: i32) -> (i32, i32) {
    %c0_i32 = arith.constant 0 : i32
    %c0_i32_0 = arith.constant 0 : i32
    return %arg0, %c0_i32 : i32, i32
  }
}

</mosaic_0001>

<sc_bundles>
// kernel: kernel.11.cloned.1.call-start
scs
__scs_entry_jumppad:
0x0: {  	(pc) =	sbr.rel $0x88, $3  }
0x1: {  	(tag) =	ssettag $0x0;
	lr =	simm.s32 $0x1  }
0x2: {  	[smem:$0x3F9B] =	sst lr;
	_ =	strace $0xD0000000  }
0x3: {  	_ = 	snop  }
0x4: {  	_ = 	snop  }
0x5: {  	_ = 	snop  }
0x6: {  	_ = 	snop  }
0x7: {  	_ = 	snop  }
__scs_overlays_trampoline_lowered:
0x8: {  	[smem:$0x3FAA] =	sst s0  }
0x9: {  	[smem:$0x3FAB] =	sst s1  }
0xa: {  	[smem:$0x3FAC] =	sst s2  }
0xb: {  	[smem:$0x3FAD] =	sst s3  }
0xc: {  	[smem:$0x3FAE] =	sst s4  }
0xd: {  	[smem:$0x3FAF] =	sst s5  }
0xe: {  	[smem:$0x3FB0] =	sst s6  }
0xf: {  	[smem:$0x3FB1] =	sst s7  }
0x10: {  	[smem:$0x3FB2] =	sst s8  }
0x11: {  	[smem:$0x3FB3] =	sst s9;
	s0 =	simm.s32 @!p0 $0x0  }
0x12: {  	s1 =	sld [smem:$0x3F99];
	s0 =	simm.s32 @p0 $0x1  }
0x13: {  	[smem:$0x3FB4] =	sst s0;
	s0 =	simm.s32 @!p1 $0x0  }
0x14: {  	s2 =	sld [smem:$0x3F98];
	s0 =	simm.s32 @p1 $0x1  }
0x15: {  	[smem:$0x3FB5] =	sst s0;
	s0 =	simm.s32 @!p2 $0x0  }
0x16: {  	s3 =	sld [smem:$0x3FDB];
	s0 =	simm.s32 @p2 $0x1  }
0x17: {  	s4 =	simm.s32 $0x1BF5;
	[smem:$0x3FB7] =	sst s0  }
0x18: {  	s0 =	sld [smem:$0x3F9A];
	_ =	swait.ge [sflag:s4], $0x0  }
0x19: {  	s7 =	sld [smem:$0x3F9B]  }
0x1a: {  	s8 =	sadd.s32 $0xFFFFE003, lr  }
0x1b: {  	s9 =	sadd.s32 $0xFFFFFEF7, lr;
	s5 =	simm.s32 $0xFFFFFFFF;
	p2 =	slt.u32 s8, $0xFFFFF086  }
0x1c: {  	p1 =	slt.u32 s9, $0xF7A;
	s5 =	simm.s32 @!p2 $0x0  }
0x1d: {  	s5 =	simm.s32 @p1 $0x1;
	p0 =	seq.s32 s7, s2  }
0x1e: {  	s7 =	smul.u32 @!p0 $0xF7A, s2;
	p2 =	seq.s32 @!p0 s5, $0x0  }
0x1f: {  	s9 =	smul.u32 $0xF7A, s1;
	s8 =	simm.s32 @!p0 $0x1BF5;
	p2 =	por !p2, p0  }
0x20: {  	[sflag:s8] =	ssyncset.s32 @!p0 $0xFFFFF086;
	s6 =	sadd.s32 @!p0 s3, s7;
	s7 =	simm.s32 @!p0 $0x108  }
0x21: {  	s3 =	sadd.s32 s3, s9;
	s6 =	sadd.s32 @!p0 $0x88, s6;
	s7 =	simm.s32 @p2 $0x1082  }
0x22: {  	[simem:s7], [sflag:s8] =	dma.local @!p0 [hbm:s6], $0xF7A  }
0x23: {  	s9 =	sor.u32 $0xD0000000, s2;
	s6 =	simm.s32 $0x108;
	_ =	swait.ge @!p0 [sflag:s8], $0x0  }
0x24: {  	s3 =	sadd.s32 $0x88, s3;
	s6 =	simm.s32 @!p1 $0x1082;
	[sflag:s4] =	ssyncset.s32 $0xFFFFF086  }
0x25: {  	[simem:s6], [sflag:s4] =	dma.local [hbm:s3], $0xF7A  }
0x26: {  	[smem:$0x3F9B] =	sst s1;
	(tag) =	ssettag s2;
	_ =	strace s9  }
0x27: {  	s1 =	sld [smem:$0x3FAB]  }
0x28: {  	s2 =	sld [smem:$0x3FAC]  }
0x29: {  	s4 =	sld [smem:$0x3FAE]  }
0x2a: {  	p0 =	seq.s32 s5, $0x0;
	s5 =	sld [smem:$0x3FAF]  }
0x2b: {  	s6 =	sld [smem:$0x3FB0]  }
0x2c: {  	s7 =	sld [smem:$0x3FB1]  }
0x2d: {  	s3 =	simm.s32 $0x108;
	s8 =	sld [smem:$0x3FB2]  }
0x2e: {  	s3 =	simm.s32 @!p0 $0x1082;
	s9 =	sld [smem:$0x3FB3]  }
0x2f: {  	lr =	sadd.s32 s0, s3;
	s0 =	sld [smem:$0x3FAA]  }
0x30: {  	s3 =	sld [smem:$0x3FAD]  }
0x31: {  	[smem:$0x3FB6] =	sst s10  }
0x32: {  	s10 =	sld [smem:$0x3FB4];
	_ =	sdelay $0x3  }
0x33: {  	p0 =	seq.s32 s10, $0x1;
	s10 =	sld [smem:$0x3FB6];
	_ =	sdelay $0x3  }
0x34: {  	[smem:$0x3FB6] =	sst s10  }
0x35: {  	s10 =	sld [smem:$0x3FB5];
	_ =	sdelay $0x3  }
0x36: {  	p1 =	seq.s32 s10, $0x1;
	s10 =	sld [smem:$0x3FB6];
	_ =	sdelay $0x3  }
0x37: {  	[smem:$0x3FB6] =	sst s10  }
0x38: {  	s10 =	sld [smem:$0x3FB7]  }
0x39: {  	_ = 	snop;
	(pc) =	sbr.ind lr, $3  }
0x3a: {  	_ = 	snop  }
0x3b: {  	_ = 	snop  }
0x3c: {  	p2 =	seq.s32 s10, $0x1;
	s10 =	sld [smem:$0x3FB6]  }
0x3d: {  	_ =	shalt  }
0x3e: {  	_ =	shalt  }
0x3f: {  	_ =	shalt  }
0x40: {  	_ =	shalt  }
0x41: {  	_ =	shalt  }
0x42: {  	_ =	shalt  }
0x43: {  	_ =	shalt  }
0x44: {  	_ =	shalt  }
0x45: {  	_ =	shalt  }
0x46: {  	_ =	shalt  }
0x47: {  	_ =	shalt  }
0x48: {  	_ =	shalt  }
0x49: {  	_ =	shalt  }
0x4a: {  	_ =	shalt  }
0x4b: {  	_ =	shalt  }
0x4c: {  	_ =	shalt  }
0x4d: {  	_ =	shalt  }
0x4e: {  	_ =	shalt  }
0x4f: {  	_ =	shalt  }
0x50: {  	_ =	shalt  }
0x51: {  	_ =	shalt  }
0x52: {  	_ =	shalt  }
0x53: {  	_ =	shalt  }
0x54: {  	_ =	shalt  }
0x55: {  	_ =	shalt  }
0x56: {  	_ =	shalt  }
0x57: {  	_ =	shalt  }
0x58: {  	_ =	shalt  }
0x59: {  	_ =	shalt  }
0x5a: {  	_ =	shalt  }
0x5b: {  	_ =	shalt  }
0x5c: {  	_ =	shalt  }
0x5d: {  	_ =	shalt  }
0x5e: {  	_ =	shalt  }
0x5f: {  	_ =	shalt  }
0x60: {  	_ =	shalt  }
0x61: {  	_ =	shalt  }
0x62: {  	_ =	shalt  }
0x63: {  	_ =	shalt  }
0x64: {  	_ =	shalt  }
0x65: {  	_ =	shalt  }
0x66: {  	_ =	shalt  }
0x67: {  	_ =	shalt  }
0x68: {  	_ =	shalt  }
0x69: {  	_ =	shalt  }
0x6a: {  	_ =	shalt  }
0x6b: {  	_ =	shalt  }
0x6c: {  	_ =	shalt  }
0x6d: {  	_ =	shalt  }
0x6e: {  	_ =	shalt  }
0x6f: {  	_ =	shalt  }
0x70: {  	_ =	shalt  }
0x71: {  	_ =	shalt  }
0x72: {  	_ =	shalt  }
0x73: {  	_ =	shalt  }
0x74: {  	_ =	shalt  }
0x75: {  	_ =	shalt  }
0x76: {  	_ =	shalt  }
0x77: {  	_ =	shalt  }
0x78: {  	_ =	shalt  }
0x79: {  	_ =	shalt  }
0x7a: {  	_ =	shalt  }
0x7b: {  	_ =	shalt  }
0x7c: {  	_ =	shalt  }
0x7d: {  	_ =	shalt  }
0x7e: {  	_ =	shalt  }
0x7f: {  	_ =	shalt  }
0x80: {  	_ =	shalt  }
0x81: {  	_ =	shalt  }
0x82: {  	_ =	shalt  }
0x83: {  	_ =	shalt  }
0x84: {  	_ =	shalt  }
0x85: {  	_ =	shalt  }
0x86: {  	_ =	shalt  }
0x87: {  	_ =	shalt  }
.Lfunc_end0:
.L_simem_size_0:
called_computation.1_lowered:
.L_overlay_start_0:
0x88: {  	s2 =	sld [smem:$0x3FD9]  }
0x89: {  	s3 =	sld [smem:$0x3FFE];
	_ =	sdelay $0x1  }
0x8a: {  	s1 =	srdreg.scid  }
0x8b: {  	s0 =	sand.u32 $0x1, s1  }
0x8c: {  	s17 =	sshll.u32 s0, $0xA;
	s2 =	sadd.s32 s3, s2  }
0x8d: {  	s2 =	sadd.s32 s2, s17  }
0x8e: {  	[smem:$0x3FC2] =	sst s2  }
0x8f: {  	_ = 	snop  }
0x90: {  	s2 =	sld [smem:$0x3FD0];
	(tm) =	ssettm $0x1  }
0x91: {  	s18 =	sld [smem:$0x3FFB];
	_ =	sdelay $0x3  }
0x92: {  	_ =	strace s18  }
0x93: {  	s3 =	sld [smem:$0x3FFC];
	_ =	sdelay $0x3  }
0x94: {  	_ =	strace s3  }
0x95: {  	s3 =	sld [smem:$0x3FFD];
	_ =	sdelay $0x3  }
0x96: {  	_ =	strace s3  }
0x97: {  	_ =	strace $0x8FFFFFFF  }
0x98: {  	s19 =	sld [smem:$0x3FDB];
	_ =	sdelay $0x1  }
0x99: {  	s4 =	simm.s32 $_scs_section_size  }
0x9a: {  	s5 =	simm.s32 $_size__tile_overlayer_lowered;
	s6 =	simm.s32 $_tile_overlayer_lowered  }
0x9b: {  	s22 =	simm.s32 $0x1BFF;
	s21 =	sshll.u32 s6, $0x1;
	s3 =	sadd.s32 s4, s19  }
0x9c: {  	s7 =	simm.s32 $0x0;
	s20 =	sshll.u32 s5, $0x1;
	s5 =	sadd.s32 s21, s3  }
0x9d: {  	[timem:s7], [sflag:s22] =	dma.local [hbm:s5], s20  }
0x9e: {  	_ =	swait.ge [sflag:s22], s20  }
0x9f: {  	s4 =	ssub.s32 $0x0, s20;
	[sflag:s22] =	ssyncset.done $0x0  }
0xa0: {  	[sflag:s22] =	ssyncadd.s32 s4;
	_ =	sdelay $0x1  }
0xa1: {  	s23 =	simm.s32 $0x1B8B  }
0xa2: {  	_ =	swait.ge [sflag:s23], $0x1  }
0xa3: {  	[sflag:s23] =	ssyncset.done $0x0  }
0xa4: {  	s25 =	simm.s32 $0x1B8E;
	s24 =	sld [smem:$0x3FFE];
	[sflag:s23] =	ssyncadd.s32 $0xFFFFFFFF  }
0xa5: {  	s26 =	simm.s32 $execute0_lowered;
	[smem:$0x3FD2] =	sst s25  }
0xa6: {  	s5 =	sshll.u32 s26, $0x1;
	_ =	strace $0x80000049;
	[dreg:$0x1] =	wrdreg $0xFFFFFFFF  }
0xa7: {  	s28 =	simm.s32 $_size_execute0_lowered;
	s3 =	sadd.s32 s3, s5;
	[dreg:$0x0] =	wrdreg $0x0  }
0xa8: {  	s5 =	sshll.u32 s28, $0x1;
	[dreg:$0x2] =	wrdreg s3  }
0xa9: {  	[dreg:$0x3] =	wrdreg s5  }
0xaa: {  	[dreg:$0x4] =	wrdreg $0xC0  }
0xab: {  	_ =	task [dreg:s7], $0x5FFFF  }
0xac: {  	[dreg:$0x1] =	wrdreg $0xFFFFFFFF  }
0xad: {  	[dreg:$0x0] =	wrdreg $0x60  }
0xae: {  	[dreg:$0x2] =	wrdreg s2  }
0xaf: {  	[dreg:$0x3] =	wrdreg s24  }
0xb0: {  	[dreg:$0x4] =	wrdreg $0x0  }
0xb1: {  	[dreg:$0x5] =	wrdreg $0x9  }
0xb2: {  	_ =	task.clear_ibuf [dreg:s7], $0x6FFFF;
	_ =	strace $0x90000049  }
0xb3: {  	s29 =	simm.s32 $0x9;
	_ =	strace $0x8000004B  }
0xb4: {  	_ =	swait.ge [sflag:s29], $0x1  }
0xb5: {  	[sflag:s29] =	ssyncadd.s32 $0xFFFFFFFF  }
0xb6: {  	_ =	strace $0x9000004B  }
0xb7: {  	_ =	sfence  }
0xb8: {  	s30 =	sld [smem:$0x0];
	_ =	sdelay $0x2  }
0xb9: {  	s31 =	sshll.u32 s1, $0xD;
	s1 =	sshrl.u32 s1, $0x2  }
0xba: {  	s3 =	sand.u32 $0x4000, s31;
	s1 =	sadd.s32 s1, s30  }
0xbb: {  	s0 =	sor.u32 s3, s0;
	s1 =	sshll.u32 s1, $0x11  }
0xbc: {  	s0 =	sor.u32 s1, s0  }
0xbd: {  	s0 =	sadd.s32 $0x8F2B, s0  }
0xbe: {  	[sflag:s0] =	ssyncadd.remote.s32 $0x1  }
0xbf: {  	_ =	sfence.sel $0xFFFF  }
0xc0: {  	[dreg:$0x0] =	wrdreg $0xFFFFFFFF;
	(pc) =	sbr.abs _section_cstart, $3  }
0xc1: {  	[dreg:$0x1] =	wrdreg $0xFFFFFFFF  }
0xc2: {  	_ =	task.clear_ibuf [dreg:s7], $0x2FFFF;
	_ =	strace $0x9FFFFFFF  }
0xc3: {  	(tm) =	ssettm $0x7FFFFFFF  }
tec
execute0_lowered:
.L_overlay_start_1:
0x0: {  	(tag) =	ssettag $0x1  }
0x1: {  	s1 =	rddreg [dreg:$0x0]  }
0x2: {  	s0 =	srdreg.scid;
	s6 =	rddreg [dreg:$0x1]  }
0x3: {  	s3 =	rddreg [dreg:$0x2];
	s4 =	simm.s32 $0x0;
	s13 =	simm.s32 $0x3  }
0x4: {  	s14 =	simm.s32 $0x14000;
	s15 =	simm.s32 $0x80;
	s16 =	simm.s32 $0x16800  }
0x5: {  	s17 =	simm.s32 $0x16880;
	s18 =	simm.s32 $0x1AA00;
	s19 =	simm.s32 $0x1  }
0x6: {  	s20 =	simm.s32 $0x2;
	s5 =	sand.u32 $0x1, s0;
	s0 =	stileid.u32  }
0x7: {  	s21 =	simm.s32 $0x16900;
	s22 =	simm.s32 $0x16980;
	s8 =	smul.u32 $0x50000, s0  }
0x8: {  	[smem:$0x7FF] =	sst s4;
	s2 =	sshll.u32 s5, $0x4;
	s9 =	smul.u32 $0x28000, s5  }
0x9: {  	s29 =	ssub.s32 $0x2, s5;
	s24 =	smul.u32 $0x2800, s0;
	s7 =	sor.u32 s0, s2  }
0xa: {  	s2 =	rddreg [dreg:$0x3];
	_ =	strace $0x8000004A;
	s31 =	sshrl.u32 s29, $0x1  }
0xb: {  	s7 =	smul.u32 $0x500, s7;
	s30 =	sshrl.u32 s8, $0x2;
	s11 =	sadd.s32 s9, s6  }
0xc: {  	s12 =	ssub.s32 s29, s31;
	s5 =	sadd.s32 s30, s3;
	s23 =	sadd.s32 $0x5BA00, s11  }
0xd: {  	s11 =	smax.u32 s12, $0x1;
	s12 =	simm.s32 $0x16A00;
	s10 =	sadd.s32 s7, s6  }
0xe: {  	s6 =	sadd.s32 $0x4000, s5;
	s7 =	sadd.s32 $0x8000, s5;
	s8 =	sadd.s32 $0xC000, s5  }
0xf: {  	v0 =	vimm.f32 $0.0e+00;
	s9 =	sadd.s32 $0x10000, s5;
	s23 =	sadd.s32 s24, s23;
	s10 =	sadd.s32 $0x3600, s10  }
.LBB2_1:
0x10: {  	s24 =	simm.s32 $0x0;
	s25 =	simm.s32 $0x200  }
.LBB2_2:
0x11: {  	p0 =	sne.s32 s25, $0xFE00;
	[tilespmem:s24+$0x16A70] =	vst v0  }
0x12: {  	[tilespmem:s24+$0x16A00] =	vst v0  }
0x13: {  	[tilespmem:s24+$0x16A10] =	vst v0  }
.Ltmp0:
0x14: {  	[tilespmem:s24+$0x16A20] =	vst v0;
	(pc) =	sbr.rel @p0 .LBB2_2-.Ltmp0, $4  }
0x15: {  	[tilespmem:s24+$0x16A30] =	vst v0  }
0x16: {  	[tilespmem:s24+$0x16A40] =	vst v0  }
0x17: {  	[tilespmem:s24+$0x16A50] =	vst v0  }
0x18: {  	[tilespmem:s24+$0x16A60] =	vst v0;
	s24 =	sshra.s32 s25, $0x2;
	s25 =	sadd.s32 $0x200, s25  }
0x19: {  	[tilespmem:s24+$0x16A70] =	vst v0  }
0x1a: {  	[tilespmem:s24+$0x16A00] =	vst v0  }
0x1b: {  	[tilespmem:s24+$0x16A10] =	vst v0  }
0x1c: {  	[tilespmem:s24+$0x16A20] =	vst v0  }
0x1d: {  	[tilespmem:s24+$0x16A30] =	vst v0  }
0x1e: {  	[tilespmem:s24+$0x16A40] =	vst v0  }
0x1f: {  	[tilespmem:s24+$0x16A50] =	vst v0  }
0x20: {  	[tilespmem:s24+$0x16A60] =	vst v0  }
0x21: {  	[spmem:s5] =	stream.linear.scatter [tilespmem:s12], [sflag:$0x3], $0x4000, $0x38;
	[tilespmem:$0x1EA00] =	vst v63  }
0x22: {  	_ =	swait.ge [sflag:s13], $0x4000  }
0x23: {  	[sflag:s13] =	ssyncset.done $0x0  }
0x24: {  	[sflag:s13] =	ssyncadd.s32 $0xFFFFC000  }
0x25: {  	[spmem:s6] =	stream.linear.scatter [tilespmem:s12], [sflag:$0x3], $0x4000, $0x38;
	[tilespmem:$0x1EA00] =	vst v63  }
0x26: {  	_ =	swait.ge [sflag:s13], $0x4000  }
0x27: {  	[sflag:s13] =	ssyncset.done $0x0  }
0x28: {  	[sflag:s13] =	ssyncadd.s32 $0xFFFFC000  }
0x29: {  	[spmem:s7] =	stream.linear.scatter [tilespmem:s12], [sflag:$0x3], $0x4000, $0x38;
	[tilespmem:$0x1EA00] =	vst v63  }
0x2a: {  	_ =	swait.ge [sflag:s13], $0x4000  }
0x2b: {  	[sflag:s13] =	ssyncset.done $0x0  }
0x2c: {  	[sflag:s13] =	ssyncadd.s32 $0xFFFFC000  }
0x2d: {  	[spmem:s8] =	stream.linear.scatter [tilespmem:s12], [sflag:$0x3], $0x4000, $0x38;
	[tilespmem:$0x1EA00] =	vst v63  }
0x2e: {  	_ =	swait.ge [sflag:s13], $0x4000  }
0x2f: {  	[sflag:s13] =	ssyncset.done $0x0  }
0x30: {  	[sflag:s13] =	ssyncadd.s32 $0xFFFFC000  }
0x31: {  	[spmem:s9] =	stream.linear.scatter [tilespmem:s12], [sflag:$0x3], $0x4000, $0x38;
	[tilespmem:$0x1EA00] =	vst v63  }
0x32: {  	_ =	swait.ge [sflag:s13], $0x4000  }
0x33: {  	[sflag:s13] =	ssyncset.done $0x0  }
0x34: {  	s30 =	simm.s32 $0x0;
	[sflag:s13] =	ssyncadd.s32 $0xFFFFC000  }
0x35: {  	[tilespmem:s14], [sflag:$0x3] =	stream.linear.gather [hbm4b:s10+s30], $0x2800, $0x38;
	[tilespmem:$0x1EA00] =	vst v63  }
0x36: {  	_ =	swait.ge [sflag:s13], $0x2800  }
0x37: {  	[sflag:s13] =	ssyncset.done $0x0  }
0x38: {  	[sflag:s13] =	ssyncadd.s32 $0xFFFFD800  }
0x39: {  	s31 =	simm.s32 $0x0;
	[bflag:$0x0] =	sbarrier.arrive $0xFFFF  }
0x3a: {  	v1 =	vld [tilespmem:s31+$0x14000];
	_ =	sdelay $0x4  }
0x3b: {  	v2 =	vshrl.u32 v1, $0xE  }
0x3c: {  	v1 =	vand.u32 $0x3FFF, v1;
	[tilespmem:$0x16800] =	vst v2  }
0x3d: {  	[tilespmem:$0x16900] =	vst v1  }
0x3e: {  	v1 =	vld [tilespmem:s31+$0x14010];
	_ =	sdelay $0x4  }
0x3f: {  	v2 =	vshrl.u32 v1, $0xE  }
0x40: {  	v1 =	vand.u32 $0x3FFF, v1;
	[tilespmem:$0x16810] =	vst v2  }
0x41: {  	[tilespmem:$0x16910] =	vst v1  }
0x42: {  	v1 =	vld [tilespmem:s31+$0x14020];
	_ =	sdelay $0x4  }
0x43: {  	v2 =	vshrl.u32 v1, $0xE  }
0x44: {  	v1 =	vand.u32 $0x3FFF, v1;
	[tilespmem:$0x16820] =	vst v2  }
0x45: {  	[tilespmem:$0x16920] =	vst v1  }
0x46: {  	v1 =	vld [tilespmem:s31+$0x14030];
	_ =	sdelay $0x4  }
0x47: {  	v2 =	vshrl.u32 v1, $0xE  }
0x48: {  	v1 =	vand.u32 $0x3FFF, v1;
	[tilespmem:$0x16830] =	vst v2  }
0x49: {  	[tilespmem:$0x16930] =	vst v1  }
0x4a: {  	v1 =	vld [tilespmem:s31+$0x14040];
	_ =	sdelay $0x4  }
0x4b: {  	v2 =	vshrl.u32 v1, $0xE  }
0x4c: {  	v1 =	vand.u32 $0x3FFF, v1;
	[tilespmem:$0x16840] =	vst v2  }
0x4d: {  	[tilespmem:$0x16940] =	vst v1  }
0x4e: {  	v1 =	vld [tilespmem:s31+$0x14050];
	_ =	sdelay $0x4  }
0x4f: {  	v2 =	vshrl.u32 v1, $0xE  }
0x50: {  	v1 =	vand.u32 $0x3FFF, v1;
	[tilespmem:$0x16850] =	vst v2  }
0x51: {  	[tilespmem:$0x16950] =	vst v1  }
0x52: {  	v1 =	vld [tilespmem:s31+$0x14060];
	_ =	sdelay $0x4  }
0x53: {  	v2 =	vshrl.u32 v1, $0xE  }
0x54: {  	v1 =	vand.u32 $0x3FFF, v1;
	[tilespmem:$0x16860] =	vst v2  }
0x55: {  	[tilespmem:$0x16960] =	vst v1  }
0x56: {  	v1 =	vld [tilespmem:s31+$0x14070];
	_ =	sdelay $0x4  }
0x57: {  	v2 =	vshrl.u32 v1, $0xE  }
0x58: {  	v1 =	vand.u32 $0x3FFF, v1;
	[tilespmem:$0x16870] =	vst v2  }
0x59: {  	[tilespmem:$0x16970] =	vst v1  }
0x5a: {  	[tilespmem:s12], [sflag:$0x1] =	stream.indirect.gather [hbm4b:s1+s15], $0x80, s16, s15, $0xb8;
	[tilespmem:$0x1EA00] =	vst v63  }
0x5b: {  	v1 =	vld [tilespmem:s31+$0x14080];
	_ =	sdelay $0x4  }
0x5c: {  	v2 =	vshrl.u32 v1, $0xE  }
0x5d: {  	v1 =	vand.u32 $0x3FFF, v1;
	[tilespmem:$0x16880] =	vst v2  }
0x5e: {  	[tilespmem:$0x16980] =	vst v1  }
0x5f: {  	v1 =	vld [tilespmem:s31+$0x14090];
	_ =	sdelay $0x4  }
0x60: {  	v2 =	vshrl.u32 v1, $0xE  }
0x61: {  	v1 =	vand.u32 $0x3FFF, v1;
	[tilespmem:$0x16890] =	vst v2  }
0x62: {  	[tilespmem:$0x16990] =	vst v1  }
0x63: {  	v1 =	vld [tilespmem:s31+$0x140A0];
	_ =	sdelay $0x4  }
0x64: {  	v2 =	vshrl.u32 v1, $0xE  }
0x65: {  	v1 =	vand.u32 $0x3FFF, v1;
	[tilespmem:$0x168A0] =	vst v2  }
0x66: {  	[tilespmem:$0x169A0] =	vst v1  }
0x67: {  	v1 =	vld [tilespmem:s31+$0x140B0];
	_ =	sdelay $0x4  }
0x68: {  	v2 =	vshrl.u32 v1, $0xE  }
0x69: {  	v1 =	vand.u32 $0x3FFF, v1;
	[tilespmem:$0x168B0] =	vst v2  }
0x6a: {  	[tilespmem:$0x169B0] =	vst v1  }
0x6b: {  	v1 =	vld [tilespmem:s31+$0x140C0];
	_ =	sdelay $0x4  }
0x6c: {  	v2 =	vshrl.u32 v1, $0xE  }
0x6d: {  	v1 =	vand.u32 $0x3FFF, v1;
	[tilespmem:$0x168C0] =	vst v2  }
0x6e: {  	[tilespmem:$0x169C0] =	vst v1  }
0x6f: {  	v1 =	vld [tilespmem:s31+$0x140D0];
	_ =	sdelay $0x4  }
0x70: {  	v2 =	vshrl.u32 v1, $0xE  }
0x71: {  	v1 =	vand.u32 $0x3FFF, v1;
	[tilespmem:$0x168D0] =	vst v2  }
0x72: {  	[tilespmem:$0x169D0] =	vst v1  }
0x73: {  	v1 =	vld [tilespmem:s31+$0x140E0];
	_ =	sdelay $0x4  }
0x74: {  	v2 =	vshrl.u32 v1, $0xE  }
0x75: {  	v1 =	vand.u32 $0x3FFF, v1;
	[tilespmem:$0x168E0] =	vst v2  }
0x76: {  	[tilespmem:$0x169E0] =	vst v1  }
0x77: {  	v1 =	vld [tilespmem:s31+$0x140F0];
	_ =	sdelay $0x4  }
0x78: {  	s24 =	simm.s32 $0x400;
	v2 =	vshrl.u32 v1, $0xE;
	v1 =	vand.u32 $0x3FFF, v1  }
.LBB2_4:
0x79: {  	p0 =	sne.s32 s24, $0x9C00;
	[tilespmem:$0x168F0] =	vst v2;
	s25 =	smov.u32 s24;
	s24 =	sadd.s32 $0x400, s24  }
0x7a: {  	[tilespmem:$0x169F0] =	vst v1  }
0x7b: {  	[tilespmem:s18], [sflag:$0x2] =	stream.indirect.gather [hbm4b:s1+s15], $0x80, s17, s15, $0xb8;
	[tilespmem:$0x1EA00] =	vst v63  }
0x7c: {  	_ =	swait.ge [sflag:s19], $0x4000  }
0x7d: {  	[sflag:s19] =	ssyncset.done $0x0  }
0x7e: {  	[sflag:s19] =	ssyncadd.s32 $0xFFFFC000  }
0x7f: {  	_ =	swait.ge [sflag:s20], $0x4000  }
0x80: {  	[sflag:s20] =	ssyncset.done $0x0  }
0x81: {  	[sflag:s20] =	ssyncadd.s32 $0xFFFFC000  }
0x82: {  	[spmem:s3] =	stream.indirect.scatter.add.f32 [tilespmem:s12], [sflag:$0x3], $0x80, s21, s15, $0xb8;
	[tilespmem:$0x1EA00] =	vst v63  }
0x83: {  	_ =	swait.ge [sflag:s13], $0x4000  }
0x84: {  	[sflag:s13] =	ssyncset.done $0x0  }
0x85: {  	[sflag:s13] =	ssyncadd.s32 $0xFFFFC000  }
0x86: {  	[spmem:s3] =	stream.indirect.scatter.add.f32 [tilespmem:s18], [sflag:$0x3], $0x80, s22, s15, $0xb8;
	[tilespmem:$0x1EA00] =	vst v63  }
0x87: {  	_ =	swait.ge [sflag:s13], $0x4000  }
0x88: {  	[sflag:s13] =	ssyncset.done $0x0  }
0x89: {  	s25 =	sshra.s32 s25, $0x2;
	[sflag:s13] =	ssyncadd.s32 $0xFFFFC000  }
0x8a: {  	v1 =	vld [tilespmem:s25+$0x14000];
	_ =	sdelay $0x4  }
0x8b: {  	v2 =	vshrl.u32 v1, $0xE;
	v1 =	vand.u32 $0x3FFF, v1  }
0x8c: {  	[tilespmem:$0x16800] =	vst v2  }
0x8d: {  	[tilespmem:$0x16900] =	vst v1  }
0x8e: {  	v1 =	vld [tilespmem:s25+$0x14010];
	_ =	sdelay $0x4  }
0x8f: {  	v2 =	vshrl.u32 v1, $0xE;
	v1 =	vand.u32 $0x3FFF, v1  }
0x90: {  	[tilespmem:$0x16810] =	vst v2  }
0x91: {  	[tilespmem:$0x16910] =	vst v1  }
0x92: {  	v1 =	vld [tilespmem:s25+$0x14020];
	_ =	sdelay $0x4  }
0x93: {  	v2 =	vshrl.u32 v1, $0xE;
	v1 =	vand.u32 $0x3FFF, v1  }
0x94: {  	[tilespmem:$0x16820] =	vst v2  }
0x95: {  	[tilespmem:$0x16920] =	vst v1  }
0x96: {  	v1 =	vld [tilespmem:s25+$0x14030];
	_ =	sdelay $0x4  }
0x97: {  	v2 =	vshrl.u32 v1, $0xE;
	v1 =	vand.u32 $0x3FFF, v1  }
0x98: {  	[tilespmem:$0x16830] =	vst v2  }
0x99: {  	[tilespmem:$0x16930] =	vst v1  }
0x9a: {  	v1 =	vld [tilespmem:s25+$0x14040];
	_ =	sdelay $0x4  }
0x9b: {  	v2 =	vshrl.u32 v1, $0xE;
	v1 =	vand.u32 $0x3FFF, v1  }
0x9c: {  	[tilespmem:$0x16840] =	vst v2  }
0x9d: {  	[tilespmem:$0x16940] =	vst v1  }
0x9e: {  	v1 =	vld [tilespmem:s25+$0x14050];
	_ =	sdelay $0x4  }
0x9f: {  	v2 =	vshrl.u32 v1, $0xE;
	v1 =	vand.u32 $0x3FFF, v1  }
0xa0: {  	[tilespmem:$0x16850] =	vst v2  }
0xa1: {  	[tilespmem:$0x16950] =	vst v1  }
0xa2: {  	v1 =	vld [tilespmem:s25+$0x14060];
	_ =	sdelay $0x4  }
0xa3: {  	v2 =	vshrl.u32 v1, $0xE;
	v1 =	vand.u32 $0x3FFF, v1  }
0xa4: {  	[tilespmem:$0x16860] =	vst v2  }
0xa5: {  	[tilespmem:$0x16960] =	vst v1  }
0xa6: {  	v1 =	vld [tilespmem:s25+$0x14070];
	_ =	sdelay $0x4  }
0xa7: {  	v2 =	vshrl.u32 v1, $0xE;
	v1 =	vand.u32 $0x3FFF, v1  }
0xa8: {  	[tilespmem:$0x16870] =	vst v2  }
0xa9: {  	[tilespmem:$0x16970] =	vst v1  }
0xaa: {  	[tilespmem:s12], [sflag:$0x1] =	stream.indirect.gather [hbm4b:s1+s15], $0x80, s16, s15, $0xb8;
	[tilespmem:$0x1EA00] =	vst v63  }
0xab: {  	v1 =	vld [tilespmem:s25+$0x14080];
	_ =	sdelay $0x4  }
0xac: {  	v2 =	vshrl.u32 v1, $0xE;
	v1 =	vand.u32 $0x3FFF, v1  }
0xad: {  	[tilespmem:$0x16880] =	vst v2  }
0xae: {  	[tilespmem:$0x16980] =	vst v1  }
0xaf: {  	v1 =	vld [tilespmem:s25+$0x14090];
	_ =	sdelay $0x4  }
0xb0: {  	v2 =	vshrl.u32 v1, $0xE;
	v1 =	vand.u32 $0x3FFF, v1  }
0xb1: {  	[tilespmem:$0x16890] =	vst v2  }
0xb2: {  	[tilespmem:$0x16990] =	vst v1  }
0xb3: {  	v1 =	vld [tilespmem:s25+$0x140A0];
	_ =	sdelay $0x4  }
0xb4: {  	v2 =	vshrl.u32 v1, $0xE;
	v1 =	vand.u32 $0x3FFF, v1  }
0xb5: {  	[tilespmem:$0x168A0] =	vst v2  }
0xb6: {  	[tilespmem:$0x169A0] =	vst v1  }
0xb7: {  	v1 =	vld [tilespmem:s25+$0x140B0];
	_ =	sdelay $0x4  }
0xb8: {  	v2 =	vshrl.u32 v1, $0xE;
	v1 =	vand.u32 $0x3FFF, v1  }
0xb9: {  	[tilespmem:$0x168B0] =	vst v2  }
0xba: {  	[tilespmem:$0x169B0] =	vst v1  }
0xbb: {  	v1 =	vld [tilespmem:s25+$0x140C0];
	_ =	sdelay $0x4  }
0xbc: {  	v2 =	vshrl.u32 v1, $0xE;
	v1 =	vand.u32 $0x3FFF, v1  }
0xbd: {  	[tilespmem:$0x168C0] =	vst v2  }
0xbe: {  	[tilespmem:$0x169C0] =	vst v1  }
0xbf: {  	v1 =	vld [tilespmem:s25+$0x140D0];
	_ =	sdelay $0x4  }
0xc0: {  	v2 =	vshrl.u32 v1, $0xE;
	v1 =	vand.u32 $0x3FFF, v1  }
0xc1: {  	[tilespmem:$0x168D0] =	vst v2  }
0xc2: {  	[tilespmem:$0x169D0] =	vst v1  }
0xc3: {  	v1 =	vld [tilespmem:s25+$0x140E0];
	_ =	sdelay $0x4  }
0xc4: {  	v2 =	vshrl.u32 v1, $0xE;
	v1 =	vand.u32 $0x3FFF, v1  }
0xc5: {  	[tilespmem:$0x168E0] =	vst v2  }
0xc6: {  	[tilespmem:$0x169E0] =	vst v1  }
0xc7: {  	v1 =	vld [tilespmem:s25+$0x140F0]  }
.Ltmp1:
0xc8: {  	(pc) =	sbr.rel @p0 .LBB2_4-.Ltmp1, $2  }
0xc9: {  	_ =	sdelay $0x2  }
0xca: {  	v2 =	vshrl.u32 v1, $0xE;
	v1 =	vand.u32 $0x3FFF, v1  }
0xcb: {  	[tilespmem:$0x168F0] =	vst v2  }
0xcc: {  	[tilespmem:$0x169F0] =	vst v1  }
0xcd: {  	[tilespmem:s18], [sflag:$0x2] =	stream.indirect.gather [hbm4b:s1+s15], $0x80, s17, s15, $0xb8;
	[tilespmem:$0x1EA00] =	vst v63  }
0xce: {  	_ =	swait.ge [sflag:s19], $0x4000  }
0xcf: {  	[sflag:s19] =	ssyncset.done $0x0  }
0xd0: {  	[sflag:s19] =	ssyncadd.s32 $0xFFFFC000  }
0xd1: {  	_ =	swait.ge [sflag:s20], $0x4000  }
0xd2: {  	[sflag:s20] =	ssyncset.done $0x0  }
0xd3: {  	[sflag:s20] =	ssyncadd.s32 $0xFFFFC000  }
0xd4: {  	[spmem:s3] =	stream.indirect.scatter.add.f32 [tilespmem:s12], [sflag:$0x3], $0x80, s21, s15, $0xb8;
	[tilespmem:$0x1EA00] =	vst v63  }
0xd5: {  	_ =	swait.ge [sflag:s13], $0x4000  }
0xd6: {  	[sflag:s13] =	ssyncset.done $0x0  }
0xd7: {  	[sflag:s13] =	ssyncadd.s32 $0xFFFFC000  }
0xd8: {  	[spmem:s3] =	stream.indirect.scatter.add.f32 [tilespmem:s18], [sflag:$0x3], $0x80, s22, s15, $0xb8;
	[tilespmem:$0x1EA00] =	vst v63  }
0xd9: {  	_ =	swait.ge [sflag:s13], $0x4000  }
0xda: {  	s24 =	sshll.u32 s0, $0x6;
	s4 =	sadd.s32 $0x1, s4;
	[sflag:s13] =	ssyncset.done $0x0  }
0xdb: {  	s25 =	sshrl.u32 s5, $0x3;
	p0 =	sne.s32 s4, s11;
	[sflag:s13] =	ssyncadd.s32 $0xFFFFC000  }
.Ltmp2:
0xdc: {  	s24 =	sor.u32 $0x1C03, s24;
	[bflag:$0x0] =	sbarrier.arrive $0xFFFF;
	(pc) =	sbr.rel @p0 .LBB2_1-.Ltmp2, $4  }
0xdd: {  	[hbm:s23], [sflag:s24] =	dma.local [spmem:s25], $0x2800  }
0xde: {  	_ =	swait.ge [sflag:s13], $0x2800  }
0xdf: {  	[sflag:s13] =	ssyncset.done $0x0  }
0xe0: {  	[sflag:s13] =	ssyncadd.s32 $0xFFFFD800  }
0xe1: {  	_ =	sfence.sel $0x180000  }
0xe2: {  	[bflag:$0x0] =	sbarrier.arrive $0xFFFF  }
0xe3: {  	p0 =	sne.s32 s0, $0x0;
	_ =	strace $0x9000004A  }
0xe4: {  	s0 =	sadd.s32 @!p0 $0x100000, s2;
	[bflag:$0x2] =	sbarrier.arrive $0xFFFF  }
0xe5: {  	[sflag:s0] =	ssyncadd.tile.s32 @!p0 $0x1;
	_ =	shalt  }
.Lfunc_end2:
_tile_overlayer_lowered:
.L_overlay_start_2:
0xe6: {  	(tag) =	ssettag $0x2  }
0xe7: {  	s0 =	rddreg [dreg:$0x0];
	s2 =	stileid.u32  }
0xe8: {  	s1 =	rddreg [dreg:$0x1];
	p0 =	sne.s32 s2, $0x0  }
0xe9: {  	s3 =	rddreg [dreg:$0x2];
	[bflag:$0x3] =	sbarrier.arrive $0xFFFF;
	s2 =	simm.s32 @!p0 $0x1C03  }
0xea: {  	[timem:s3], [sflag:s2] =	dma.local @!p0 [hbm:s0], s1  }
0xeb: {  	s0 =	simm.s32 @!p0 $0x3  }
0xec: {  	_ =	swait.ge @!p0 [sflag:s0], s1  }
0xed: {  	s1 =	ssub.s32 @!p0 $0x0, s1;
	[sflag:s0] =	ssyncset.done @!p0 $0x0  }
0xee: {  	[sflag:s0] =	ssyncadd.s32 @!p0 s1  }
0xef: {  	[bflag:$0x3] =	sbarrier.arrive $0xFFFF  }
0xf0: {  	_ =	shalt  }

// kernel: kernel.14.cloned.1.call-start
scs
__scs_entry_jumppad:
0x0: {  	(pc) =	sbr.rel $0x88, $3  }
0x1: {  	(tag) =	ssettag $0x0;
	lr =	simm.s32 $0x1  }
0x2: {  	[smem:$0x3F9B] =	sst lr;
	_ =	strace $0xD0000000  }
0x3: {  	_ = 	snop  }
0x4: {  	_ = 	snop  }
0x5: {  	_ = 	snop  }
0x6: {  	_ = 	snop  }
0x7: {  	_ = 	snop  }
__scs_overlays_trampoline_lowered:
0x8: {  	[smem:$0x3FAA] =	sst s0  }
0x9: {  	[smem:$0x3FAB] =	sst s1  }
0xa: {  	[smem:$0x3FAC] =	sst s2  }
0xb: {  	[smem:$0x3FAD] =	sst s3  }
0xc: {  	[smem:$0x3FAE] =	sst s4  }
0xd: {  	[smem:$0x3FAF] =	sst s5  }
0xe: {  	[smem:$0x3FB0] =	sst s6  }
0xf: {  	[smem:$0x3FB1] =	sst s7  }
0x10: {  	[smem:$0x3FB2] =	sst s8  }
0x11: {  	[smem:$0x3FB3] =	sst s9;
	s0 =	simm.s32 @!p0 $0x0  }
0x12: {  	s1 =	sld [smem:$0x3F99];
	s0 =	simm.s32 @p0 $0x1  }
0x13: {  	[smem:$0x3FB4] =	sst s0;
	s0 =	simm.s32 @!p1 $0x0  }
0x14: {  	s2 =	sld [smem:$0x3F98];
	s0 =	simm.s32 @p1 $0x1  }
0x15: {  	[smem:$0x3FB5] =	sst s0;
	s0 =	simm.s32 @!p2 $0x0  }
0x16: {  	s3 =	sld [smem:$0x3FDB];
	s0 =	simm.s32 @p2 $0x1  }
0x17: {  	s4 =	simm.s32 $0x1BF5;
	[smem:$0x3FB7] =	sst s0  }
0x18: {  	s0 =	sld [smem:$0x3F9A];
	_ =	swait.ge [sflag:s4], $0x0  }
0x19: {  	s7 =	sld [smem:$0x3F9B]  }
0x1a: {  	s8 =	sadd.s32 $0xFFFFE003, lr  }
0x1b: {  	s9 =	sadd.s32 $0xFFFFFEF7, lr;
	s5 =	simm.s32 $0xFFFFFFFF;
	p2 =	slt.u32 s8, $0xFFFFF086  }
0x1c: {  	p1 =	slt.u32 s9, $0xF7A;
	s5 =	simm.s32 @!p2 $0x0  }
0x1d: {  	s5 =	simm.s32 @p1 $0x1;
	p0 =	seq.s32 s7, s2  }
0x1e: {  	s7 =	smul.u32 @!p0 $0xF7A, s2;
	p2 =	seq.s32 @!p0 s5, $0x0  }
0x1f: {  	s9 =	smul.u32 $0xF7A, s1;
	s8 =	simm.s32 @!p0 $0x1BF5;
	p2 =	por !p2, p0  }
0x20: {  	[sflag:s8] =	ssyncset.s32 @!p0 $0xFFFFF086;
	s6 =	sadd.s32 @!p0 s3, s7;
	s7 =	simm.s32 @!p0 $0x108  }
0x21: {  	s3 =	sadd.s32 s3, s9;
	s6 =	sadd.s32 @!p0 $0x88, s6;
	s7 =	simm.s32 @p2 $0x1082  }
0x22: {  	[simem:s7], [sflag:s8] =	dma.local @!p0 [hbm:s6], $0xF7A  }
0x23: {  	s9 =	sor.u32 $0xD0000000, s2;
	s6 =	simm.s32 $0x108;
	_ =	swait.ge @!p0 [sflag:s8], $0x0  }
0x24: {  	s3 =	sadd.s32 $0x88, s3;
	s6 =	simm.s32 @!p1 $0x1082;
	[sflag:s4] =	ssyncset.s32 $0xFFFFF086  }
0x25: {  	[simem:s6], [sflag:s4] =	dma.local [hbm:s3], $0xF7A  }
0x26: {  	[smem:$0x3F9B] =	sst s1;
	(tag) =	ssettag s2;
	_ =	strace s9  }
0x27: {  	s1 =	sld [smem:$0x3FAB]  }
0x28: {  	s2 =	sld [smem:$0x3FAC]  }
0x29: {  	s4 =	sld [smem:$0x3FAE]  }
0x2a: {  	p0 =	seq.s32 s5, $0x0;
	s5 =	sld [smem:$0x3FAF]  }
0x2b: {  	s6 =	sld [smem:$0x3FB0]  }
0x2c: {  	s7 =	sld [smem:$0x3FB1]  }
0x2d: {  	s3 =	simm.s32 $0x108;
	s8 =	sld [smem:$0x3FB2]  }
0x2e: {  	s3 =	simm.s32 @!p0 $0x1082;
	s9 =	sld [smem:$0x3FB3]  }
0x2f: {  	lr =	sadd.s32 s0, s3;
	s0 =	sld [smem:$0x3FAA]  }
0x30: {  	s3 =	sld [smem:$0x3FAD]  }
0x31: {  	[smem:$0x3FB6] =	sst s10  }
0x32: {  	s10 =	sld [smem:$0x3FB4];
	_ =	sdelay $0x3  }
0x33: {  	p0 =	seq.s32 s10, $0x1;
	s10 =	sld [smem:$0x3FB6];
	_ =	sdelay $0x3  }
0x34: {  	[smem:$0x3FB6] =	sst s10  }
0x35: {  	s10 =	sld [smem:$0x3FB5];
	_ =	sdelay $0x3  }
0x36: {  	p1 =	seq.s32 s10, $0x1;
	s10 =	sld [smem:$0x3FB6];
	_ =	sdelay $0x3  }
0x37: {  	[smem:$0x3FB6] =	sst s10  }
0x38: {  	s10 =	sld [smem:$0x3FB7]  }
0x39: {  	_ = 	snop;
	(pc) =	sbr.ind lr, $3  }
0x3a: {  	_ = 	snop  }
0x3b: {  	_ = 	snop  }
0x3c: {  	p2 =	seq.s32 s10, $0x1;
	s10 =	sld [smem:$0x3FB6]  }
0x3d: {  	_ =	shalt  }
0x3e: {  	_ =	shalt  }
0x3f: {  	_ =	shalt  }
0x40: {  	_ =	shalt  }
0x41: {  	_ =	shalt  }
0x42: {  	_ =	shalt  }
0x43: {  	_ =	shalt  }
0x44: {  	_ =	shalt  }
0x45: {  	_ =	shalt  }
0x46: {  	_ =	shalt  }
0x47: {  	_ =	shalt  }
0x48: {  	_ =	shalt  }
0x49: {  	_ =	shalt  }
0x4a: {  	_ =	shalt  }
0x4b: {  	_ =	shalt  }
0x4c: {  	_ =	shalt  }
0x4d: {  	_ =	shalt  }
0x4e: {  	_ =	shalt  }
0x4f: {  	_ =	shalt  }
0x50: {  	_ =	shalt  }
0x51: {  	_ =	shalt  }
0x52: {  	_ =	shalt  }
0x53: {  	_ =	shalt  }
0x54: {  	_ =	shalt  }
0x55: {  	_ =	shalt  }
0x56: {  	_ =	shalt  }
0x57: {  	_ =	shalt  }
0x58: {  	_ =	shalt  }
0x59: {  	_ =	shalt  }
0x5a: {  	_ =	shalt  }
0x5b: {  	_ =	shalt  }
0x5c: {  	_ =	shalt  }
0x5d: {  	_ =	shalt  }
0x5e: {  	_ =	shalt  }
0x5f: {  	_ =	shalt  }
0x60: {  	_ =	shalt  }
0x61: {  	_ =	shalt  }
0x62: {  	_ =	shalt  }
0x63: {  	_ =	shalt  }
0x64: {  	_ =	shalt  }
0x65: {  	_ =	shalt  }
0x66: {  	_ =	shalt  }
0x67: {  	_ =	shalt  }
0x68: {  	_ =	shalt  }
0x69: {  	_ =	shalt  }
0x6a: {  	_ =	shalt  }
0x6b: {  	_ =	shalt  }
0x6c: {  	_ =	shalt  }
0x6d: {  	_ =	shalt  }
0x6e: {  	_ =	shalt  }
0x6f: {  	_ =	shalt  }
0x70: {  	_ =	shalt  }
0x71: {  	_ =	shalt  }
0x72: {  	_ =	shalt  }
0x73: {  	_ =	shalt  }
0x74: {  	_ =	shalt  }
0x75: {  	_ =	shalt  }
0x76: {  	_ =	shalt  }
0x77: {  	_ =	shalt  }
0x78: {  	_ =	shalt  }
0x79: {  	_ =	shalt  }
0x7a: {  	_ =	shalt  }
0x7b: {  	_ =	shalt  }
0x7c: {  	_ =	shalt  }
0x7d: {  	_ =	shalt  }
0x7e: {  	_ =	shalt  }
0x7f: {  	_ =	shalt  }
0x80: {  	_ =	shalt  }
0x81: {  	_ =	shalt  }
0x82: {  	_ =	shalt  }
0x83: {  	_ =	shalt  }
0x84: {  	_ =	shalt  }
0x85: {  	_ =	shalt  }
0x86: {  	_ =	shalt  }
0x87: {  	_ =	shalt  }
.Lfunc_end0:
.L_simem_size_0:
called_computation.2_lowered:
.L_overlay_start_0:
0x88: {  	s2 =	sld [smem:$0x3FD9]  }
0x89: {  	s3 =	sld [smem:$0x3FFE];
	_ =	sdelay $0x1  }
0x8a: {  	s1 =	srdreg.scid  }
0x8b: {  	s0 =	sand.u32 $0x1, s1  }
0x8c: {  	s17 =	sshll.u32 s0, $0xA;
	s2 =	sadd.s32 s3, s2  }
0x8d: {  	s2 =	sadd.s32 s2, s17  }
0x8e: {  	[smem:$0x3FC2] =	sst s2  }
0x8f: {  	_ = 	snop  }
0x90: {  	s2 =	sld [smem:$0x3FD0];
	(tm) =	ssettm $0x1  }
0x91: {  	s18 =	sld [smem:$0x3FFB];
	_ =	sdelay $0x3  }
0x92: {  	_ =	strace s18  }
0x93: {  	s3 =	sld [smem:$0x3FFC];
	_ =	sdelay $0x3  }
0x94: {  	_ =	strace s3  }
0x95: {  	s3 =	sld [smem:$0x3FFD];
	_ =	sdelay $0x3  }
0x96: {  	_ =	strace s3  }
0x97: {  	_ =	strace $0x8FFFFFFF  }
0x98: {  	s19 =	sld [smem:$0x3FDB];
	_ =	sdelay $0x1  }
0x99: {  	s4 =	simm.s32 $_scs_section_size  }
0x9a: {  	s5 =	simm.s32 $_size__tile_overlayer_lowered;
	s6 =	simm.s32 $_tile_overlayer_lowered  }
0x9b: {  	s22 =	simm.s32 $0x1BFF;
	s21 =	sshll.u32 s6, $0x1;
	s3 =	sadd.s32 s4, s19  }
0x9c: {  	s7 =	simm.s32 $0x0;
	s20 =	sshll.u32 s5, $0x1;
	s5 =	sadd.s32 s21, s3  }
0x9d: {  	[timem:s7], [sflag:s22] =	dma.local [hbm:s5], s20  }
0x9e: {  	_ =	swait.ge [sflag:s22], s20  }
0x9f: {  	s4 =	ssub.s32 $0x0, s20;
	[sflag:s22] =	ssyncset.done $0x0  }
0xa0: {  	[sflag:s22] =	ssyncadd.s32 s4;
	_ =	sdelay $0x1  }
0xa1: {  	s23 =	simm.s32 $0x1B8B  }
0xa2: {  	_ =	swait.ge [sflag:s23], $0x1  }
0xa3: {  	[sflag:s23] =	ssyncset.done $0x0  }
0xa4: {  	s25 =	simm.s32 $0x1B8E;
	s24 =	sld [smem:$0x3FFE];
	[sflag:s23] =	ssyncadd.s32 $0xFFFFFFFF  }
0xa5: {  	s26 =	simm.s32 $execute0_lowered;
	[smem:$0x3FD2] =	sst s25  }
0xa6: {  	s5 =	sshll.u32 s26, $0x1;
	_ =	strace $0x8000004C;
	[dreg:$0x1] =	wrdreg $0xFFFFFFFF  }
0xa7: {  	s28 =	simm.s32 $_size_execute0_lowered;
	s3 =	sadd.s32 s3, s5;
	[dreg:$0x0] =	wrdreg $0x0  }
0xa8: {  	s5 =	sshll.u32 s28, $0x1;
	[dreg:$0x2] =	wrdreg s3  }
0xa9: {  	[dreg:$0x3] =	wrdreg s5  }
0xaa: {  	[dreg:$0x4] =	wrdreg $0xC0  }
0xab: {  	_ =	task [dreg:s7], $0x5FFFF  }
0xac: {  	[dreg:$0x1] =	wrdreg $0xFFFFFFFF  }
0xad: {  	[dreg:$0x0] =	wrdreg $0x60  }
0xae: {  	[dreg:$0x2] =	wrdreg s2  }
0xaf: {  	[dreg:$0x3] =	wrdreg s24  }
0xb0: {  	[dreg:$0x4] =	wrdreg $0x0  }
0xb1: {  	[dreg:$0x5] =	wrdreg $0x9  }
0xb2: {  	_ =	task.clear_ibuf [dreg:s7], $0x6FFFF;
	_ =	strace $0x9000004C  }
0xb3: {  	s29 =	simm.s32 $0x9;
	_ =	strace $0x8000004E  }
0xb4: {  	_ =	swait.ge [sflag:s29], $0x1  }
0xb5: {  	[sflag:s29] =	ssyncadd.s32 $0xFFFFFFFF  }
0xb6: {  	_ =	strace $0x9000004E  }
0xb7: {  	_ =	sfence  }
0xb8: {  	s30 =	sld [smem:$0x0];
	_ =	sdelay $0x2  }
0xb9: {  	s31 =	sshll.u32 s1, $0xD;
	s1 =	sshrl.u32 s1, $0x2  }
0xba: {  	s3 =	sand.u32 $0x4000, s31;
	s1 =	sadd.s32 s1, s30  }
0xbb: {  	s0 =	sor.u32 s3, s0;
	s1 =	sshll.u32 s1, $0x11  }
0xbc: {  	s0 =	sor.u32 s1, s0  }
0xbd: {  	s0 =	sadd.s32 $0x8F2B, s0  }
0xbe: {  	[sflag:s0] =	ssyncadd.remote.s32 $0x1  }
0xbf: {  	_ =	sfence.sel $0xFFFF  }
0xc0: {  	[dreg:$0x0] =	wrdreg $0xFFFFFFFF;
	(pc) =	sbr.abs _section_cstart, $3  }
0xc1: {  	[dreg:$0x1] =	wrdreg $0xFFFFFFFF  }
0xc2: {  	_ =	task.clear_ibuf [dreg:s7], $0x2FFFF;
	_ =	strace $0x9FFFFFFF  }
0xc3: {  	(tm) =	ssettm $0x7FFFFFFF  }
tec
execute0_lowered:
.L_overlay_start_1:
0x0: {  	(tag) =	ssettag $0x1  }
0x1: {  	s1 =	rddreg [dreg:$0x0]  }
0x2: {  	s0 =	srdreg.scid;
	s6 =	rddreg [dreg:$0x1]  }
0x3: {  	s3 =	rddreg [dreg:$0x2];
	s4 =	simm.s32 $0x0;
	s13 =	simm.s32 $0x3  }
0x4: {  	s14 =	simm.s32 $0x14000;
	s15 =	simm.s32 $0x80;
	s16 =	simm.s32 $0x16800  }
0x5: {  	s17 =	simm.s32 $0x16880;
	s18 =	simm.s32 $0x1AA00;
	s19 =	simm.s32 $0x1  }
0x6: {  	s20 =	simm.s32 $0x2;
	s5 =	sand.u32 $0x1, s0;
	s0 =	stileid.u32  }
0x7: {  	s21 =	simm.s32 $0x16900;
	s22 =	simm.s32 $0x16980;
	s8 =	smul.u32 $0x50000, s0  }
0x8: {  	[smem:$0x7FF] =	sst s4;
	s2 =	sshll.u32 s5, $0x4;
	s9 =	smul.u32 $0x28000, s5  }
0x9: {  	s29 =	ssub.s32 $0x2, s5;
	s24 =	smul.u32 $0x2800, s0;
	s7 =	sor.u32 s0, s2  }
0xa: {  	s2 =	rddreg [dreg:$0x3];
	_ =	strace $0x8000004D;
	s31 =	sshrl.u32 s29, $0x1  }
0xb: {  	s7 =	smul.u32 $0x500, s7;
	s30 =	sshrl.u32 s8, $0x2;
	s11 =	sadd.s32 s9, s6  }
0xc: {  	s12 =	ssub.s32 s29, s31;
	s5 =	sadd.s32 s30, s3;
	s23 =	sadd.s32 $0x5BA00, s11  }
0xd: {  	s11 =	smax.u32 s12, $0x1;
	s12 =	simm.s32 $0x16A00;
	s10 =	sadd.s32 s7, s6  }
0xe: {  	s6 =	sadd.s32 $0x4000, s5;
	s7 =	sadd.s32 $0x8000, s5;
	s8 =	sadd.s32 $0xC000, s5  }
0xf: {  	v0 =	vimm.f32 $0.0e+00;
	s9 =	sadd.s32 $0x10000, s5;
	s23 =	sadd.s32 s24, s23;
	s10 =	sadd.s32 $0x3600, s10  }
.LBB2_1:
0x10: {  	s24 =	simm.s32 $0x0;
	s25 =	simm.s32 $0x200  }
.LBB2_2:
0x11: {  	p0 =	sne.s32 s25, $0xFE00;
	[tilespmem:s24+$0x16A70] =	vst v0  }
0x12: {  	[tilespmem:s24+$0x16A00] =	vst v0  }
0x13: {  	[tilespmem:s24+$0x16A10] =	vst v0  }
.Ltmp0:
0x14: {  	[tilespmem:s24+$0x16A20] =	vst v0;
	(pc) =	sbr.rel @p0 .LBB2_2-.Ltmp0, $4  }
0x15: {  	[tilespmem:s24+$0x16A30] =	vst v0  }
0x16: {  	[tilespmem:s24+$0x16A40] =	vst v0  }
0x17: {  	[tilespmem:s24+$0x16A50] =	vst v0  }
0x18: {  	[tilespmem:s24+$0x16A60] =	vst v0;
	s24 =	sshra.s32 s25, $0x2;
	s25 =	sadd.s32 $0x200, s25  }
0x19: {  	[tilespmem:s24+$0x16A70] =	vst v0  }
0x1a: {  	[tilespmem:s24+$0x16A00] =	vst v0  }
0x1b: {  	[tilespmem:s24+$0x16A10] =	vst v0  }
0x1c: {  	[tilespmem:s24+$0x16A20] =	vst v0  }
0x1d: {  	[tilespmem:s24+$0x16A30] =	vst v0  }
0x1e: {  	[tilespmem:s24+$0x16A40] =	vst v0  }
0x1f: {  	[tilespmem:s24+$0x16A50] =	vst v0  }
0x20: {  	[tilespmem:s24+$0x16A60] =	vst v0  }
0x21: {  	[spmem:s5] =	stream.linear.scatter [tilespmem:s12], [sflag:$0x3], $0x4000, $0x38;
	[tilespmem:$0x1EA00] =	vst v63  }
0x22: {  	_ =	swait.ge [sflag:s13], $0x4000  }
0x23: {  	[sflag:s13] =	ssyncset.done $0x0  }
0x24: {  	[sflag:s13] =	ssyncadd.s32 $0xFFFFC000  }
0x25: {  	[spmem:s6] =	stream.linear.scatter [tilespmem:s12], [sflag:$0x3], $0x4000, $0x38;
	[tilespmem:$0x1EA00] =	vst v63  }
0x26: {  	_ =	swait.ge [sflag:s13], $0x4000  }
0x27: {  	[sflag:s13] =	ssyncset.done $0x0  }
0x28: {  	[sflag:s13] =	ssyncadd.s32 $0xFFFFC000  }
0x29: {  	[spmem:s7] =	stream.linear.scatter [tilespmem:s12], [sflag:$0x3], $0x4000, $0x38;
	[tilespmem:$0x1EA00] =	vst v63  }
0x2a: {  	_ =	swait.ge [sflag:s13], $0x4000  }
0x2b: {  	[sflag:s13] =	ssyncset.done $0x0  }
0x2c: {  	[sflag:s13] =	ssyncadd.s32 $0xFFFFC000  }
0x2d: {  	[spmem:s8] =	stream.linear.scatter [tilespmem:s12], [sflag:$0x3], $0x4000, $0x38;
	[tilespmem:$0x1EA00] =	vst v63  }
0x2e: {  	_ =	swait.ge [sflag:s13], $0x4000  }
0x2f: {  	[sflag:s13] =	ssyncset.done $0x0  }
0x30: {  	[sflag:s13] =	ssyncadd.s32 $0xFFFFC000  }
0x31: {  	[spmem:s9] =	stream.linear.scatter [tilespmem:s12], [sflag:$0x3], $0x4000, $0x38;
	[tilespmem:$0x1EA00] =	vst v63  }
0x32: {  	_ =	swait.ge [sflag:s13], $0x4000  }
0x33: {  	[sflag:s13] =	ssyncset.done $0x0  }
0x34: {  	s30 =	simm.s32 $0x0;
	[sflag:s13] =	ssyncadd.s32 $0xFFFFC000  }
0x35: {  	[tilespmem:s14], [sflag:$0x3] =	stream.linear.gather [hbm4b:s10+s30], $0x2800, $0x38;
	[tilespmem:$0x1EA00] =	vst v63  }
0x36: {  	_ =	swait.ge [sflag:s13], $0x2800  }
0x37: {  	[sflag:s13] =	ssyncset.done $0x0  }
0x38: {  	[sflag:s13] =	ssyncadd.s32 $0xFFFFD800  }
0x39: {  	s31 =	simm.s32 $0x0;
	[bflag:$0x0] =	sbarrier.arrive $0xFFFF  }
0x3a: {  	v1 =	vld [tilespmem:s31+$0x14000];
	_ =	sdelay $0x4  }
0x3b: {  	v2 =	vshrl.u32 v1, $0xE  }
0x3c: {  	v1 =	vand.u32 $0x3FFF, v1;
	[tilespmem:$0x16800] =	vst v2  }
0x3d: {  	[tilespmem:$0x16900] =	vst v1  }
0x3e: {  	v1 =	vld [tilespmem:s31+$0x14010];
	_ =	sdelay $0x4  }
0x3f: {  	v2 =	vshrl.u32 v1, $0xE  }
0x40: {  	v1 =	vand.u32 $0x3FFF, v1;
	[tilespmem:$0x16810] =	vst v2  }
0x41: {  	[tilespmem:$0x16910] =	vst v1  }
0x42: {  	v1 =	vld [tilespmem:s31+$0x14020];
	_ =	sdelay $0x4  }
0x43: {  	v2 =	vshrl.u32 v1, $0xE  }
0x44: {  	v1 =	vand.u32 $0x3FFF, v1;
	[tilespmem:$0x16820] =	vst v2  }
0x45: {  	[tilespmem:$0x16920] =	vst v1  }
0x46: {  	v1 =	vld [tilespmem:s31+$0x14030];
	_ =	sdelay $0x4  }
0x47: {  	v2 =	vshrl.u32 v1, $0xE  }
0x48: {  	v1 =	vand.u32 $0x3FFF, v1;
	[tilespmem:$0x16830] =	vst v2  }
0x49: {  	[tilespmem:$0x16930] =	vst v1  }
0x4a: {  	v1 =	vld [tilespmem:s31+$0x14040];
	_ =	sdelay $0x4  }
0x4b: {  	v2 =	vshrl.u32 v1, $0xE  }
0x4c: {  	v1 =	vand.u32 $0x3FFF, v1;
	[tilespmem:$0x16840] =	vst v2  }
0x4d: {  	[tilespmem:$0x16940] =	vst v1  }
0x4e: {  	v1 =	vld [tilespmem:s31+$0x14050];
	_ =	sdelay $0x4  }
0x4f: {  	v2 =	vshrl.u32 v1, $0xE  }
0x50: {  	v1 =	vand.u32 $0x3FFF, v1;
	[tilespmem:$0x16850] =	vst v2  }
0x51: {  	[tilespmem:$0x16950] =	vst v1  }
0x52: {  	v1 =	vld [tilespmem:s31+$0x14060];
	_ =	sdelay $0x4  }
0x53: {  	v2 =	vshrl.u32 v1, $0xE  }
0x54: {  	v1 =	vand.u32 $0x3FFF, v1;
	[tilespmem:$0x16860] =	vst v2  }
0x55: {  	[tilespmem:$0x16960] =	vst v1  }
0x56: {  	v1 =	vld [tilespmem:s31+$0x14070];
	_ =	sdelay $0x4  }
0x57: {  	v2 =	vshrl.u32 v1, $0xE  }
0x58: {  	v1 =	vand.u32 $0x3FFF, v1;
	[tilespmem:$0x16870] =	vst v2  }
0x59: {  	[tilespmem:$0x16970] =	vst v1  }
0x5a: {  	[tilespmem:s12], [sflag:$0x1] =	stream.indirect.gather [hbm4b:s1+s15], $0x80, s16, s15, $0xb8;
	[tilespmem:$0x1EA00] =	vst v63  }
0x5b: {  	v1 =	vld [tilespmem:s31+$0x14080];
	_ =	sdelay $0x4  }
0x5c: {  	v2 =	vshrl.u32 v1, $0xE  }
0x5d: {  	v1 =	vand.u32 $0x3FFF, v1;
	[tilespmem:$0x16880] =	vst v2  }
0x5e: {  	[tilespmem:$0x16980] =	vst v1  }
0x5f: {  	v1 =	vld [tilespmem:s31+$0x14090];
	_ =	sdelay $0x4  }
0x60: {  	v2 =	vshrl.u32 v1, $0xE  }
0x61: {  	v1 =	vand.u32 $0x3FFF, v1;
	[tilespmem:$0x16890] =	vst v2  }
0x62: {  	[tilespmem:$0x16990] =	vst v1  }
0x63: {  	v1 =	vld [tilespmem:s31+$0x140A0];
	_ =	sdelay $0x4  }
0x64: {  	v2 =	vshrl.u32 v1, $0xE  }
0x65: {  	v1 =	vand.u32 $0x3FFF, v1;
	[tilespmem:$0x168A0] =	vst v2  }
0x66: {  	[tilespmem:$0x169A0] =	vst v1  }
0x67: {  	v1 =	vld [tilespmem:s31+$0x140B0];
	_ =	sdelay $0x4  }
0x68: {  	v2 =	vshrl.u32 v1, $0xE  }
0x69: {  	v1 =	vand.u32 $0x3FFF, v1;
	[tilespmem:$0x168B0] =	vst v2  }
0x6a: {  	[tilespmem:$0x169B0] =	vst v1  }
0x6b: {  	v1 =	vld [tilespmem:s31+$0x140C0];
	_ =	sdelay $0x4  }
0x6c: {  	v2 =	vshrl.u32 v1, $0xE  }
0x6d: {  	v1 =	vand.u32 $0x3FFF, v1;
	[tilespmem:$0x168C0] =	vst v2  }
0x6e: {  	[tilespmem:$0x169C0] =	vst v1  }
0x6f: {  	v1 =	vld [tilespmem:s31+$0x140D0];
	_ =	sdelay $0x4  }
0x70: {  	v2 =	vshrl.u32 v1, $0xE  }
0x71: {  	v1 =	vand.u32 $0x3FFF, v1;
	[tilespmem:$0x168D0] =	vst v2  }
0x72: {  	[tilespmem:$0x169D0] =	vst v1  }
0x73: {  	v1 =	vld [tilespmem:s31+$0x140E0];
	_ =	sdelay $0x4  }
0x74: {  	v2 =	vshrl.u32 v1, $0xE  }
0x75: {  	v1 =	vand.u32 $0x3FFF, v1;
	[tilespmem:$0x168E0] =	vst v2  }
0x76: {  	[tilespmem:$0x169E0] =	vst v1  }
0x77: {  	v1 =	vld [tilespmem:s31+$0x140F0];
	_ =	sdelay $0x4  }
0x78: {  	s24 =	simm.s32 $0x400;
	v2 =	vshrl.u32 v1, $0xE;
	v1 =	vand.u32 $0x3FFF, v1  }
.LBB2_4:
0x79: {  	p0 =	sne.s32 s24, $0x9C00;
	[tilespmem:$0x168F0] =	vst v2;
	s25 =	smov.u32 s24;
	s24 =	sadd.s32 $0x400, s24  }
0x7a: {  	[tilespmem:$0x169F0] =	vst v1  }
0x7b: {  	[tilespmem:s18], [sflag:$0x2] =	stream.indirect.gather [hbm4b:s1+s15], $0x80, s17, s15, $0xb8;
	[tilespmem:$0x1EA00] =	vst v63  }
0x7c: {  	_ =	swait.ge [sflag:s19], $0x4000  }
0x7d: {  	[sflag:s19] =	ssyncset.done $0x0  }
0x7e: {  	[sflag:s19] =	ssyncadd.s32 $0xFFFFC000  }
0x7f: {  	_ =	swait.ge [sflag:s20], $0x4000  }
0x80: {  	[sflag:s20] =	ssyncset.done $0x0  }
0x81: {  	[sflag:s20] =	ssyncadd.s32 $0xFFFFC000  }
0x82: {  	[spmem:s3] =	stream.indirect.scatter.add.f32 [tilespmem:s12], [sflag:$0x3], $0x80, s21, s15, $0xb8;
	[tilespmem:$0x1EA00] =	vst v63  }
0x83: {  	_ =	swait.ge [sflag:s13], $0x4000  }
0x84: {  	[sflag:s13] =	ssyncset.done $0x0  }
0x85: {  	[sflag:s13] =	ssyncadd.s32 $0xFFFFC000  }
0x86: {  	[spmem:s3] =	stream.indirect.scatter.add.f32 [tilespmem:s18], [sflag:$0x3], $0x80, s22, s15, $0xb8;
	[tilespmem:$0x1EA00] =	vst v63  }
0x87: {  	_ =	swait.ge [sflag:s13], $0x4000  }
0x88: {  	[sflag:s13] =	ssyncset.done $0x0  }
0x89: {  	s25 =	sshra.s32 s25, $0x2;
	[sflag:s13] =	ssyncadd.s32 $0xFFFFC000  }
0x8a: {  	v1 =	vld [tilespmem:s25+$0x14000];
	_ =	sdelay $0x4  }
0x8b: {  	v2 =	vshrl.u32 v1, $0xE;
	v1 =	vand.u32 $0x3FFF, v1  }
0x8c: {  	[tilespmem:$0x16800] =	vst v2  }
0x8d: {  	[tilespmem:$0x16900] =	vst v1  }
0x8e: {  	v1 =	vld [tilespmem:s25+$0x14010];
	_ =	sdelay $0x4  }
0x8f: {  	v2 =	vshrl.u32 v1, $0xE;
	v1 =	vand.u32 $0x3FFF, v1  }
0x90: {  	[tilespmem:$0x16810] =	vst v2  }
0x91: {  	[tilespmem:$0x16910] =	vst v1  }
0x92: {  	v1 =	vld [tilespmem:s25+$0x14020];
	_ =	sdelay $0x4  }
0x93: {  	v2 =	vshrl.u32 v1, $0xE;
	v1 =	vand.u32 $0x3FFF, v1  }
0x94: {  	[tilespmem:$0x16820] =	vst v2  }
0x95: {  	[tilespmem:$0x16920] =	vst v1  }
0x96: {  	v1 =	vld [tilespmem:s25+$0x14030];
	_ =	sdelay $0x4  }
0x97: {  	v2 =	vshrl.u32 v1, $0xE;
	v1 =	vand.u32 $0x3FFF, v1  }
0x98: {  	[tilespmem:$0x16830] =	vst v2  }
0x99: {  	[tilespmem:$0x16930] =	vst v1  }
0x9a: {  	v1 =	vld [tilespmem:s25+$0x14040];
	_ =	sdelay $0x4  }
0x9b: {  	v2 =	vshrl.u32 v1, $0xE;
	v1 =	vand.u32 $0x3FFF, v1  }
0x9c: {  	[tilespmem:$0x16840] =	vst v2  }
0x9d: {  	[tilespmem:$0x16940] =	vst v1  }
0x9e: {  	v1 =	vld [tilespmem:s25+$0x14050];
	_ =	sdelay $0x4  }
0x9f: {  	v2 =	vshrl.u32 v1, $0xE;
	v1 =	vand.u32 $0x3FFF, v1  }
0xa0: {  	[tilespmem:$0x16850] =	vst v2  }
0xa1: {  	[tilespmem:$0x16950] =	vst v1  }
0xa2: {  	v1 =	vld [tilespmem:s25+$0x14060];
	_ =	sdelay $0x4  }
0xa3: {  	v2 =	vshrl.u32 v1, $0xE;
	v1 =	vand.u32 $0x3FFF, v1  }
0xa4: {  	[tilespmem:$0x16860] =	vst v2  }
0xa5: {  	[tilespmem:$0x16960] =	vst v1  }
0xa6: {  	v1 =	vld [tilespmem:s25+$0x14070];
	_ =	sdelay $0x4  }
0xa7: {  	v2 =	vshrl.u32 v1, $0xE;
	v1 =	vand.u32 $0x3FFF, v1  }
0xa8: {  	[tilespmem:$0x16870] =	vst v2  }
0xa9: {  	[tilespmem:$0x16970] =	vst v1  }
0xaa: {  	[tilespmem:s12], [sflag:$0x1] =	stream.indirect.gather [hbm4b:s1+s15], $0x80, s16, s15, $0xb8;
	[tilespmem:$0x1EA00] =	vst v63  }
0xab: {  	v1 =	vld [tilespmem:s25+$0x14080];
	_ =	sdelay $0x4  }
0xac: {  	v2 =	vshrl.u32 v1, $0xE;
	v1 =	vand.u32 $0x3FFF, v1  }
0xad: {  	[tilespmem:$0x16880] =	vst v2  }
0xae: {  	[tilespmem:$0x16980] =	vst v1  }
0xaf: {  	v1 =	vld [tilespmem:s25+$0x14090];
	_ =	sdelay $0x4  }
0xb0: {  	v2 =	vshrl.u32 v1, $0xE;
	v1 =	vand.u32 $0x3FFF, v1  }
0xb1: {  	[tilespmem:$0x16890] =	vst v2  }
0xb2: {  	[tilespmem:$0x16990] =	vst v1  }
0xb3: {  	v1 =	vld [tilespmem:s25+$0x140A0];
	_ =	sdelay $0x4  }
0xb4: {  	v2 =	vshrl.u32 v1, $0xE;
	v1 =	vand.u32 $0x3FFF, v1  }
0xb5: {  	[tilespmem:$0x168A0] =	vst v2  }
0xb6: {  	[tilespmem:$0x169A0] =	vst v1  }
0xb7: {  	v1 =	vld [tilespmem:s25+$0x140B0];
	_ =	sdelay $0x4  }
0xb8: {  	v2 =	vshrl.u32 v1, $0xE;
	v1 =	vand.u32 $0x3FFF, v1  }
0xb9: {  	[tilespmem:$0x168B0] =	vst v2  }
0xba: {  	[tilespmem:$0x169B0] =	vst v1  }
0xbb: {  	v1 =	vld [tilespmem:s25+$0x140C0];
	_ =	sdelay $0x4  }
0xbc: {  	v2 =	vshrl.u32 v1, $0xE;
	v1 =	vand.u32 $0x3FFF, v1  }
0xbd: {  	[tilespmem:$0x168C0] =	vst v2  }
0xbe: {  	[tilespmem:$0x169C0] =	vst v1  }
0xbf: {  	v1 =	vld [tilespmem:s25+$0x140D0];
	_ =	sdelay $0x4  }
0xc0: {  	v2 =	vshrl.u32 v1, $0xE;
	v1 =	vand.u32 $0x3FFF, v1  }
0xc1: {  	[tilespmem:$0x168D0] =	vst v2  }
0xc2: {  	[tilespmem:$0x169D0] =	vst v1  }
0xc3: {  	v1 =	vld [tilespmem:s25+$0x140E0];
	_ =	sdelay $0x4  }
0xc4: {  	v2 =	vshrl.u32 v1, $0xE;
	v1 =	vand.u32 $0x3FFF, v1  }
0xc5: {  	[tilespmem:$0x168E0] =	vst v2  }
0xc6: {  	[tilespmem:$0x169E0] =	vst v1  }
0xc7: {  	v1 =	vld [tilespmem:s25+$0x140F0]  }
.Ltmp1:
0xc8: {  	(pc) =	sbr.rel @p0 .LBB2_4-.Ltmp1, $2  }
0xc9: {  	_ =	sdelay $0x2  }
0xca: {  	v2 =	vshrl.u32 v1, $0xE;
	v1 =	vand.u32 $0x3FFF, v1  }
0xcb: {  	[tilespmem:$0x168F0] =	vst v2  }
0xcc: {  	[tilespmem:$0x169F0] =	vst v1  }
0xcd: {  	[tilespmem:s18], [sflag:$0x2] =	stream.indirect.gather [hbm4b:s1+s15], $0x80, s17, s15, $0xb8;
	[tilespmem:$0x1EA00] =	vst v63  }
0xce: {  	_ =	swait.ge [sflag:s19], $0x4000  }
0xcf: {  	[sflag:s19] =	ssyncset.done $0x0  }
0xd0: {  	[sflag:s19] =	ssyncadd.s32 $0xFFFFC000  }
0xd1: {  	_ =	swait.ge [sflag:s20], $0x4000  }
0xd2: {  	[sflag:s20] =	ssyncset.done $0x0  }
0xd3: {  	[sflag:s20] =	ssyncadd.s32 $0xFFFFC000  }
0xd4: {  	[spmem:s3] =	stream.indirect.scatter.add.f32 [tilespmem:s12], [sflag:$0x3], $0x80, s21, s15, $0xb8;
	[tilespmem:$0x1EA00] =	vst v63  }
0xd5: {  	_ =	swait.ge [sflag:s13], $0x4000  }
0xd6: {  	[sflag:s13] =	ssyncset.done $0x0  }
0xd7: {  	[sflag:s13] =	ssyncadd.s32 $0xFFFFC000  }
0xd8: {  	[spmem:s3] =	stream.indirect.scatter.add.f32 [tilespmem:s18], [sflag:$0x3], $0x80, s22, s15, $0xb8;
	[tilespmem:$0x1EA00] =	vst v63  }
0xd9: {  	_ =	swait.ge [sflag:s13], $0x4000  }
0xda: {  	s24 =	sshll.u32 s0, $0x6;
	s4 =	sadd.s32 $0x1, s4;
	[sflag:s13] =	ssyncset.done $0x0  }
0xdb: {  	s25 =	sshrl.u32 s5, $0x3;
	p0 =	sne.s32 s4, s11;
	[sflag:s13] =	ssyncadd.s32 $0xFFFFC000  }
.Ltmp2:
0xdc: {  	s24 =	sor.u32 $0x1C03, s24;
	[bflag:$0x0] =	sbarrier.arrive $0xFFFF;
	(pc) =	sbr.rel @p0 .LBB2_1-.Ltmp2, $4  }
0xdd: {  	[hbm:s23], [sflag:s24] =	dma.local [spmem:s25], $0x2800  }
0xde: {  	_ =	swait.ge [sflag:s13], $0x2800  }
0xdf: {  	[sflag:s13] =	ssyncset.done $0x0  }
0xe0: {  	[sflag:s13] =	ssyncadd.s32 $0xFFFFD800  }
0xe1: {  	_ =	sfence.sel $0x180000  }
0xe2: {  	[bflag:$0x0] =	sbarrier.arrive $0xFFFF  }
0xe3: {  	p0 =	sne.s32 s0, $0x0;
	_ =	strace $0x9000004D  }
0xe4: {  	s0 =	sadd.s32 @!p0 $0x100000, s2;
	[bflag:$0x2] =	sbarrier.arrive $0xFFFF  }
0xe5: {  	[sflag:s0] =	ssyncadd.tile.s32 @!p0 $0x1;
	_ =	shalt  }
.Lfunc_end2:
_tile_overlayer_lowered:
.L_overlay_start_2:
0xe6: {  	(tag) =	ssettag $0x2  }
0xe7: {  	s0 =	rddreg [dreg:$0x0];
	s2 =	stileid.u32  }
0xe8: {  	s1 =	rddreg [dreg:$0x1];
	p0 =	sne.s32 s2, $0x0  }
0xe9: {  	s3 =	rddreg [dreg:$0x2];
	[bflag:$0x3] =	sbarrier.arrive $0xFFFF;
	s2 =	simm.s32 @!p0 $0x1C03  }
0xea: {  	[timem:s3], [sflag:s2] =	dma.local @!p0 [hbm:s0], s1  }
0xeb: {  	s0 =	simm.s32 @!p0 $0x3  }
0xec: {  	_ =	swait.ge @!p0 [sflag:s0], s1  }
0xed: {  	s1 =	ssub.s32 @!p0 $0x0, s1;
	[sflag:s0] =	ssyncset.done @!p0 $0x0  }
0xee: {  	[sflag:s0] =	ssyncadd.s32 @!p0 s1  }
0xef: {  	[bflag:$0x3] =	sbarrier.arrive $0xFFFF  }
0xf0: {  	_ =	shalt  }

// kernel: kernel.8.cloned.1.call-start
scs
__scs_entry_jumppad:
0x0: {  	(pc) =	sbr.rel $0x88, $3  }
0x1: {  	(tag) =	ssettag $0x0;
	lr =	simm.s32 $0x1  }
0x2: {  	[smem:$0x3F9B] =	sst lr;
	_ =	strace $0xD0000000  }
0x3: {  	_ = 	snop  }
0x4: {  	_ = 	snop  }
0x5: {  	_ = 	snop  }
0x6: {  	_ = 	snop  }
0x7: {  	_ = 	snop  }
__scs_overlays_trampoline_lowered:
0x8: {  	[smem:$0x3FAA] =	sst s0  }
0x9: {  	[smem:$0x3FAB] =	sst s1  }
0xa: {  	[smem:$0x3FAC] =	sst s2  }
0xb: {  	[smem:$0x3FAD] =	sst s3  }
0xc: {  	[smem:$0x3FAE] =	sst s4  }
0xd: {  	[smem:$0x3FAF] =	sst s5  }
0xe: {  	[smem:$0x3FB0] =	sst s6  }
0xf: {  	[smem:$0x3FB1] =	sst s7  }
0x10: {  	[smem:$0x3FB2] =	sst s8  }
0x11: {  	[smem:$0x3FB3] =	sst s9;
	s0 =	simm.s32 @!p0 $0x0  }
0x12: {  	s1 =	sld [smem:$0x3F99];
	s0 =	simm.s32 @p0 $0x1  }
0x13: {  	[smem:$0x3FB4] =	sst s0;
	s0 =	simm.s32 @!p1 $0x0  }
0x14: {  	s2 =	sld [smem:$0x3F98];
	s0 =	simm.s32 @p1 $0x1  }
0x15: {  	[smem:$0x3FB5] =	sst s0;
	s0 =	simm.s32 @!p2 $0x0  }
0x16: {  	s3 =	sld [smem:$0x3FDB];
	s0 =	simm.s32 @p2 $0x1  }
0x17: {  	s4 =	simm.s32 $0x1BF5;
	[smem:$0x3FB7] =	sst s0  }
0x18: {  	s0 =	sld [smem:$0x3F9A];
	_ =	swait.ge [sflag:s4], $0x0  }
0x19: {  	s7 =	sld [smem:$0x3F9B]  }
0x1a: {  	s8 =	sadd.s32 $0xFFFFE003, lr  }
0x1b: {  	s9 =	sadd.s32 $0xFFFFFEF7, lr;
	s5 =	simm.s32 $0xFFFFFFFF;
	p2 =	slt.u32 s8, $0xFFFFF086  }
0x1c: {  	p1 =	slt.u32 s9, $0xF7A;
	s5 =	simm.s32 @!p2 $0x0  }
0x1d: {  	s5 =	simm.s32 @p1 $0x1;
	p0 =	seq.s32 s7, s2  }
0x1e: {  	s7 =	smul.u32 @!p0 $0xF7A, s2;
	p2 =	seq.s32 @!p0 s5, $0x0  }
0x1f: {  	s9 =	smul.u32 $0xF7A, s1;
	s8 =	simm.s32 @!p0 $0x1BF5;
	p2 =	por !p2, p0  }
0x20: {  	[sflag:s8] =	ssyncset.s32 @!p0 $0xFFFFF086;
	s6 =	sadd.s32 @!p0 s3, s7;
	s7 =	simm.s32 @!p0 $0x108  }
0x21: {  	s3 =	sadd.s32 s3, s9;
	s6 =	sadd.s32 @!p0 $0x88, s6;
	s7 =	simm.s32 @p2 $0x1082  }
0x22: {  	[simem:s7], [sflag:s8] =	dma.local @!p0 [hbm:s6], $0xF7A  }
0x23: {  	s9 =	sor.u32 $0xD0000000, s2;
	s6 =	simm.s32 $0x108;
	_ =	swait.ge @!p0 [sflag:s8], $0x0  }
0x24: {  	s3 =	sadd.s32 $0x88, s3;
	s6 =	simm.s32 @!p1 $0x1082;
	[sflag:s4] =	ssyncset.s32 $0xFFFFF086  }
0x25: {  	[simem:s6], [sflag:s4] =	dma.local [hbm:s3], $0xF7A  }
0x26: {  	[smem:$0x3F9B] =	sst s1;
	(tag) =	ssettag s2;
	_ =	strace s9  }
0x27: {  	s1 =	sld [smem:$0x3FAB]  }
0x28: {  	s2 =	sld [smem:$0x3FAC]  }
0x29: {  	s4 =	sld [smem:$0x3FAE]  }
0x2a: {  	p0 =	seq.s32 s5, $0x0;
	s5 =	sld [smem:$0x3FAF]  }
0x2b: {  	s6 =	sld [smem:$0x3FB0]  }
0x2c: {  	s7 =	sld [smem:$0x3FB1]  }
0x2d: {  	s3 =	simm.s32 $0x108;
	s8 =	sld [smem:$0x3FB2]  }
0x2e: {  	s3 =	simm.s32 @!p0 $0x1082;
	s9 =	sld [smem:$0x3FB3]  }
0x2f: {  	lr =	sadd.s32 s0, s3;
	s0 =	sld [smem:$0x3FAA]  }
0x30: {  	s3 =	sld [smem:$0x3FAD]  }
0x31: {  	[smem:$0x3FB6] =	sst s10  }
0x32: {  	s10 =	sld [smem:$0x3FB4];
	_ =	sdelay $0x3  }
0x33: {  	p0 =	seq.s32 s10, $0x1;
	s10 =	sld [smem:$0x3FB6];
	_ =	sdelay $0x3  }
0x34: {  	[smem:$0x3FB6] =	sst s10  }
0x35: {  	s10 =	sld [smem:$0x3FB5];
	_ =	sdelay $0x3  }
0x36: {  	p1 =	seq.s32 s10, $0x1;
	s10 =	sld [smem:$0x3FB6];
	_ =	sdelay $0x3  }
0x37: {  	[smem:$0x3FB6] =	sst s10  }
0x38: {  	s10 =	sld [smem:$0x3FB7]  }
0x39: {  	_ = 	snop;
	(pc) =	sbr.ind lr, $3  }
0x3a: {  	_ = 	snop  }
0x3b: {  	_ = 	snop  }
0x3c: {  	p2 =	seq.s32 s10, $0x1;
	s10 =	sld [smem:$0x3FB6]  }
0x3d: {  	_ =	shalt  }
0x3e: {  	_ =	shalt  }
0x3f: {  	_ =	shalt  }
0x40: {  	_ =	shalt  }
0x41: {  	_ =	shalt  }
0x42: {  	_ =	shalt  }
0x43: {  	_ =	shalt  }
0x44: {  	_ =	shalt  }
0x45: {  	_ =	shalt  }
0x46: {  	_ =	shalt  }
0x47: {  	_ =	shalt  }
0x48: {  	_ =	shalt  }
0x49: {  	_ =	shalt  }
0x4a: {  	_ =	shalt  }
0x4b: {  	_ =	shalt  }
0x4c: {  	_ =	shalt  }
0x4d: {  	_ =	shalt  }
0x4e: {  	_ =	shalt  }
0x4f: {  	_ =	shalt  }
0x50: {  	_ =	shalt  }
0x51: {  	_ =	shalt  }
0x52: {  	_ =	shalt  }
0x53: {  	_ =	shalt  }
0x54: {  	_ =	shalt  }
0x55: {  	_ =	shalt  }
0x56: {  	_ =	shalt  }
0x57: {  	_ =	shalt  }
0x58: {  	_ =	shalt  }
0x59: {  	_ =	shalt  }
0x5a: {  	_ =	shalt  }
0x5b: {  	_ =	shalt  }
0x5c: {  	_ =	shalt  }
0x5d: {  	_ =	shalt  }
0x5e: {  	_ =	shalt  }
0x5f: {  	_ =	shalt  }
0x60: {  	_ =	shalt  }
0x61: {  	_ =	shalt  }
0x62: {  	_ =	shalt  }
0x63: {  	_ =	shalt  }
0x64: {  	_ =	shalt  }
0x65: {  	_ =	shalt  }
0x66: {  	_ =	shalt  }
0x67: {  	_ =	shalt  }
0x68: {  	_ =	shalt  }
0x69: {  	_ =	shalt  }
0x6a: {  	_ =	shalt  }
0x6b: {  	_ =	shalt  }
0x6c: {  	_ =	shalt  }
0x6d: {  	_ =	shalt  }
0x6e: {  	_ =	shalt  }
0x6f: {  	_ =	shalt  }
0x70: {  	_ =	shalt  }
0x71: {  	_ =	shalt  }
0x72: {  	_ =	shalt  }
0x73: {  	_ =	shalt  }
0x74: {  	_ =	shalt  }
0x75: {  	_ =	shalt  }
0x76: {  	_ =	shalt  }
0x77: {  	_ =	shalt  }
0x78: {  	_ =	shalt  }
0x79: {  	_ =	shalt  }
0x7a: {  	_ =	shalt  }
0x7b: {  	_ =	shalt  }
0x7c: {  	_ =	shalt  }
0x7d: {  	_ =	shalt  }
0x7e: {  	_ =	shalt  }
0x7f: {  	_ =	shalt  }
0x80: {  	_ =	shalt  }
0x81: {  	_ =	shalt  }
0x82: {  	_ =	shalt  }
0x83: {  	_ =	shalt  }
0x84: {  	_ =	shalt  }
0x85: {  	_ =	shalt  }
0x86: {  	_ =	shalt  }
0x87: {  	_ =	shalt  }
.Lfunc_end0:
.L_simem_size_0:
called_computation_lowered:
.L_overlay_start_0:
0x88: {  	s2 =	sld [smem:$0x3FD9]  }
0x89: {  	s3 =	sld [smem:$0x3FFE];
	_ =	sdelay $0x1  }
0x8a: {  	s1 =	srdreg.scid  }
0x8b: {  	s0 =	sand.u32 $0x1, s1  }
0x8c: {  	s17 =	sshll.u32 s0, $0xA;
	s2 =	sadd.s32 s3, s2  }
0x8d: {  	s2 =	sadd.s32 s2, s17  }
0x8e: {  	[smem:$0x3FC2] =	sst s2  }
0x8f: {  	_ = 	snop  }
0x90: {  	s2 =	sld [smem:$0x3FD0];
	(tm) =	ssettm $0x1  }
0x91: {  	s18 =	sld [smem:$0x3FFB];
	_ =	sdelay $0x3  }
0x92: {  	_ =	strace s18  }
0x93: {  	s3 =	sld [smem:$0x3FFC];
	_ =	sdelay $0x3  }
0x94: {  	_ =	strace s3  }
0x95: {  	s3 =	sld [smem:$0x3FFD];
	_ =	sdelay $0x3  }
0x96: {  	_ =	strace s3  }
0x97: {  	_ =	strace $0x8FFFFFFF  }
0x98: {  	s19 =	sld [smem:$0x3FDB];
	_ =	sdelay $0x1  }
0x99: {  	s4 =	simm.s32 $_scs_section_size  }
0x9a: {  	s5 =	simm.s32 $_size__tile_overlayer_lowered;
	s6 =	simm.s32 $_tile_overlayer_lowered  }
0x9b: {  	s22 =	simm.s32 $0x1BFF;
	s21 =	sshll.u32 s6, $0x1;
	s3 =	sadd.s32 s4, s19  }
0x9c: {  	s7 =	simm.s32 $0x0;
	s20 =	sshll.u32 s5, $0x1;
	s5 =	sadd.s32 s21, s3  }
0x9d: {  	[timem:s7], [sflag:s22] =	dma.local [hbm:s5], s20  }
0x9e: {  	_ =	swait.ge [sflag:s22], s20  }
0x9f: {  	s4 =	ssub.s32 $0x0, s20;
	[sflag:s22] =	ssyncset.done $0x0  }
0xa0: {  	[sflag:s22] =	ssyncadd.s32 s4;
	_ =	sdelay $0x1  }
0xa1: {  	s23 =	simm.s32 $0x1B8B  }
0xa2: {  	_ =	swait.ge [sflag:s23], $0x1  }
0xa3: {  	[sflag:s23] =	ssyncset.done $0x0  }
0xa4: {  	s25 =	simm.s32 $0x1B8E;
	s24 =	sld [smem:$0x3FFE];
	[sflag:s23] =	ssyncadd.s32 $0xFFFFFFFF  }
0xa5: {  	s26 =	simm.s32 $execute0_lowered;
	[smem:$0x3FD2] =	sst s25  }
0xa6: {  	s5 =	sshll.u32 s26, $0x1;
	_ =	strace $0x80000046;
	[dreg:$0x1] =	wrdreg $0xFFFFFFFF  }
0xa7: {  	s28 =	simm.s32 $_size_execute0_lowered;
	s3 =	sadd.s32 s3, s5;
	[dreg:$0x0] =	wrdreg $0x0  }
0xa8: {  	s5 =	sshll.u32 s28, $0x1;
	[dreg:$0x2] =	wrdreg s3  }
0xa9: {  	[dreg:$0x3] =	wrdreg s5  }
0xaa: {  	[dreg:$0x4] =	wrdreg $0xC0  }
0xab: {  	_ =	task [dreg:s7], $0x5FFFF  }
0xac: {  	[dreg:$0x1] =	wrdreg $0xFFFFFFFF  }
0xad: {  	[dreg:$0x0] =	wrdreg $0x60  }
0xae: {  	[dreg:$0x2] =	wrdreg s2  }
0xaf: {  	[dreg:$0x3] =	wrdreg s24  }
0xb0: {  	[dreg:$0x4] =	wrdreg $0x0  }
0xb1: {  	[dreg:$0x5] =	wrdreg $0x9  }
0xb2: {  	_ =	task.clear_ibuf [dreg:s7], $0x6FFFF;
	_ =	strace $0x90000046  }
0xb3: {  	s29 =	simm.s32 $0x9;
	_ =	strace $0x80000048  }
0xb4: {  	_ =	swait.ge [sflag:s29], $0x1  }
0xb5: {  	[sflag:s29] =	ssyncadd.s32 $0xFFFFFFFF  }
0xb6: {  	_ =	strace $0x90000048  }
0xb7: {  	_ =	sfence  }
0xb8: {  	s30 =	sld [smem:$0x0];
	_ =	sdelay $0x2  }
0xb9: {  	s31 =	sshll.u32 s1, $0xD;
	s1 =	sshrl.u32 s1, $0x2  }
0xba: {  	s3 =	sand.u32 $0x4000, s31;
	s1 =	sadd.s32 s1, s30  }
0xbb: {  	s0 =	sor.u32 s3, s0;
	s1 =	sshll.u32 s1, $0x11  }
0xbc: {  	s0 =	sor.u32 s1, s0  }
0xbd: {  	s0 =	sadd.s32 $0x8F2B, s0  }
0xbe: {  	[sflag:s0] =	ssyncadd.remote.s32 $0x1  }
0xbf: {  	_ =	sfence.sel $0xFFFF  }
0xc0: {  	[dreg:$0x0] =	wrdreg $0xFFFFFFFF;
	(pc) =	sbr.abs _section_cstart, $3  }
0xc1: {  	[dreg:$0x1] =	wrdreg $0xFFFFFFFF  }
0xc2: {  	_ =	task.clear_ibuf [dreg:s7], $0x2FFFF;
	_ =	strace $0x9FFFFFFF  }
0xc3: {  	(tm) =	ssettm $0x7FFFFFFF  }
tec
execute0_lowered:
.L_overlay_start_1:
0x0: {  	(tag) =	ssettag $0x1  }
0x1: {  	s11 =	rddreg [dreg:$0x0]  }
0x2: {  	s4 =	rddreg [dreg:$0x1]  }
0x3: {  	s2 =	rddreg [dreg:$0x2]  }
0x4: {  	s0 =	rddreg [dreg:$0x3]  }
0x5: {  	s5 =	srdreg.scid;
	s1 =	stileid.u32  }
0x6: {  	s3 =	simm.s32 $0x0;
	s16 =	simm.s32 $0x2800;
	s17 =	simm.s32 $0x50  }
0x7: {  	s18 =	simm.s32 $0x2880;
	s19 =	simm.s32 $0x2900;
	s20 =	simm.s32 $0x2980  }
0x8: {  	s21 =	simm.s32 $0x2A00;
	s22 =	simm.s32 $0x2A80;
	s23 =	simm.s32 $0x2B00  }
0x9: {  	s26 =	simm.s32 $0x0;
	s12 =	sand.u32 $0x1, s5;
	s31 =	smul.u32 $0x50000, s1  }
0xa: {  	[smem:$0x7FF] =	sst s3;
	s15 =	sshll.u32 s1, $0xB;
	s25 =	smul.u32 $0x2800, s1  }
0xb: {  	s6 =	smul.u32 $0x28000, s12;
	s7 =	ssub.s32 $0x2, s12;
	_ =	strace $0x80000047  }
0xc: {  	s12 =	sshll.u32 s12, $0xF;
	s15 =	sadd.s32 s11, s15;
	s8 =	sshrl.u32 s7, $0x1  }
0xd: {  	s5 =	sshrl.u32 s31, $0x2;
	s12 =	sadd.s32 s12, s15;
	s15 =	simm.s32 $0x1  }
0xe: {  	s13 =	sadd.s32 s6, s4;
	s14 =	ssub.s32 s7, s8;
	s4 =	sadd.s32 s5, s2  }
0xf: {  	s5 =	sadd.s32 $0x2800, s4;
	s6 =	sadd.s32 $0x5000, s4;
	s7 =	sadd.s32 $0x7800, s4  }
0x10: {  	s8 =	sadd.s32 $0xA000, s4;
	s9 =	sadd.s32 $0xC800, s4;
	s10 =	sadd.s32 $0xF000, s4  }
0x11: {  	s11 =	sadd.s32 $0x11800, s4;
	s24 =	sadd.s32 $0xD600, s13;
	s13 =	smax.u32 s14, $0x1  }
0x12: {  	v0 =	vimm.f32 $0.0e+00;
	v1 =	vimm.f32 $1.000000000e+00;
	s14 =	simm.s32 $0x2C00;
	s24 =	sadd.s32 s25, s24;
	s25 =	simm.s32 $0x2B80  }
.LBB2_1:
0x13: {  	s28 =	simm.s32 $0x200;
	s29 =	simm.s32 $0x0  }
.LBB2_2:
0x14: {  	p0 =	sne.s32 s28, $0x9E00;
	[tilespmem:s29+$0x2C00] =	vst v0;
	s29 =	smov.u32 s28;
	s28 =	sadd.s32 $0x200, s28  }
.Ltmp0:
0x15: {  	(pc) =	sbr.rel @p0 .LBB2_2-.Ltmp0, $2  }
0x16: {  	_ =	sdelay $0x2  }
0x17: {  	s29 =	sshra.s32 s29, $0x2  }
0x18: {  	[tilespmem:s29+$0x2C00] =	vst v0  }
0x19: {  	[spmem:s4] =	stream.linear.scatter [tilespmem:s14], [sflag:$0x1], $0x2800, $0x38;
	[tilespmem:$0x5400] =	vst v63  }
0x1a: {  	_ =	swait.ge [sflag:s15], $0x2800  }
0x1b: {  	[sflag:s15] =	ssyncset.done $0x0  }
0x1c: {  	[sflag:s15] =	ssyncadd.s32 $0xFFFFD800  }
0x1d: {  	[spmem:s5] =	stream.linear.scatter [tilespmem:s14], [sflag:$0x1], $0x2800, $0x38;
	[tilespmem:$0x5400] =	vst v63  }
0x1e: {  	_ =	swait.ge [sflag:s15], $0x2800  }
0x1f: {  	[sflag:s15] =	ssyncset.done $0x0  }
0x20: {  	[sflag:s15] =	ssyncadd.s32 $0xFFFFD800  }
0x21: {  	[spmem:s6] =	stream.linear.scatter [tilespmem:s14], [sflag:$0x1], $0x2800, $0x38;
	[tilespmem:$0x5400] =	vst v63  }
0x22: {  	_ =	swait.ge [sflag:s15], $0x2800  }
0x23: {  	[sflag:s15] =	ssyncset.done $0x0  }
0x24: {  	[sflag:s15] =	ssyncadd.s32 $0xFFFFD800  }
0x25: {  	[spmem:s7] =	stream.linear.scatter [tilespmem:s14], [sflag:$0x1], $0x2800, $0x38;
	[tilespmem:$0x5400] =	vst v63  }
0x26: {  	_ =	swait.ge [sflag:s15], $0x2800  }
0x27: {  	[sflag:s15] =	ssyncset.done $0x0  }
0x28: {  	[sflag:s15] =	ssyncadd.s32 $0xFFFFD800  }
0x29: {  	[spmem:s8] =	stream.linear.scatter [tilespmem:s14], [sflag:$0x1], $0x2800, $0x38;
	[tilespmem:$0x5400] =	vst v63  }
0x2a: {  	_ =	swait.ge [sflag:s15], $0x2800  }
0x2b: {  	[sflag:s15] =	ssyncset.done $0x0  }
0x2c: {  	[sflag:s15] =	ssyncadd.s32 $0xFFFFD800  }
0x2d: {  	[spmem:s9] =	stream.linear.scatter [tilespmem:s14], [sflag:$0x1], $0x2800, $0x38;
	[tilespmem:$0x5400] =	vst v63  }
0x2e: {  	_ =	swait.ge [sflag:s15], $0x2800  }
0x2f: {  	[sflag:s15] =	ssyncset.done $0x0  }
0x30: {  	[sflag:s15] =	ssyncadd.s32 $0xFFFFD800  }
0x31: {  	[spmem:s10] =	stream.linear.scatter [tilespmem:s14], [sflag:$0x1], $0x2800, $0x38;
	[tilespmem:$0x5400] =	vst v63  }
0x32: {  	_ =	swait.ge [sflag:s15], $0x2800  }
0x33: {  	[sflag:s15] =	ssyncset.done $0x0  }
0x34: {  	[sflag:s15] =	ssyncadd.s32 $0xFFFFD800  }
0x35: {  	[spmem:s11] =	stream.linear.scatter [tilespmem:s14], [sflag:$0x1], $0x2800, $0x38;
	[tilespmem:$0x5400] =	vst v63  }
0x36: {  	_ =	swait.ge [sflag:s15], $0x2800  }
0x37: {  	[sflag:s15] =	ssyncset.done $0x0  }
0x38: {  	s28 =	simm.s32 $0x200;
	s29 =	simm.s32 $0x0;
	[sflag:s15] =	ssyncadd.s32 $0xFFFFD800  }
.LBB2_4:
0x39: {  	p0 =	sne.s32 s28, $0x9E00;
	[tilespmem:s29+$0x2C00] =	vst v1;
	s29 =	smov.u32 s28;
	s28 =	sadd.s32 $0x200, s28  }
.Ltmp1:
0x3a: {  	(pc) =	sbr.rel @p0 .LBB2_4-.Ltmp1, $2  }
0x3b: {  	_ =	sdelay $0x2  }
0x3c: {  	s29 =	sshra.s32 s29, $0x2  }
0x3d: {  	[tilespmem:s29+$0x2C00] =	vst v1  }
0x3e: {  	s28 =	sadd.s32 $0x0, s12;
	[bflag:$0x0] =	sbarrier.arrive $0xFFFF  }
0x3f: {  	[tilespmem:s16], [sflag:$0x1] =	stream.linear.gather [hbm4b:s28+s3], $0x400, $0x38;
	[tilespmem:$0x5400] =	vst v63  }
0x40: {  	_ =	swait.ge [sflag:s15], $0x400  }
0x41: {  	[sflag:s15] =	ssyncset.done $0x0  }
0x42: {  	[sflag:s15] =	ssyncadd.s32 $0xFFFFFC00  }
0x43: {  	[spmem:s2] =	stream.indirect.scatter.add.f32 [tilespmem:s14], [sflag:$0x1], $0x10, s16, s17, $0xb8;
	[tilespmem:$0x5400] =	vst v63  }
0x44: {  	_ =	swait.ge [sflag:s15], $0x500  }
0x45: {  	[sflag:s15] =	ssyncset.done $0x0  }
0x46: {  	[sflag:s15] =	ssyncadd.s32 $0xFFFFFB00  }
0x47: {  	[spmem:s2] =	stream.indirect.scatter.add.f32 [tilespmem:s14], [sflag:$0x1], $0x10, s18, s17, $0xb8;
	[tilespmem:$0x5400] =	vst v63  }
0x48: {  	_ =	swait.ge [sflag:s15], $0x500  }
0x49: {  	[sflag:s15] =	ssyncset.done $0x0  }
0x4a: {  	[sflag:s15] =	ssyncadd.s32 $0xFFFFFB00  }
0x4b: {  	[spmem:s2] =	stream.indirect.scatter.add.f32 [tilespmem:s14], [sflag:$0x1], $0x10, s19, s17, $0xb8;
	[tilespmem:$0x5400] =	vst v63  }
0x4c: {  	_ =	swait.ge [sflag:s15], $0x500  }
0x4d: {  	[sflag:s15] =	ssyncset.done $0x0  }
0x4e: {  	[sflag:s15] =	ssyncadd.s32 $0xFFFFFB00  }
0x4f: {  	[spmem:s2] =	stream.indirect.scatter.add.f32 [tilespmem:s14], [sflag:$0x1], $0x10, s20, s17, $0xb8;
	[tilespmem:$0x5400] =	vst v63  }
0x50: {  	_ =	swait.ge [sflag:s15], $0x500  }
0x51: {  	[sflag:s15] =	ssyncset.done $0x0  }
0x52: {  	[sflag:s15] =	ssyncadd.s32 $0xFFFFFB00  }
0x53: {  	[spmem:s2] =	stream.indirect.scatter.add.f32 [tilespmem:s14], [sflag:$0x1], $0x10, s21, s17, $0xb8;
	[tilespmem:$0x5400] =	vst v63  }
0x54: {  	_ =	swait.ge [sflag:s15], $0x500  }
0x55: {  	[sflag:s15] =	ssyncset.done $0x0  }
0x56: {  	[sflag:s15] =	ssyncadd.s32 $0xFFFFFB00  }
0x57: {  	[spmem:s2] =	stream.indirect.scatter.add.f32 [tilespmem:s14], [sflag:$0x1], $0x10, s22, s17, $0xb8;
	[tilespmem:$0x5400] =	vst v63  }
0x58: {  	_ =	swait.ge [sflag:s15], $0x500  }
0x59: {  	[sflag:s15] =	ssyncset.done $0x0  }
0x5a: {  	[sflag:s15] =	ssyncadd.s32 $0xFFFFFB00  }
0x5b: {  	[spmem:s2] =	stream.indirect.scatter.add.f32 [tilespmem:s14], [sflag:$0x1], $0x10, s23, s17, $0xb8;
	[tilespmem:$0x5400] =	vst v63  }
0x5c: {  	_ =	swait.ge [sflag:s15], $0x500  }
0x5d: {  	[sflag:s15] =	ssyncset.done $0x0  }
0x5e: {  	[sflag:s15] =	ssyncadd.s32 $0xFFFFFB00  }
0x5f: {  	[spmem:s2] =	stream.indirect.scatter.add.f32 [tilespmem:s14], [sflag:$0x1], $0x10, s25, s17, $0xb8;
	[tilespmem:$0x5400] =	vst v63  }
0x60: {  	_ =	swait.ge [sflag:s15], $0x500  }
0x61: {  	s30 =	simm.s32 $0x100;
	s28 =	simm.s32 $0x80;
	[sflag:s15] =	ssyncset.done $0x0  }
.LBB2_6:
0x62: {  	s31 =	sadd.s32 s28, s12  }
0x63: {  	[sflag:s15] =	ssyncadd.s32 $0xFFFFFB00;
	s28 =	smov.u32 s30;
	s29 =	sadd.s32 $0x80, s30  }
0x64: {  	[tilespmem:s16], [sflag:$0x1] =	stream.linear.gather [hbm4b:s31+s3], $0x400, $0x38;
	[tilespmem:$0x5400] =	vst v63  }
0x65: {  	p0 =	sne.s32 s30, $0x780;
	_ =	swait.ge [sflag:s15], $0x400  }
0x66: {  	[sflag:s15] =	ssyncset.done $0x0  }
0x67: {  	[sflag:s15] =	ssyncadd.s32 $0xFFFFFC00  }
0x68: {  	[spmem:s2] =	stream.indirect.scatter.add.f32 [tilespmem:s14], [sflag:$0x1], $0x10, s16, s17, $0xb8;
	[tilespmem:$0x5400] =	vst v63  }
0x69: {  	_ =	swait.ge [sflag:s15], $0x500  }
0x6a: {  	[sflag:s15] =	ssyncset.done $0x0  }
0x6b: {  	[sflag:s15] =	ssyncadd.s32 $0xFFFFFB00  }
0x6c: {  	[spmem:s2] =	stream.indirect.scatter.add.f32 [tilespmem:s14], [sflag:$0x1], $0x10, s18, s17, $0xb8;
	[tilespmem:$0x5400] =	vst v63  }
0x6d: {  	_ =	swait.ge [sflag:s15], $0x500  }
0x6e: {  	[sflag:s15] =	ssyncset.done $0x0  }
0x6f: {  	[sflag:s15] =	ssyncadd.s32 $0xFFFFFB00  }
0x70: {  	[spmem:s2] =	stream.indirect.scatter.add.f32 [tilespmem:s14], [sflag:$0x1], $0x10, s19, s17, $0xb8;
	[tilespmem:$0x5400] =	vst v63  }
0x71: {  	_ =	swait.ge [sflag:s15], $0x500  }
0x72: {  	[sflag:s15] =	ssyncset.done $0x0  }
0x73: {  	[sflag:s15] =	ssyncadd.s32 $0xFFFFFB00  }
0x74: {  	[spmem:s2] =	stream.indirect.scatter.add.f32 [tilespmem:s14], [sflag:$0x1], $0x10, s20, s17, $0xb8;
	[tilespmem:$0x5400] =	vst v63  }
0x75: {  	_ =	swait.ge [sflag:s15], $0x500  }
0x76: {  	[sflag:s15] =	ssyncset.done $0x0  }
0x77: {  	[sflag:s15] =	ssyncadd.s32 $0xFFFFFB00  }
0x78: {  	[spmem:s2] =	stream.indirect.scatter.add.f32 [tilespmem:s14], [sflag:$0x1], $0x10, s21, s17, $0xb8;
	[tilespmem:$0x5400] =	vst v63  }
0x79: {  	_ =	swait.ge [sflag:s15], $0x500  }
0x7a: {  	[sflag:s15] =	ssyncset.done $0x0  }
0x7b: {  	[sflag:s15] =	ssyncadd.s32 $0xFFFFFB00  }
0x7c: {  	[spmem:s2] =	stream.indirect.scatter.add.f32 [tilespmem:s14], [sflag:$0x1], $0x10, s22, s17, $0xb8;
	[tilespmem:$0x5400] =	vst v63  }
0x7d: {  	_ =	swait.ge [sflag:s15], $0x500  }
0x7e: {  	[sflag:s15] =	ssyncset.done $0x0  }
0x7f: {  	[sflag:s15] =	ssyncadd.s32 $0xFFFFFB00  }
0x80: {  	[spmem:s2] =	stream.indirect.scatter.add.f32 [tilespmem:s14], [sflag:$0x1], $0x10, s23, s17, $0xb8;
	[tilespmem:$0x5400] =	vst v63  }
0x81: {  	_ =	swait.ge [sflag:s15], $0x500  }
.Ltmp2:
0x82: {  	[sflag:s15] =	ssyncset.done $0x0;
	(pc) =	sbr.rel @p0 .LBB2_6-.Ltmp2, $4  }
0x83: {  	[sflag:s15] =	ssyncadd.s32 $0xFFFFFB00  }
0x84: {  	[spmem:s2] =	stream.indirect.scatter.add.f32 [tilespmem:s14], [sflag:$0x1], $0x10, s25, s17, $0xb8;
	[tilespmem:$0x5400] =	vst v63  }
0x85: {  	_ =	swait.ge [sflag:s15], $0x500  }
0x86: {  	s30 =	smov.u32 s29;
	[sflag:s15] =	ssyncset.done $0x0  }
0x87: {  	s28 =	sadd.s32 s28, s12;
	[sflag:s15] =	ssyncadd.s32 $0xFFFFFB00  }
0x88: {  	[tilespmem:s16], [sflag:$0x1] =	stream.linear.gather [hbm4b:s28+s3], $0x400, $0x38;
	[tilespmem:$0x5400] =	vst v63  }
0x89: {  	_ =	swait.ge [sflag:s15], $0x400  }
0x8a: {  	[sflag:s15] =	ssyncset.done $0x0  }
0x8b: {  	[sflag:s15] =	ssyncadd.s32 $0xFFFFFC00  }
0x8c: {  	[spmem:s2] =	stream.indirect.scatter.add.f32 [tilespmem:s14], [sflag:$0x1], $0x10, s16, s17, $0xb8;
	[tilespmem:$0x5400] =	vst v63  }
0x8d: {  	_ =	swait.ge [sflag:s15], $0x500  }
0x8e: {  	[sflag:s15] =	ssyncset.done $0x0  }
0x8f: {  	[sflag:s15] =	ssyncadd.s32 $0xFFFFFB00  }
0x90: {  	[spmem:s2] =	stream.indirect.scatter.add.f32 [tilespmem:s14], [sflag:$0x1], $0x10, s18, s17, $0xb8;
	[tilespmem:$0x5400] =	vst v63  }
0x91: {  	_ =	swait.ge [sflag:s15], $0x500  }
0x92: {  	[sflag:s15] =	ssyncset.done $0x0  }
0x93: {  	[sflag:s15] =	ssyncadd.s32 $0xFFFFFB00  }
0x94: {  	[spmem:s2] =	stream.indirect.scatter.add.f32 [tilespmem:s14], [sflag:$0x1], $0x10, s19, s17, $0xb8;
	[tilespmem:$0x5400] =	vst v63  }
0x95: {  	_ =	swait.ge [sflag:s15], $0x500  }
0x96: {  	[sflag:s15] =	ssyncset.done $0x0  }
0x97: {  	[sflag:s15] =	ssyncadd.s32 $0xFFFFFB00  }
0x98: {  	[spmem:s2] =	stream.indirect.scatter.add.f32 [tilespmem:s14], [sflag:$0x1], $0x10, s20, s17, $0xb8;
	[tilespmem:$0x5400] =	vst v63  }
0x99: {  	_ =	swait.ge [sflag:s15], $0x500  }
0x9a: {  	[sflag:s15] =	ssyncset.done $0x0  }
0x9b: {  	[sflag:s15] =	ssyncadd.s32 $0xFFFFFB00  }
0x9c: {  	[spmem:s2] =	stream.indirect.scatter.add.f32 [tilespmem:s14], [sflag:$0x1], $0x10, s21, s17, $0xb8;
	[tilespmem:$0x5400] =	vst v63  }
0x9d: {  	_ =	swait.ge [sflag:s15], $0x500  }
0x9e: {  	[sflag:s15] =	ssyncset.done $0x0  }
0x9f: {  	[sflag:s15] =	ssyncadd.s32 $0xFFFFFB00  }
0xa0: {  	[spmem:s2] =	stream.indirect.scatter.add.f32 [tilespmem:s14], [sflag:$0x1], $0x10, s22, s17, $0xb8;
	[tilespmem:$0x5400] =	vst v63  }
0xa1: {  	_ =	swait.ge [sflag:s15], $0x500  }
0xa2: {  	[sflag:s15] =	ssyncset.done $0x0  }
0xa3: {  	[sflag:s15] =	ssyncadd.s32 $0xFFFFFB00  }
0xa4: {  	[spmem:s2] =	stream.indirect.scatter.add.f32 [tilespmem:s14], [sflag:$0x1], $0x10, s23, s17, $0xb8;
	[tilespmem:$0x5400] =	vst v63  }
0xa5: {  	_ =	swait.ge [sflag:s15], $0x500  }
0xa6: {  	[sflag:s15] =	ssyncset.done $0x0  }
0xa7: {  	[sflag:s15] =	ssyncadd.s32 $0xFFFFFB00  }
0xa8: {  	[spmem:s2] =	stream.indirect.scatter.add.f32 [tilespmem:s14], [sflag:$0x1], $0x10, s25, s17, $0xb8;
	[tilespmem:$0x5400] =	vst v63  }
0xa9: {  	_ =	swait.ge [sflag:s15], $0x500  }
0xaa: {  	s31 =	sshll.u32 s1, $0x6;
	s26 =	sadd.s32 $0x1, s26;
	[sflag:s15] =	ssyncset.done $0x0  }
0xab: {  	s29 =	sshrl.u32 s4, $0x3;
	p0 =	sne.s32 s26, s13;
	[sflag:s15] =	ssyncadd.s32 $0xFFFFFB00  }
.Ltmp3:
0xac: {  	s28 =	sor.u32 $0x1C01, s31;
	[bflag:$0x0] =	sbarrier.arrive $0xFFFF;
	(pc) =	sbr.rel @p0 .LBB2_1-.Ltmp3, $4  }
0xad: {  	[hbm:s24], [sflag:s28] =	dma.local [spmem:s29], $0x2800  }
0xae: {  	_ =	swait.ge [sflag:s15], $0x2800  }
0xaf: {  	[sflag:s15] =	ssyncset.done $0x0  }
0xb0: {  	[sflag:s15] =	ssyncadd.s32 $0xFFFFD800  }
0xb1: {  	_ =	sfence.sel $0x180000  }
0xb2: {  	[bflag:$0x0] =	sbarrier.arrive $0xFFFF  }
0xb3: {  	p0 =	sne.s32 s1, $0x0;
	_ =	strace $0x90000047  }
0xb4: {  	s0 =	sadd.s32 @!p0 $0x100000, s0;
	[bflag:$0x2] =	sbarrier.arrive $0xFFFF  }
0xb5: {  	[sflag:s0] =	ssyncadd.tile.s32 @!p0 $0x1;
	_ =	shalt  }
.Lfunc_end2:
_tile_overlayer_lowered:
.L_overlay_start_2:
0xb6: {  	(tag) =	ssettag $0x2  }
0xb7: {  	s0 =	rddreg [dreg:$0x0];
	s2 =	stileid.u32  }
0xb8: {  	s1 =	rddreg [dreg:$0x1];
	p0 =	sne.s32 s2, $0x0  }
0xb9: {  	s3 =	rddreg [dreg:$0x2];
	[bflag:$0x3] =	sbarrier.arrive $0xFFFF;
	s2 =	simm.s32 @!p0 $0x1C01  }
0xba: {  	[timem:s3], [sflag:s2] =	dma.local @!p0 [hbm:s0], s1  }
0xbb: {  	s0 =	simm.s32 @!p0 $0x1  }
0xbc: {  	_ =	swait.ge @!p0 [sflag:s0], s1  }
0xbd: {  	s1 =	ssub.s32 @!p0 $0x0, s1;
	[sflag:s0] =	ssyncset.done @!p0 $0x0  }
0xbe: {  	[sflag:s0] =	ssyncadd.s32 @!p0 s1  }
0xbf: {  	[bflag:$0x3] =	sbarrier.arrive $0xFFFF  }
0xc0: {  	_ =	shalt  }

</sc_bundles>
